<compile_context>
chip_gen: v7x
topology: tpu7x:2x2x1
jax: 0.10.2.dev20260603
libtpu: 0.0.44.dev20260713+nightly
codegen_flags: <defaults>
</compile_context>

<pallas_src>
import functools

import jax
import jax.numpy as jnp
from jax import lax
from jax.experimental import pallas as pl
from jax.experimental.pallas import tpu as pltpu
from jax.experimental.pallas import tpu_sc as plsc

N = 10000
E = 320000
D_IN = 128
HEADS = 8
D_HEAD = 16
B = 2

LANES = 16
ROW = D_IN + LANES
N_PAD = 10112
NC = 2
NS = 16
NW = NC * NS
CHUNK = 128
E_TOT = E + N
EDGES_PER_TILE = 10368
NCHUNK = EDGES_PER_TILE // CHUNK
E_PAD = EDGES_PER_TILE * NW

BN = 1264
NB = N_PAD // BN
STRIPE = N_PAD // NS


def _proj_body(x_ref, w_ref, as_ref, ad_ref, h_ref, asrc_ref, adst_ref,
               mxs_ref, mxd_ref):
    nb = pl.program_id(1)
    h = jnp.dot(x_ref[0], w_ref[...], preferred_element_type=jnp.float32)
    h_ref[0] = h
    asrc = jnp.dot(h, as_ref[...], preferred_element_type=jnp.float32)
    adst = jnp.dot(h, ad_ref[...], preferred_element_type=jnp.float32)
    asrc_ref[0] = asrc
    adst_ref[0] = adst

    @pl.when(nb == 0)
    def _():
        mxs_ref[...] = jnp.full((1, 8, LANES), -jnp.inf, jnp.float32)
        mxd_ref[...] = jnp.full((1, 8, LANES), -jnp.inf, jnp.float32)

    mxs_ref[...] = jnp.maximum(
        mxs_ref[...], jnp.max(asrc, axis=0)[None, None, :])
    mxd_ref[...] = jnp.maximum(
        mxd_ref[...], jnp.max(adst, axis=0)[None, None, :])


def _norm_body(s0m_ref, s1m_ref, s0d_ref, s1d_ref, eexp_ref, bias_ref, out_ref):
    msg = s0m_ref[0] + s1m_ref[0]
    den = s0d_ref[0] + s1d_ref[0]
    den_exp = jnp.dot(den, eexp_ref[...], preferred_element_type=jnp.float32)
    out_ref[0] = msg / (den_exp + 1e-16) + bias_ref[...]


def _splat(vec, lane):
    idx = jnp.full((LANES,), lane, dtype=jnp.int32)
    dnums = lax.GatherDimensionNumbers(
        offset_dims=(), collapsed_slice_dims=(0,), start_index_map=(0,))
    return lax.gather(vec, idx[:, None], dnums, (1,),
                      mode=lax.GatherScatterMode.PROMISE_IN_BOUNDS)


_sc_mesh = plsc.VectorSubcoreMesh(core_axis_name="c", subcore_axis_name="s")


@functools.partial(
    pl.kernel,
    mesh=_sc_mesh,
    compiler_params=pltpu.CompilerParams(use_tc_tiling_on_sc=False),
    out_type=jax.ShapeDtypeStruct((B, NC, N_PAD, ROW), jnp.float32),
    scratch_types=[
        pltpu.VMEM((2, CHUNK), jnp.int32),
        pltpu.VMEM((2, CHUNK), jnp.int32),
        pltpu.VMEM((CHUNK, ROW), jnp.float32),
        pltpu.VMEM((CHUNK, LANES), jnp.float32),
        pltpu.VMEM((CHUNK, ROW), jnp.float32),
        pltpu.VMEM((LANES,), jnp.float32),
        pltpu.VMEM_SHARED((N_PAD, ROW), jnp.float32),
        pltpu.SemaphoreType.DMA,
        pltpu.SemaphoreType.DMA,
    ],
)
def _edge_kernel(t1_hbm, t2_hbm, isrc_hbm, idst_hbm, c_hbm, zeros_hbm,
                 sout_hbm, ibs, ibd, t1buf, t2buf, msgbuf, cbuf, s_sh,
                 sem, sem_sc):
    cid = lax.axis_index("c")
    sid = lax.axis_index("s")
    wid = sid * NC + cid

    for b in range(B):
        pltpu.sync_copy(zeros_hbm.at[pl.ds(sid * STRIPE, STRIPE)],
                        s_sh.at[pl.ds(sid * STRIPE, STRIPE)])
        pltpu.sync_copy(c_hbm.at[b], cbuf)
        plsc.subcore_barrier()
        cvec = cbuf[...]

        pltpu.sync_copy(isrc_hbm.at[wid, pl.ds(0, 1)], ibs.at[pl.ds(0, 1)])
        pltpu.sync_copy(idst_hbm.at[wid, pl.ds(0, 1)], ibd.at[pl.ds(0, 1)])
        pltpu.async_copy(t1_hbm.at[b].at[ibs.at[0]], t1buf, sem)
        pltpu.async_copy(t2_hbm.at[b].at[ibd.at[0]], t2buf, sem)

        def chunk(j, carry):
            r = j % 2
            pltpu.make_async_copy(t1_hbm.at[b].at[ibs.at[r]], t1buf, sem).wait()
            pltpu.make_async_copy(t2_hbm.at[b].at[ibd.at[r]], t2buf, sem).wait()
            @pl.when(j > 0)
            def _():
                pltpu.make_async_copy(msgbuf, s_sh.at[ibd.at[0]], sem_sc).wait()

            @plsc.parallel_loop(0, CHUNK, 1, unroll=8)
            def edge(e):
                asv = t1buf[e, pl.ds(D_IN, LANES)]
                adv = t2buf[e, :]
                al = asv + adv
                al = jnp.where(al >= 0.0, al, 0.2 * al)
                ex = jnp.exp(al - cvec)
                msgbuf[e, pl.ds(D_IN, LANES)] = ex
                for hd in range(HEADS):
                    sp = _splat(ex, hd)
                    msgbuf[e, pl.ds(hd * LANES, LANES)] = (
                        t1buf[e, pl.ds(hd * LANES, LANES)] * sp)

            pltpu.async_copy(msgbuf, s_sh.at[ibd.at[r]], sem_sc, add=True)

            @pl.when(j < NCHUNK - 1)
            def _():
                nr = (j + 1) % 2
                pltpu.sync_copy(isrc_hbm.at[wid, pl.ds(j + 1, 1)],
                                ibs.at[pl.ds(nr, 1)])
                pltpu.sync_copy(idst_hbm.at[wid, pl.ds(j + 1, 1)],
                                ibd.at[pl.ds(nr, 1)])
                pltpu.async_copy(t1_hbm.at[b].at[ibs.at[nr]], t1buf, sem)
                pltpu.async_copy(t2_hbm.at[b].at[ibd.at[nr]], t2buf, sem)

            return carry

        lax.fori_loop(0, NCHUNK, chunk, 0)
        pltpu.make_async_copy(msgbuf, s_sh.at[ibd.at[0]], sem_sc).wait()
        plsc.subcore_barrier()
        pltpu.sync_copy(
            s_sh.at[pl.ds(sid * STRIPE, STRIPE)],
            sout_hbm.at[b, cid, pl.ds(sid * STRIPE, STRIPE)])


def kernel(x, edge_index, W, att_src, att_dst, bias):
    f32 = jnp.float32
    x_pad = jnp.pad(x, ((0, 0), (0, N_PAD - N), (0, 0)))

    eye = jnp.eye(HEADS, dtype=f32)
    As = (eye[:, None, :] * att_src[:, :, None]).reshape(HEADS * D_HEAD, HEADS)
    As = jnp.pad(As, ((0, 0), (0, LANES - HEADS)))
    Ad = (eye[:, None, :] * att_dst[:, :, None]).reshape(HEADS * D_HEAD, HEADS)
    Ad = jnp.pad(Ad, ((0, 0), (0, LANES - HEADS)))

    h, asrc, adst, mxs, mxd = pl.pallas_call(
        _proj_body,
        grid=(B, NB),
        in_specs=[
            pl.BlockSpec((1, BN, D_IN), lambda b, nb: (b, nb, 0)),
            pl.BlockSpec((D_IN, D_IN), lambda b, nb: (0, 0)),
            pl.BlockSpec((D_IN, LANES), lambda b, nb: (0, 0)),
            pl.BlockSpec((D_IN, LANES), lambda b, nb: (0, 0)),
        ],
        out_specs=[
            pl.BlockSpec((1, BN, D_IN), lambda b, nb: (b, nb, 0)),
            pl.BlockSpec((1, BN, LANES), lambda b, nb: (b, nb, 0)),
            pl.BlockSpec((1, BN, LANES), lambda b, nb: (b, nb, 0)),
            pl.BlockSpec((1, 8, LANES), lambda b, nb: (b, 0, 0)),
            pl.BlockSpec((1, 8, LANES), lambda b, nb: (b, 0, 0)),
        ],
        out_shape=[
            jax.ShapeDtypeStruct((B, N_PAD, D_IN), f32),
            jax.ShapeDtypeStruct((B, N_PAD, LANES), f32),
            jax.ShapeDtypeStruct((B, N_PAD, LANES), f32),
            jax.ShapeDtypeStruct((B, 8, LANES), f32),
            jax.ShapeDtypeStruct((B, 8, LANES), f32),
        ],
    )(x_pad, W, As, Ad)

    cv = mxs[:, 0, :] + mxd[:, 0, :]
    cv = jnp.where(cv >= 0.0, cv, 0.2 * cv)

    t1 = jnp.concatenate([h, asrc], axis=-1)
    t2 = adst

    sl = jnp.arange(N, dtype=jnp.int32)
    pad = jnp.full((E_PAD - E_TOT,), N, jnp.int32)
    src = jnp.concatenate([edge_index[0], sl, pad]).reshape(NW, NCHUNK, CHUNK)
    dst = jnp.concatenate([edge_index[1], sl, pad]).reshape(NW, NCHUNK, CHUNK)
    zeros = jnp.zeros((N_PAD, ROW), f32)

    sout = _edge_kernel(t1, t2, src, dst, cv, zeros)

    e8 = jnp.repeat(jnp.eye(HEADS, dtype=f32), D_HEAD, axis=1)
    eexp = jnp.concatenate([e8, jnp.zeros((LANES - HEADS, D_IN), f32)])

    out = pl.pallas_call(
        _norm_body,
        grid=(B, NB),
        in_specs=[
            pl.BlockSpec((1, BN, D_IN), lambda b, nb: (b, nb, 0)),
            pl.BlockSpec((1, BN, D_IN), lambda b, nb: (b, nb, 0)),
            pl.BlockSpec((1, BN, LANES), lambda b, nb: (b, nb, 0)),
            pl.BlockSpec((1, BN, LANES), lambda b, nb: (b, nb, 0)),
            pl.BlockSpec((LANES, D_IN), lambda b, nb: (0, 0)),
            pl.BlockSpec((1, D_IN), lambda b, nb: (0, 0)),
        ],
        out_specs=pl.BlockSpec((1, BN, D_IN), lambda b, nb: (b, nb, 0)),
        out_shape=jax.ShapeDtypeStruct((B, N_PAD, D_IN), f32),
    )(sout[:, 0, :, :D_IN], sout[:, 1, :, :D_IN],
      sout[:, 0, :, D_IN:], sout[:, 1, :, D_IN:],
      eexp, bias.reshape(1, D_IN))

    return out[:, :N, :]

# --- scband reference (transcript-rebuilt; emitter-appended) ---
"""Pipeline reference for scband-gnnlayer-2121713845031 (READ-ONLY COPY).

The authoritative reference and input builder live on the scoring server;
editing this copy changes nothing except your own understanding.
"""

import jax, jax.numpy as jnp
import numpy as np

N = 10000
E = 320000
D_IN = 128
HEADS = 8
D_HEAD = 16  # out_channels // n_heads = 128 // 8
B = 2


def setup_inputs(seed: int = 0) -> dict:
    key = jax.random.key(seed)
    ks = jax.random.split(key, 6)
    x = jax.random.normal(ks[0], (B, N, D_IN), dtype=jnp.float32)
    edge_index = jax.random.randint(ks[1], (2, E), 0, N, dtype=jnp.int32)
    # GATConv parameters: lin (no bias), att_src, att_dst, output bias
    W = jax.random.normal(ks[2], (D_IN, HEADS * D_HEAD), dtype=jnp.float32) * 0.1
    att_src = jax.random.normal(ks[3], (HEADS, D_HEAD), dtype=jnp.float32) * 0.1
    att_dst = jax.random.normal(ks[4], (HEADS, D_HEAD), dtype=jnp.float32) * 0.1
    bias = jnp.zeros((HEADS * D_HEAD,), dtype=jnp.float32)
    return {"x": x, "edge_index": edge_index, "W": W, "att_src": att_src, "att_dst": att_dst, "bias": bias}


def _gat_single(xg, src, dst, W, att_src, att_dst, bias):
    # linear projection -> [N, H, D_HEAD]
    h = (xg @ W).reshape(N, HEADS, D_HEAD)
    a_src = (h * att_src[None, :, :]).sum(-1)  # [N, H]
    a_dst = (h * att_dst[None, :, :]).sum(-1)  # [N, H]
    alpha = a_src[src] + a_dst[dst]            # [E', H]
    alpha = jax.nn.leaky_relu(alpha, negative_slope=0.2)
    # softmax over incoming edges grouped by destination node
    amax = jax.ops.segment_max(alpha, dst, num_segments=N)
    amax = jnp.where(jnp.isfinite(amax), amax, 0.0)
    ex = jnp.exp(alpha - amax[dst])
    denom = jax.ops.segment_sum(ex, dst, num_segments=N)
    coef = ex / (denom[dst] + 1e-16)           # [E', H]
    msg = h[src] * coef[:, :, None]            # [E', H, D_HEAD]
    out = jax.ops.segment_sum(msg, dst, num_segments=N)  # [N, H, D_HEAD]
    return out.reshape(N, HEADS * D_HEAD) + bias


def reference(x, edge_index, W, att_src, att_dst, bias):
    # GATConv default add_self_loops=True
    self_loops = jnp.arange(N, dtype=edge_index.dtype)
    src = jnp.concatenate([edge_index[0], self_loops])
    dst = jnp.concatenate([edge_index[1], self_loops])
    outs = [_gat_single(x[i], src, dst, W, att_src, att_dst, bias) for i in range(x.shape[0])]
    return jnp.stack(outs)

if __name__ == "__main__":
    import jax
    _d = setup_inputs()
    print(jax.jit(kernel)(*tuple(_d.values())))

</pallas_src>

<mosaic_0001>
#map = affine_map<(d0, d1) -> (0, 0, 0)>
#map1 = affine_map<(d0, d1) -> (0, 0)>
#map2 = affine_map<(d0, d1) -> (0, 0, 0, 0)>
module attributes {stable_mosaic.version = 14 : i64} {
  func.func @_edge_kernel(%arg0: i32, %arg1: i32, %arg2: memref<2x10112x144xf32, #tpu.memory_space<hbm>>, %arg3: memref<2x10112x16xf32, #tpu.memory_space<hbm>>, %arg4: memref<32x81x128xi32, #tpu.memory_space<hbm>>, %arg5: memref<32x81x128xi32, #tpu.memory_space<hbm>>, %arg6: memref<2x16xf32, #tpu.memory_space<hbm>>, %arg7: memref<10112x144xf32, #tpu.memory_space<hbm>>, %arg8: memref<2x2x10112x144xf32, #tpu.memory_space<hbm>>, %arg9: memref<2x128xi32, #tpu.memory_space<vmem>>, %arg10: memref<2x128xi32, #tpu.memory_space<vmem>>, %arg11: memref<128x144xf32, #tpu.memory_space<vmem>>, %arg12: memref<128x16xf32, #tpu.memory_space<vmem>>, %arg13: memref<128x144xf32, #tpu.memory_space<vmem>>, %arg14: memref<16xf32, #tpu.memory_space<vmem>>, %arg15: memref<10112x144xf32, #tpu.memory_space<vmem_shared>>, %arg16: memref<!tpu.dma_semaphore, #tpu.memory_space<semaphore_mem>>, %arg17: memref<!tpu.dma_semaphore, #tpu.memory_space<semaphore_mem>>) attributes {dimension_semantics = [#tpu.dimension_semantics<core_parallel>, #tpu.dimension_semantics<subcore_parallel>], iteration_bounds = array<i64: 2, 16>, scalar_prefetch = 0 : i64, scratch_operands = 9 : i64, tpu.core_type = #tpu.core_type<sc_vector_subcore>, window_params = [{transform_indices = #map}, {transform_indices = #map}, {transform_indices = #map}, {transform_indices = #map}, {transform_indices = #map1}, {transform_indices = #map1}, {transform_indices = #map2}]} {
    %mul3A = arith.constant 2 : i32
    %mul3A_0 = arith.muli %arg1, %mul3A : i32
    %add3A = arith.addi %mul3A_0, %arg0 : i32
    %mul3A_1 = arith.constant 632 : i32
    %mul3A_2 = arith.muli %arg1, %mul3A_1 : i32
    %mul3A_3 = arith.constant 632 : i32
    %mul3A_4 = arith.muli %arg1, %mul3A_3 : i32
    "tpu.region"() ({
      %run_scoped3A_99 = tpu.sem_alloc : memref<!tpu.dma_semaphore, #tpu.memory_space<semaphore_mem>>
      %dma_start3A_100 = arith.constant 0 : i32
      %dma_start3A_101 = tpu.memref_slice %arg15[%mul3A_4, %dma_start3A_100] : memref<10112x144xf32, #tpu.memory_space<vmem_shared>> -> memref<632x144xf32, #tpu.memory_space<vmem_shared>>
      %dma_start3A_102 = arith.constant 0 : i32
      %dma_start3A_103 = tpu.memref_slice %arg7[%mul3A_2, %dma_start3A_102] : memref<10112x144xf32, #tpu.memory_space<hbm>> -> memref<632x144xf32, #tpu.memory_space<hbm>>
      tpu.enqueue_dma source(%dma_start3A_103 : memref<632x144xf32, #tpu.memory_space<hbm>>) target(%dma_start3A_101 : memref<632x144xf32, #tpu.memory_space<vmem_shared>>) target_semaphore(%run_scoped3A_99 : memref<!tpu.dma_semaphore, #tpu.memory_space<semaphore_mem>>)
      %dma_wait3A_104 = arith.constant 0 : i32
      %dma_wait3A_105 = tpu.memref_slice %arg15[%mul3A_4, %dma_wait3A_104] : memref<10112x144xf32, #tpu.memory_space<vmem_shared>> -> memref<632x144xf32, #tpu.memory_space<vmem_shared>>
      %dma_wait3A_106 = arith.constant 0 : i32
      %dma_wait3A_107 = tpu.memref_slice %arg7[%mul3A_2, %dma_wait3A_106] : memref<10112x144xf32, #tpu.memory_space<hbm>> -> memref<632x144xf32, #tpu.memory_space<hbm>>
      tpu.wait_dma2 semaphore(%run_scoped3A_99 : memref<!tpu.dma_semaphore, #tpu.memory_space<semaphore_mem>>) src(%dma_wait3A_107 : memref<632x144xf32, #tpu.memory_space<hbm>>) dst(%dma_wait3A_105 : memref<632x144xf32, #tpu.memory_space<vmem_shared>>)
      tpu.yield
    }) : () -> ()
    %run_scoped3A = arith.constant 0 : i32
    "tpu.region"() ({
      %run_scoped3A_99 = tpu.sem_alloc : memref<!tpu.dma_semaphore, #tpu.memory_space<semaphore_mem>>
      %dma_start3A_100 = arith.constant 0 : i32
      %dma_start3A_101 = tpu.memref_slice %arg6[%run_scoped3A, %dma_start3A_100] : memref<2x16xf32, #tpu.memory_space<hbm>> -> memref<1x16xf32, #tpu.memory_space<hbm>>
      %dma_start3A_102 = tpu.memref_squeeze %dma_start3A_101 : memref<1x16xf32, #tpu.memory_space<hbm>> -> memref<16xf32, #tpu.memory_space<hbm>>
      %dma_start3A_103 = arith.constant 0 : i32
      %dma_start3A_104 = tpu.memref_slice %arg6[%run_scoped3A, %dma_start3A_103] : memref<2x16xf32, #tpu.memory_space<hbm>> -> memref<1x16xf32, #tpu.memory_space<hbm>>
      %dma_start3A_105 = tpu.memref_squeeze %dma_start3A_104 : memref<1x16xf32, #tpu.memory_space<hbm>> -> memref<16xf32, #tpu.memory_space<hbm>>
      tpu.enqueue_dma source(%dma_start3A_105 : memref<16xf32, #tpu.memory_space<hbm>>) target(%arg14 : memref<16xf32, #tpu.memory_space<vmem>>) target_semaphore(%run_scoped3A_99 : memref<!tpu.dma_semaphore, #tpu.memory_space<semaphore_mem>>)
      %dma_wait3A_106 = arith.constant 0 : i32
      %dma_wait3A_107 = tpu.memref_slice %arg6[%run_scoped3A, %dma_wait3A_106] : memref<2x16xf32, #tpu.memory_space<hbm>> -> memref<1x16xf32, #tpu.memory_space<hbm>>
      %dma_wait3A_108 = tpu.memref_squeeze %dma_wait3A_107 : memref<1x16xf32, #tpu.memory_space<hbm>> -> memref<16xf32, #tpu.memory_space<hbm>>
      %dma_wait3A_109 = arith.constant 0 : i32
      %dma_wait3A_110 = tpu.memref_slice %arg6[%run_scoped3A, %dma_wait3A_109] : memref<2x16xf32, #tpu.memory_space<hbm>> -> memref<1x16xf32, #tpu.memory_space<hbm>>
      %dma_wait3A_111 = tpu.memref_squeeze %dma_wait3A_110 : memref<1x16xf32, #tpu.memory_space<hbm>> -> memref<16xf32, #tpu.memory_space<hbm>>
      tpu.wait_dma2 semaphore(%run_scoped3A_99 : memref<!tpu.dma_semaphore, #tpu.memory_space<semaphore_mem>>) src(%dma_wait3A_111 : memref<16xf32, #tpu.memory_space<hbm>>) dst(%arg14 : memref<16xf32, #tpu.memory_space<vmem>>)
      tpu.yield
    }) : () -> ()
    %barrier3A = arith.constant 0 : index
    tpu.barrier barrier_id(%barrier3A)
    %get3A = arith.constant 0 : index
    %get3A_5 = tpu.vector_load %arg14[%get3A] {strides = array<i32>} : memref<16xf32, #tpu.memory_space<vmem>>, vector<16xf32>,
    %get3A_6 = vector.shape_cast %get3A_5 : vector<16xf32> to vector<16xf32>
    "tpu.region"() ({
      %run_scoped3A_99 = tpu.sem_alloc : memref<!tpu.dma_semaphore, #tpu.memory_space<semaphore_mem>>
      %dma_start3A_100 = arith.constant 0 : i32
      %dma_start3A_101 = arith.constant 0 : i32
      %dma_start3A_102 = tpu.memref_slice %arg9[%dma_start3A_100, %dma_start3A_101] : memref<2x128xi32, #tpu.memory_space<vmem>> -> memref<1x128xi32, #tpu.memory_space<vmem>>
      %dma_start3A_103 = arith.constant 0 : i32
      %dma_start3A_104 = arith.constant 0 : i32
      %dma_start3A_105 = tpu.memref_slice %arg4[%add3A, %dma_start3A_103, %dma_start3A_104] : memref<32x81x128xi32, #tpu.memory_space<hbm>> -> memref<1x1x128xi32, #tpu.memory_space<hbm>>
      %dma_start3A_106 = tpu.memref_squeeze %dma_start3A_105 : memref<1x1x128xi32, #tpu.memory_space<hbm>> -> memref<1x128xi32, #tpu.memory_space<hbm>>
      %dma_start3A_107 = arith.constant 0 : i32
      %dma_start3A_108 = arith.constant 0 : i32
      %dma_start3A_109 = tpu.memref_slice %arg9[%dma_start3A_107, %dma_start3A_108] : memref<2x128xi32, #tpu.memory_space<vmem>> -> memref<1x128xi32, #tpu.memory_space<vmem>>
      %dma_start3A_110 = arith.constant 0 : i32
      %dma_start3A_111 = arith.constant 0 : i32
      %dma_start3A_112 = tpu.memref_slice %arg4[%add3A, %dma_start3A_110, %dma_start3A_111] : memref<32x81x128xi32, #tpu.memory_space<hbm>> -> memref<1x1x128xi32, #tpu.memory_space<hbm>>
      %dma_start3A_113 = tpu.memref_squeeze %dma_start3A_112 : memref<1x1x128xi32, #tpu.memory_space<hbm>> -> memref<1x128xi32, #tpu.memory_space<hbm>>
      tpu.enqueue_dma source(%dma_start3A_113 : memref<1x128xi32, #tpu.memory_space<hbm>>) target(%dma_start3A_109 : memref<1x128xi32, #tpu.memory_space<vmem>>) target_semaphore(%run_scoped3A_99 : memref<!tpu.dma_semaphore, #tpu.memory_space<semaphore_mem>>)
      %dma_wait3A_114 = arith.constant 0 : i32
      %dma_wait3A_115 = arith.constant 0 : i32
      %dma_wait3A_116 = tpu.memref_slice %arg9[%dma_wait3A_114, %dma_wait3A_115] : memref<2x128xi32, #tpu.memory_space<vmem>> -> memref<1x128xi32, #tpu.memory_space<vmem>>
      %dma_wait3A_117 = arith.constant 0 : i32
      %dma_wait3A_118 = arith.constant 0 : i32
      %dma_wait3A_119 = tpu.memref_slice %arg4[%add3A, %dma_wait3A_117, %dma_wait3A_118] : memref<32x81x128xi32, #tpu.memory_space<hbm>> -> memref<1x1x128xi32, #tpu.memory_space<hbm>>
      %dma_wait3A_120 = tpu.memref_squeeze %dma_wait3A_119 : memref<1x1x128xi32, #tpu.memory_space<hbm>> -> memref<1x128xi32, #tpu.memory_space<hbm>>
      %dma_wait3A_121 = arith.constant 0 : i32
      %dma_wait3A_122 = arith.constant 0 : i32
      %dma_wait3A_123 = tpu.memref_slice %arg9[%dma_wait3A_121, %dma_wait3A_122] : memref<2x128xi32, #tpu.memory_space<vmem>> -> memref<1x128xi32, #tpu.memory_space<vmem>>
      %dma_wait3A_124 = arith.constant 0 : i32
      %dma_wait3A_125 = arith.constant 0 : i32
      %dma_wait3A_126 = tpu.memref_slice %arg4[%add3A, %dma_wait3A_124, %dma_wait3A_125] : memref<32x81x128xi32, #tpu.memory_space<hbm>> -> memref<1x1x128xi32, #tpu.memory_space<hbm>>
      %dma_wait3A_127 = tpu.memref_squeeze %dma_wait3A_126 : memref<1x1x128xi32, #tpu.memory_space<hbm>> -> memref<1x128xi32, #tpu.memory_space<hbm>>
      tpu.wait_dma2 semaphore(%run_scoped3A_99 : memref<!tpu.dma_semaphore, #tpu.memory_space<semaphore_mem>>) src(%dma_wait3A_127 : memref<1x128xi32, #tpu.memory_space<hbm>>) dst(%dma_wait3A_123 : memref<1x128xi32, #tpu.memory_space<vmem>>)
      tpu.yield
    }) : () -> ()
    "tpu.region"() ({
      %run_scoped3A_99 = tpu.sem_alloc : memref<!tpu.dma_semaphore, #tpu.memory_space<semaphore_mem>>
      %dma_start3A_100 = arith.constant 0 : i32
      %dma_start3A_101 = arith.constant 0 : i32
      %dma_start3A_102 = tpu.memref_slice %arg10[%dma_start3A_100, %dma_start3A_101] : memref<2x128xi32, #tpu.memory_space<vmem>> -> memref<1x128xi32, #tpu.memory_space<vmem>>
      %dma_start3A_103 = arith.constant 0 : i32
      %dma_start3A_104 = arith.constant 0 : i32
      %dma_start3A_105 = tpu.memref_slice %arg5[%add3A, %dma_start3A_103, %dma_start3A_104] : memref<32x81x128xi32, #tpu.memory_space<hbm>> -> memref<1x1x128xi32, #tpu.memory_space<hbm>>
      %dma_start3A_106 = tpu.memref_squeeze %dma_start3A_105 : memref<1x1x128xi32, #tpu.memory_space<hbm>> -> memref<1x128xi32, #tpu.memory_space<hbm>>
      %dma_start3A_107 = arith.constant 0 : i32
      %dma_start3A_108 = arith.constant 0 : i32
      %dma_start3A_109 = tpu.memref_slice %arg10[%dma_start3A_107, %dma_start3A_108] : memref<2x128xi32, #tpu.memory_space<vmem>> -> memref<1x128xi32, #tpu.memory_space<vmem>>
      %dma_start3A_110 = arith.constant 0 : i32
      %dma_start3A_111 = arith.constant 0 : i32
      %dma_start3A_112 = tpu.memref_slice %arg5[%add3A, %dma_start3A_110, %dma_start3A_111] : memref<32x81x128xi32, #tpu.memory_space<hbm>> -> memref<1x1x128xi32, #tpu.memory_space<hbm>>
      %dma_start3A_113 = tpu.memref_squeeze %dma_start3A_112 : memref<1x1x128xi32, #tpu.memory_space<hbm>> -> memref<1x128xi32, #tpu.memory_space<hbm>>
      tpu.enqueue_dma source(%dma_start3A_113 : memref<1x128xi32, #tpu.memory_space<hbm>>) target(%dma_start3A_109 : memref<1x128xi32, #tpu.memory_space<vmem>>) target_semaphore(%run_scoped3A_99 : memref<!tpu.dma_semaphore, #tpu.memory_space<semaphore_mem>>)
      %dma_wait3A_114 = arith.constant 0 : i32
      %dma_wait3A_115 = arith.constant 0 : i32
      %dma_wait3A_116 = tpu.memref_slice %arg10[%dma_wait3A_114, %dma_wait3A_115] : memref<2x128xi32, #tpu.memory_space<vmem>> -> memref<1x128xi32, #tpu.memory_space<vmem>>
      %dma_wait3A_117 = arith.constant 0 : i32
      %dma_wait3A_118 = arith.constant 0 : i32
      %dma_wait3A_119 = tpu.memref_slice %arg5[%add3A, %dma_wait3A_117, %dma_wait3A_118] : memref<32x81x128xi32, #tpu.memory_space<hbm>> -> memref<1x1x128xi32, #tpu.memory_space<hbm>>
      %dma_wait3A_120 = tpu.memref_squeeze %dma_wait3A_119 : memref<1x1x128xi32, #tpu.memory_space<hbm>> -> memref<1x128xi32, #tpu.memory_space<hbm>>
      %dma_wait3A_121 = arith.constant 0 : i32
      %dma_wait3A_122 = arith.constant 0 : i32
      %dma_wait3A_123 = tpu.memref_slice %arg10[%dma_wait3A_121, %dma_wait3A_122] : memref<2x128xi32, #tpu.memory_space<vmem>> -> memref<1x128xi32, #tpu.memory_space<vmem>>
      %dma_wait3A_124 = arith.constant 0 : i32
      %dma_wait3A_125 = arith.constant 0 : i32
      %dma_wait3A_126 = tpu.memref_slice %arg5[%add3A, %dma_wait3A_124, %dma_wait3A_125] : memref<32x81x128xi32, #tpu.memory_space<hbm>> -> memref<1x1x128xi32, #tpu.memory_space<hbm>>
      %dma_wait3A_127 = tpu.memref_squeeze %dma_wait3A_126 : memref<1x1x128xi32, #tpu.memory_space<hbm>> -> memref<1x128xi32, #tpu.memory_space<hbm>>
      tpu.wait_dma2 semaphore(%run_scoped3A_99 : memref<!tpu.dma_semaphore, #tpu.memory_space<semaphore_mem>>) src(%dma_wait3A_127 : memref<1x128xi32, #tpu.memory_space<hbm>>) dst(%dma_wait3A_123 : memref<1x128xi32, #tpu.memory_space<vmem>>)
      tpu.yield
    }) : () -> ()
    %dma_start3A = arith.constant 0 : i32
    %dma_start3A_7 = arith.constant 0 : i32
    %dma_start3A_8 = arith.constant 0 : i32
    %dma_start3A_9 = tpu.memref_slice %arg9[%dma_start3A_7, %dma_start3A_8] : memref<2x128xi32, #tpu.memory_space<vmem>> -> memref<1x128xi32, #tpu.memory_space<vmem>>
    %dma_start3A_10 = tpu.memref_squeeze %dma_start3A_9 : memref<1x128xi32, #tpu.memory_space<vmem>> -> memref<128xi32, #tpu.memory_space<vmem>>
    %dma_start3A_11 = arith.constant 0 : i32
    %dma_start3A_12 = arith.constant 0 : i32
    %dma_start3A_13 = tpu.memref_slice %arg2[%dma_start3A, %dma_start3A_11, %dma_start3A_12] : memref<2x10112x144xf32, #tpu.memory_space<hbm>> -> memref<1x10112x144xf32, #tpu.memory_space<hbm>>
    %dma_start3A_14 = tpu.memref_squeeze %dma_start3A_13 : memref<1x10112x144xf32, #tpu.memory_space<hbm>> -> memref<10112x144xf32, #tpu.memory_space<hbm>>
    %dma_start3A_15 = arith.constant 0 : i32
    %dma_start3A_16 = arith.constant 0 : i32
    %dma_start3A_17 = tpu.memref_slice %dma_start3A_14[%dma_start3A_15, %dma_start3A_16] : memref<10112x144xf32, #tpu.memory_space<hbm>> -> memref<10112x144xf32, #tpu.memory_space<hbm>>
    tpu.enqueue_indirect_dma source(%dma_start3A_17 : memref<10112x144xf32, #tpu.memory_space<hbm>>) target(%arg11 : memref<128x144xf32, #tpu.memory_space<vmem>>) offsets(%dma_start3A_10 : memref<128xi32, #tpu.memory_space<vmem>>) semaphore(%arg16 : memref<!tpu.dma_semaphore, #tpu.memory_space<semaphore_mem>>)
    %dma_start3A_18 = arith.constant 0 : i32
    %dma_start3A_19 = arith.constant 0 : i32
    %dma_start3A_20 = arith.constant 0 : i32
    %dma_start3A_21 = tpu.memref_slice %arg10[%dma_start3A_19, %dma_start3A_20] : memref<2x128xi32, #tpu.memory_space<vmem>> -> memref<1x128xi32, #tpu.memory_space<vmem>>
    %dma_start3A_22 = tpu.memref_squeeze %dma_start3A_21 : memref<1x128xi32, #tpu.memory_space<vmem>> -> memref<128xi32, #tpu.memory_space<vmem>>
    %dma_start3A_23 = arith.constant 0 : i32
    %dma_start3A_24 = arith.constant 0 : i32
    %dma_start3A_25 = tpu.memref_slice %arg3[%dma_start3A_18, %dma_start3A_23, %dma_start3A_24] : memref<2x10112x16xf32, #tpu.memory_space<hbm>> -> memref<1x10112x16xf32, #tpu.memory_space<hbm>>
    %dma_start3A_26 = tpu.memref_squeeze %dma_start3A_25 : memref<1x10112x16xf32, #tpu.memory_space<hbm>> -> memref<10112x16xf32, #tpu.memory_space<hbm>>
    %dma_start3A_27 = arith.constant 0 : i32
    %dma_start3A_28 = arith.constant 0 : i32
    %dma_start3A_29 = tpu.memref_slice %dma_start3A_26[%dma_start3A_27, %dma_start3A_28] : memref<10112x16xf32, #tpu.memory_space<hbm>> -> memref<10112x16xf32, #tpu.memory_space<hbm>>
    tpu.enqueue_indirect_dma source(%dma_start3A_29 : memref<10112x16xf32, #tpu.memory_space<hbm>>) target(%arg12 : memref<128x16xf32, #tpu.memory_space<vmem>>) offsets(%dma_start3A_22 : memref<128xi32, #tpu.memory_space<vmem>>) semaphore(%arg16 : memref<!tpu.dma_semaphore, #tpu.memory_space<semaphore_mem>>)
    %scan3A = arith.constant 0 : i32
    %scan3A_30 = arith.constant 0 : i32
    %scan3A_31 = arith.constant 81 : i32
    %scan3A_32 = arith.addi %scan3A_30, %scan3A_31 : i32
    %scan3A_33 = arith.constant 1 : i32
    scf.for %scan3A_99 = %scan3A_30 to %scan3A_32 step %scan3A_33  : i32 {
      %jit3A = arith.constant 2 : i32
      %eq3A = arith.constant 0 : i32
      %eq3A_100 = arith.cmpi eq, %jit3A, %eq3A : i32
      %jit3A_101 = arith.constant 1 : i32
      %select_n3A = arith.select %eq3A_100, %jit3A_101, %jit3A : i32
      %rem3A = arith.remsi %scan3A_99, %select_n3A : i32
      %ne3A = arith.constant 0 : i32
      %ne3A_102 = arith.cmpi ne, %rem3A, %ne3A : i32
      %lt3A = arith.constant 0 : i32
      %lt3A_103 = arith.cmpi slt, %rem3A, %lt3A : i32
      %lt3A_104 = arith.constant 0 : i32
      %lt3A_105 = arith.cmpi slt, %select_n3A, %lt3A_104 : i32
      %ne3A_106 = arith.xori %lt3A_103, %lt3A_105 : i1
      %and3A = arith.andi %ne3A_106, %ne3A_102 : i1
      %add3A_107 = arith.addi %rem3A, %select_n3A : i32
      %select_n3A_108 = arith.select %and3A, %add3A_107, %rem3A : i32
      %dma_wait3A_109 = arith.constant 0 : i32
      %dma_wait3A_110 = arith.constant 0 : i32
      %dma_wait3A_111 = tpu.memref_slice %arg9[%select_n3A_108, %dma_wait3A_110] : memref<2x128xi32, #tpu.memory_space<vmem>> -> memref<1x128xi32, #tpu.memory_space<vmem>>
      %dma_wait3A_112 = tpu.memref_squeeze %dma_wait3A_111 : memref<1x128xi32, #tpu.memory_space<vmem>> -> memref<128xi32, #tpu.memory_space<vmem>>
      %dma_wait3A_113 = arith.constant 0 : i32
      %dma_wait3A_114 = arith.constant 0 : i32
      %dma_wait3A_115 = tpu.memref_slice %arg2[%dma_wait3A_109, %dma_wait3A_113, %dma_wait3A_114] : memref<2x10112x144xf32, #tpu.memory_space<hbm>> -> memref<1x10112x144xf32, #tpu.memory_space<hbm>>
      %dma_wait3A_116 = tpu.memref_squeeze %dma_wait3A_115 : memref<1x10112x144xf32, #tpu.memory_space<hbm>> -> memref<10112x144xf32, #tpu.memory_space<hbm>>
      %dma_wait3A_117 = arith.constant 0 : i32
      %dma_wait3A_118 = arith.constant 0 : i32
      %dma_wait3A_119 = tpu.memref_slice %dma_wait3A_116[%dma_wait3A_117, %dma_wait3A_118] : memref<10112x144xf32, #tpu.memory_space<hbm>> -> memref<10112x144xf32, #tpu.memory_space<hbm>>
      tpu.wait_indirect_dma semaphore(%arg16 : memref<!tpu.dma_semaphore, #tpu.memory_space<semaphore_mem>>) src(%dma_wait3A_119 : memref<10112x144xf32, #tpu.memory_space<hbm>>) dst(%arg11 : memref<128x144xf32, #tpu.memory_space<vmem>>)
      %dma_wait3A_120 = arith.constant 0 : i32
      %dma_wait3A_121 = arith.constant 0 : i32
      %dma_wait3A_122 = tpu.memref_slice %arg10[%select_n3A_108, %dma_wait3A_121] : memref<2x128xi32, #tpu.memory_space<vmem>> -> memref<1x128xi32, #tpu.memory_space<vmem>>
      %dma_wait3A_123 = tpu.memref_squeeze %dma_wait3A_122 : memref<1x128xi32, #tpu.memory_space<vmem>> -> memref<128xi32, #tpu.memory_space<vmem>>
      %dma_wait3A_124 = arith.constant 0 : i32
      %dma_wait3A_125 = arith.constant 0 : i32
      %dma_wait3A_126 = tpu.memref_slice %arg3[%dma_wait3A_120, %dma_wait3A_124, %dma_wait3A_125] : memref<2x10112x16xf32, #tpu.memory_space<hbm>> -> memref<1x10112x16xf32, #tpu.memory_space<hbm>>
      %dma_wait3A_127 = tpu.memref_squeeze %dma_wait3A_126 : memref<1x10112x16xf32, #tpu.memory_space<hbm>> -> memref<10112x16xf32, #tpu.memory_space<hbm>>
      %dma_wait3A_128 = arith.constant 0 : i32
      %dma_wait3A_129 = arith.constant 0 : i32
      %dma_wait3A_130 = tpu.memref_slice %dma_wait3A_127[%dma_wait3A_128, %dma_wait3A_129] : memref<10112x16xf32, #tpu.memory_space<hbm>> -> memref<10112x16xf32, #tpu.memory_space<hbm>>
      tpu.wait_indirect_dma semaphore(%arg16 : memref<!tpu.dma_semaphore, #tpu.memory_space<semaphore_mem>>) src(%dma_wait3A_130 : memref<10112x16xf32, #tpu.memory_space<hbm>>) dst(%arg12 : memref<128x16xf32, #tpu.memory_space<vmem>>)
      %gt3A = arith.constant 0 : i32
      %gt3A_131 = arith.cmpi sgt, %scan3A_99, %gt3A : i32
      %convert_element_type3A = arith.extui %gt3A_131 : i1 to i32
      %cond3A = arith.constant 0 : i32
      %cond3A_132 = arith.cmpi ne, %convert_element_type3A, %cond3A : i32
      scf.if %cond3A_132 {
        %dma_wait3A_146 = arith.constant 0 : i32
        %dma_wait3A_147 = arith.constant 0 : i32
        %dma_wait3A_148 = tpu.memref_slice %arg10[%dma_wait3A_146, %dma_wait3A_147] : memref<2x128xi32, #tpu.memory_space<vmem>> -> memref<1x128xi32, #tpu.memory_space<vmem>>
        %dma_wait3A_149 = tpu.memref_squeeze %dma_wait3A_148 : memref<1x128xi32, #tpu.memory_space<vmem>> -> memref<128xi32, #tpu.memory_space<vmem>>
        %dma_wait3A_150 = arith.constant 0 : i32
        %dma_wait3A_151 = arith.constant 0 : i32
        %dma_wait3A_152 = tpu.memref_slice %arg15[%dma_wait3A_150, %dma_wait3A_151] : memref<10112x144xf32, #tpu.memory_space<vmem_shared>> -> memref<10112x144xf32, #tpu.memory_space<vmem_shared>>
        tpu.wait_indirect_dma semaphore(%arg17 : memref<!tpu.dma_semaphore, #tpu.memory_space<semaphore_mem>>) src(%arg13 : memref<128x144xf32, #tpu.memory_space<vmem>>) dst(%dma_wait3A_152 : memref<10112x144xf32, #tpu.memory_space<vmem_shared>>)
      } else {
      }
      %parallel_loop3A = arith.constant 0 : i32
      %parallel_loop3A_133 = arith.constant 128 : i32
      %parallel_loop3A_134 = arith.constant 1 : i32
      scf.for %parallel_loop3A_146 = %parallel_loop3A to %parallel_loop3A_133 step %parallel_loop3A_134  : i32 {
        %parallel_loop3A_147 = arith.index_cast %parallel_loop3A_146 : i32 to index
        %parallel_loop3A_148 = arith.constant 128 : index
        %parallel_loop3A_149 = tpu.vector_load %arg11[%parallel_loop3A_147, %parallel_loop3A_148] {strides = array<i32>} : memref<128x144xf32, #tpu.memory_space<vmem>>, vector<1x16xf32>,
        %parallel_loop3A_150 = vector.shape_cast %parallel_loop3A_149 : vector<1x16xf32> to vector<16xf32>
        %parallel_loop3A_151 = arith.index_cast %parallel_loop3A_146 : i32 to index
        %parallel_loop3A_152 = arith.constant 0 : index
        %parallel_loop3A_153 = tpu.vector_load %arg12[%parallel_loop3A_151, %parallel_loop3A_152] {strides = array<i32>} : memref<128x16xf32, #tpu.memory_space<vmem>>, vector<1x16xf32>,
        %parallel_loop3A_154 = vector.shape_cast %parallel_loop3A_153 : vector<1x16xf32> to vector<16xf32>
        %parallel_loop3A_155 = arith.addf %parallel_loop3A_150, %parallel_loop3A_154 : vector<16xf32>
        %parallel_loop3A_156 = arith.constant 0.000000e+00 : f32
        %parallel_loop3A_157 = vector.broadcast %parallel_loop3A_156 : f32 to vector<16xf32>
        %parallel_loop3A_158 = arith.cmpf oge, %parallel_loop3A_155, %parallel_loop3A_157 : vector<16xf32>
        %parallel_loop3A_159 = arith.constant 2.000000e-01 : f32
        %parallel_loop3A_160 = vector.broadcast %parallel_loop3A_159 : f32 to vector<16xf32>
        %parallel_loop3A_161 = arith.mulf %parallel_loop3A_160, %parallel_loop3A_155 : vector<16xf32>
        %parallel_loop3A_162 = arith.select %parallel_loop3A_158, %parallel_loop3A_155, %parallel_loop3A_161 : vector<16xi1>, vector<16xf32>
        %parallel_loop3A_163 = arith.subf %parallel_loop3A_162, %get3A_6 : vector<16xf32>
        %parallel_loop3A_164 = math.exp %parallel_loop3A_163 : vector<16xf32>
        %parallel_loop3A_165 = arith.index_cast %parallel_loop3A_146 : i32 to index
        %parallel_loop3A_166 = arith.constant 128 : index
        %parallel_loop3A_167 = tpu.vector_load %arg13[%parallel_loop3A_165, %parallel_loop3A_166] {strides = array<i32>} : memref<128x144xf32, #tpu.memory_space<vmem>>, vector<1x16xf32>,
        %parallel_loop3A_168 = vector.shape_cast %parallel_loop3A_167 : vector<1x16xf32> to vector<16xf32>
        %parallel_loop3A_169 = vector.shape_cast %parallel_loop3A_164 : vector<16xf32> to vector<1x16xf32>
        tpu.vector_store %arg13[%parallel_loop3A_165, %parallel_loop3A_166], %parallel_loop3A_169 {strides = array<i32>} : memref<128x144xf32, #tpu.memory_space<vmem>>, vector<1x16xf32>,
        %parallel_loop3A_170 = arith.constant 0 : i32
        %parallel_loop3A_171 = vector.broadcast %parallel_loop3A_170 : i32 to vector<16xi32>
        %parallel_loop3A_172 = vector.shape_cast %parallel_loop3A_171 : vector<16xi32> to vector<16x1xi32>
        %parallel_loop3A_173 = vector.shape_cast %parallel_loop3A_172 : vector<16x1xi32> to vector<16xi32>
        %parallel_loop3A_174 = tpu.dynamic_gather %parallel_loop3A_164[%parallel_loop3A_173] in [0] : vector<16xf32>, vector<16xi32> -> vector<16xf32>
        %parallel_loop3A_175 = arith.index_cast %parallel_loop3A_146 : i32 to index
        %parallel_loop3A_176 = arith.constant 0 : index
        %parallel_loop3A_177 = tpu.vector_load %arg11[%parallel_loop3A_175, %parallel_loop3A_176] {strides = array<i32>} : memref<128x144xf32, #tpu.memory_space<vmem>>, vector<1x16xf32>,
        %parallel_loop3A_178 = vector.shape_cast %parallel_loop3A_177 : vector<1x16xf32> to vector<16xf32>
        %parallel_loop3A_179 = arith.mulf %parallel_loop3A_178, %parallel_loop3A_174 : vector<16xf32>
        %parallel_loop3A_180 = arith.index_cast %parallel_loop3A_146 : i32 to index
        %parallel_loop3A_181 = arith.constant 0 : index
        %parallel_loop3A_182 = tpu.vector_load %arg13[%parallel_loop3A_180, %parallel_loop3A_181] {strides = array<i32>} : memref<128x144xf32, #tpu.memory_space<vmem>>, vector<1x16xf32>,
        %parallel_loop3A_183 = vector.shape_cast %parallel_loop3A_182 : vector<1x16xf32> to vector<16xf32>
        %parallel_loop3A_184 = vector.shape_cast %parallel_loop3A_179 : vector<16xf32> to vector<1x16xf32>
        tpu.vector_store %arg13[%parallel_loop3A_180, %parallel_loop3A_181], %parallel_loop3A_184 {strides = array<i32>} : memref<128x144xf32, #tpu.memory_space<vmem>>, vector<1x16xf32>,
        %parallel_loop3A_185 = arith.constant 1 : i32
        %parallel_loop3A_186 = vector.broadcast %parallel_loop3A_185 : i32 to vector<16xi32>
        %parallel_loop3A_187 = vector.shape_cast %parallel_loop3A_186 : vector<16xi32> to vector<16x1xi32>
        %parallel_loop3A_188 = vector.shape_cast %parallel_loop3A_187 : vector<16x1xi32> to vector<16xi32>
        %parallel_loop3A_189 = tpu.dynamic_gather %parallel_loop3A_164[%parallel_loop3A_188] in [0] : vector<16xf32>, vector<16xi32> -> vector<16xf32>
        %parallel_loop3A_190 = arith.index_cast %parallel_loop3A_146 : i32 to index
        %parallel_loop3A_191 = arith.constant 16 : index
        %parallel_loop3A_192 = tpu.vector_load %arg11[%parallel_loop3A_190, %parallel_loop3A_191] {strides = array<i32>} : memref<128x144xf32, #tpu.memory_space<vmem>>, vector<1x16xf32>,
        %parallel_loop3A_193 = vector.shape_cast %parallel_loop3A_192 : vector<1x16xf32> to vector<16xf32>
        %parallel_loop3A_194 = arith.mulf %parallel_loop3A_193, %parallel_loop3A_189 : vector<16xf32>
        %parallel_loop3A_195 = arith.index_cast %parallel_loop3A_146 : i32 to index
        %parallel_loop3A_196 = arith.constant 16 : index
        %parallel_loop3A_197 = tpu.vector_load %arg13[%parallel_loop3A_195, %parallel_loop3A_196] {strides = array<i32>} : memref<128x144xf32, #tpu.memory_space<vmem>>, vector<1x16xf32>,
        %parallel_loop3A_198 = vector.shape_cast %parallel_loop3A_197 : vector<1x16xf32> to vector<16xf32>
        %parallel_loop3A_199 = vector.shape_cast %parallel_loop3A_194 : vector<16xf32> to vector<1x16xf32>
        tpu.vector_store %arg13[%parallel_loop3A_195, %parallel_loop3A_196], %parallel_loop3A_199 {strides = array<i32>} : memref<128x144xf32, #tpu.memory_space<vmem>>, vector<1x16xf32>,
        %parallel_loop3A_200 = arith.constant 2 : i32
        %parallel_loop3A_201 = vector.broadcast %parallel_loop3A_200 : i32 to vector<16xi32>
        %parallel_loop3A_202 = vector.shape_cast %parallel_loop3A_201 : vector<16xi32> to vector<16x1xi32>
        %parallel_loop3A_203 = vector.shape_cast %parallel_loop3A_202 : vector<16x1xi32> to vector<16xi32>
        %parallel_loop3A_204 = tpu.dynamic_gather %parallel_loop3A_164[%parallel_loop3A_203] in [0] : vector<16xf32>, vector<16xi32> -> vector<16xf32>
        %parallel_loop3A_205 = arith.index_cast %parallel_loop3A_146 : i32 to index
        %parallel_loop3A_206 = arith.constant 32 : index
        %parallel_loop3A_207 = tpu.vector_load %arg11[%parallel_loop3A_205, %parallel_loop3A_206] {strides = array<i32>} : memref<128x144xf32, #tpu.memory_space<vmem>>, vector<1x16xf32>,
        %parallel_loop3A_208 = vector.shape_cast %parallel_loop3A_207 : vector<1x16xf32> to vector<16xf32>
        %parallel_loop3A_209 = arith.mulf %parallel_loop3A_208, %parallel_loop3A_204 : vector<16xf32>
        %parallel_loop3A_210 = arith.index_cast %parallel_loop3A_146 : i32 to index
        %parallel_loop3A_211 = arith.constant 32 : index
        %parallel_loop3A_212 = tpu.vector_load %arg13[%parallel_loop3A_210, %parallel_loop3A_211] {strides = array<i32>} : memref<128x144xf32, #tpu.memory_space<vmem>>, vector<1x16xf32>,
        %parallel_loop3A_213 = vector.shape_cast %parallel_loop3A_212 : vector<1x16xf32> to vector<16xf32>
        %parallel_loop3A_214 = vector.shape_cast %parallel_loop3A_209 : vector<16xf32> to vector<1x16xf32>
        tpu.vector_store %arg13[%parallel_loop3A_210, %parallel_loop3A_211], %parallel_loop3A_214 {strides = array<i32>} : memref<128x144xf32, #tpu.memory_space<vmem>>, vector<1x16xf32>,
        %parallel_loop3A_215 = arith.constant 3 : i32
        %parallel_loop3A_216 = vector.broadcast %parallel_loop3A_215 : i32 to vector<16xi32>
        %parallel_loop3A_217 = vector.shape_cast %parallel_loop3A_216 : vector<16xi32> to vector<16x1xi32>
        %parallel_loop3A_218 = vector.shape_cast %parallel_loop3A_217 : vector<16x1xi32> to vector<16xi32>
        %parallel_loop3A_219 = tpu.dynamic_gather %parallel_loop3A_164[%parallel_loop3A_218] in [0] : vector<16xf32>, vector<16xi32> -> vector<16xf32>
        %parallel_loop3A_220 = arith.index_cast %parallel_loop3A_146 : i32 to index
        %parallel_loop3A_221 = arith.constant 48 : index
        %parallel_loop3A_222 = tpu.vector_load %arg11[%parallel_loop3A_220, %parallel_loop3A_221] {strides = array<i32>} : memref<128x144xf32, #tpu.memory_space<vmem>>, vector<1x16xf32>,
        %parallel_loop3A_223 = vector.shape_cast %parallel_loop3A_222 : vector<1x16xf32> to vector<16xf32>
        %parallel_loop3A_224 = arith.mulf %parallel_loop3A_223, %parallel_loop3A_219 : vector<16xf32>
        %parallel_loop3A_225 = arith.index_cast %parallel_loop3A_146 : i32 to index
        %parallel_loop3A_226 = arith.constant 48 : index
        %parallel_loop3A_227 = tpu.vector_load %arg13[%parallel_loop3A_225, %parallel_loop3A_226] {strides = array<i32>} : memref<128x144xf32, #tpu.memory_space<vmem>>, vector<1x16xf32>,
        %parallel_loop3A_228 = vector.shape_cast %parallel_loop3A_227 : vector<1x16xf32> to vector<16xf32>
        %parallel_loop3A_229 = vector.shape_cast %parallel_loop3A_224 : vector<16xf32> to vector<1x16xf32>
        tpu.vector_store %arg13[%parallel_loop3A_225, %parallel_loop3A_226], %parallel_loop3A_229 {strides = array<i32>} : memref<128x144xf32, #tpu.memory_space<vmem>>, vector<1x16xf32>,
        %parallel_loop3A_230 = arith.constant 4 : i32
        %parallel_loop3A_231 = vector.broadcast %parallel_loop3A_230 : i32 to vector<16xi32>
        %parallel_loop3A_232 = vector.shape_cast %parallel_loop3A_231 : vector<16xi32> to vector<16x1xi32>
        %parallel_loop3A_233 = vector.shape_cast %parallel_loop3A_232 : vector<16x1xi32> to vector<16xi32>
        %parallel_loop3A_234 = tpu.dynamic_gather %parallel_loop3A_164[%parallel_loop3A_233] in [0] : vector<16xf32>, vector<16xi32> -> vector<16xf32>
        %parallel_loop3A_235 = arith.index_cast %parallel_loop3A_146 : i32 to index
        %parallel_loop3A_236 = arith.constant 64 : index
        %parallel_loop3A_237 = tpu.vector_load %arg11[%parallel_loop3A_235, %parallel_loop3A_236] {strides = array<i32>} : memref<128x144xf32, #tpu.memory_space<vmem>>, vector<1x16xf32>,
        %parallel_loop3A_238 = vector.shape_cast %parallel_loop3A_237 : vector<1x16xf32> to vector<16xf32>
        %parallel_loop3A_239 = arith.mulf %parallel_loop3A_238, %parallel_loop3A_234 : vector<16xf32>
        %parallel_loop3A_240 = arith.index_cast %parallel_loop3A_146 : i32 to index
        %parallel_loop3A_241 = arith.constant 64 : index
        %parallel_loop3A_242 = tpu.vector_load %arg13[%parallel_loop3A_240, %parallel_loop3A_241] {strides = array<i32>} : memref<128x144xf32, #tpu.memory_space<vmem>>, vector<1x16xf32>,
        %parallel_loop3A_243 = vector.shape_cast %parallel_loop3A_242 : vector<1x16xf32> to vector<16xf32>
        %parallel_loop3A_244 = vector.shape_cast %parallel_loop3A_239 : vector<16xf32> to vector<1x16xf32>
        tpu.vector_store %arg13[%parallel_loop3A_240, %parallel_loop3A_241], %parallel_loop3A_244 {strides = array<i32>} : memref<128x144xf32, #tpu.memory_space<vmem>>, vector<1x16xf32>,
        %parallel_loop3A_245 = arith.constant 5 : i32
        %parallel_loop3A_246 = vector.broadcast %parallel_loop3A_245 : i32 to vector<16xi32>
        %parallel_loop3A_247 = vector.shape_cast %parallel_loop3A_246 : vector<16xi32> to vector<16x1xi32>
        %parallel_loop3A_248 = vector.shape_cast %parallel_loop3A_247 : vector<16x1xi32> to vector<16xi32>
        %parallel_loop3A_249 = tpu.dynamic_gather %parallel_loop3A_164[%parallel_loop3A_248] in [0] : vector<16xf32>, vector<16xi32> -> vector<16xf32>
        %parallel_loop3A_250 = arith.index_cast %parallel_loop3A_146 : i32 to index
        %parallel_loop3A_251 = arith.constant 80 : index
        %parallel_loop3A_252 = tpu.vector_load %arg11[%parallel_loop3A_250, %parallel_loop3A_251] {strides = array<i32>} : memref<128x144xf32, #tpu.memory_space<vmem>>, vector<1x16xf32>,
        %parallel_loop3A_253 = vector.shape_cast %parallel_loop3A_252 : vector<1x16xf32> to vector<16xf32>
        %parallel_loop3A_254 = arith.mulf %parallel_loop3A_253, %parallel_loop3A_249 : vector<16xf32>
        %parallel_loop3A_255 = arith.index_cast %parallel_loop3A_146 : i32 to index
        %parallel_loop3A_256 = arith.constant 80 : index
        %parallel_loop3A_257 = tpu.vector_load %arg13[%parallel_loop3A_255, %parallel_loop3A_256] {strides = array<i32>} : memref<128x144xf32, #tpu.memory_space<vmem>>, vector<1x16xf32>,
        %parallel_loop3A_258 = vector.shape_cast %parallel_loop3A_257 : vector<1x16xf32> to vector<16xf32>
        %parallel_loop3A_259 = vector.shape_cast %parallel_loop3A_254 : vector<16xf32> to vector<1x16xf32>
        tpu.vector_store %arg13[%parallel_loop3A_255, %parallel_loop3A_256], %parallel_loop3A_259 {strides = array<i32>} : memref<128x144xf32, #tpu.memory_space<vmem>>, vector<1x16xf32>,
        %parallel_loop3A_260 = arith.constant 6 : i32
        %parallel_loop3A_261 = vector.broadcast %parallel_loop3A_260 : i32 to vector<16xi32>
        %parallel_loop3A_262 = vector.shape_cast %parallel_loop3A_261 : vector<16xi32> to vector<16x1xi32>
        %parallel_loop3A_263 = vector.shape_cast %parallel_loop3A_262 : vector<16x1xi32> to vector<16xi32>
        %parallel_loop3A_264 = tpu.dynamic_gather %parallel_loop3A_164[%parallel_loop3A_263] in [0] : vector<16xf32>, vector<16xi32> -> vector<16xf32>
        %parallel_loop3A_265 = arith.index_cast %parallel_loop3A_146 : i32 to index
        %parallel_loop3A_266 = arith.constant 96 : index
        %parallel_loop3A_267 = tpu.vector_load %arg11[%parallel_loop3A_265, %parallel_loop3A_266] {strides = array<i32>} : memref<128x144xf32, #tpu.memory_space<vmem>>, vector<1x16xf32>,
        %parallel_loop3A_268 = vector.shape_cast %parallel_loop3A_267 : vector<1x16xf32> to vector<16xf32>
        %parallel_loop3A_269 = arith.mulf %parallel_loop3A_268, %parallel_loop3A_264 : vector<16xf32>
        %parallel_loop3A_270 = arith.index_cast %parallel_loop3A_146 : i32 to index
        %parallel_loop3A_271 = arith.constant 96 : index
        %parallel_loop3A_272 = tpu.vector_load %arg13[%parallel_loop3A_270, %parallel_loop3A_271] {strides = array<i32>} : memref<128x144xf32, #tpu.memory_space<vmem>>, vector<1x16xf32>,
        %parallel_loop3A_273 = vector.shape_cast %parallel_loop3A_272 : vector<1x16xf32> to vector<16xf32>
        %parallel_loop3A_274 = vector.shape_cast %parallel_loop3A_269 : vector<16xf32> to vector<1x16xf32>
        tpu.vector_store %arg13[%parallel_loop3A_270, %parallel_loop3A_271], %parallel_loop3A_274 {strides = array<i32>} : memref<128x144xf32, #tpu.memory_space<vmem>>, vector<1x16xf32>,
        %parallel_loop3A_275 = arith.constant 7 : i32
        %parallel_loop3A_276 = vector.broadcast %parallel_loop3A_275 : i32 to vector<16xi32>
        %parallel_loop3A_277 = vector.shape_cast %parallel_loop3A_276 : vector<16xi32> to vector<16x1xi32>
        %parallel_loop3A_278 = vector.shape_cast %parallel_loop3A_277 : vector<16x1xi32> to vector<16xi32>
        %parallel_loop3A_279 = tpu.dynamic_gather %parallel_loop3A_164[%parallel_loop3A_278] in [0] : vector<16xf32>, vector<16xi32> -> vector<16xf32>
        %parallel_loop3A_280 = arith.index_cast %parallel_loop3A_146 : i32 to index
        %parallel_loop3A_281 = arith.constant 112 : index
        %parallel_loop3A_282 = tpu.vector_load %arg11[%parallel_loop3A_280, %parallel_loop3A_281] {strides = array<i32>} : memref<128x144xf32, #tpu.memory_space<vmem>>, vector<1x16xf32>,
        %parallel_loop3A_283 = vector.shape_cast %parallel_loop3A_282 : vector<1x16xf32> to vector<16xf32>
        %parallel_loop3A_284 = arith.mulf %parallel_loop3A_283, %parallel_loop3A_279 : vector<16xf32>
        %parallel_loop3A_285 = arith.index_cast %parallel_loop3A_146 : i32 to index
        %parallel_loop3A_286 = arith.constant 112 : index
        %parallel_loop3A_287 = tpu.vector_load %arg13[%parallel_loop3A_285, %parallel_loop3A_286] {strides = array<i32>} : memref<128x144xf32, #tpu.memory_space<vmem>>, vector<1x16xf32>,
        %parallel_loop3A_288 = vector.shape_cast %parallel_loop3A_287 : vector<1x16xf32> to vector<16xf32>
        %parallel_loop3A_289 = vector.shape_cast %parallel_loop3A_284 : vector<16xf32> to vector<1x16xf32>
        tpu.vector_store %arg13[%parallel_loop3A_285, %parallel_loop3A_286], %parallel_loop3A_289 {strides = array<i32>} : memref<128x144xf32, #tpu.memory_space<vmem>>, vector<1x16xf32>,
      } {sc.loop_unroll_factor = 8 : i64, sc.parallel_access}
      %dma_start3A_135 = arith.constant 0 : i32
      %dma_start3A_136 = tpu.memref_slice %arg10[%select_n3A_108, %dma_start3A_135] : memref<2x128xi32, #tpu.memory_space<vmem>> -> memref<1x128xi32, #tpu.memory_space<vmem>>
      %dma_start3A_137 = tpu.memref_squeeze %dma_start3A_136 : memref<1x128xi32, #tpu.memory_space<vmem>> -> memref<128xi32, #tpu.memory_space<vmem>>
      %dma_start3A_138 = arith.constant 0 : i32
      %dma_start3A_139 = arith.constant 0 : i32
      %dma_start3A_140 = tpu.memref_slice %arg15[%dma_start3A_138, %dma_start3A_139] : memref<10112x144xf32, #tpu.memory_space<vmem_shared>> -> memref<10112x144xf32, #tpu.memory_space<vmem_shared>>
      tpu.enqueue_indirect_dma source(%arg13 : memref<128x144xf32, #tpu.memory_space<vmem>>) target(%dma_start3A_140 : memref<10112x144xf32, #tpu.memory_space<vmem_shared>>) offsets(%dma_start3A_137 : memref<128xi32, #tpu.memory_space<vmem>>) semaphore(%arg17 : memref<!tpu.dma_semaphore, #tpu.memory_space<semaphore_mem>>) {add = true}
      %lt3A_141 = arith.constant 80 : i32
      %lt3A_142 = arith.cmpi slt, %scan3A_99, %lt3A_141 : i32
      %convert_element_type3A_143 = arith.extui %lt3A_142 : i1 to i32
      %cond3A_144 = arith.constant 0 : i32
      %cond3A_145 = arith.cmpi ne, %convert_element_type3A_143, %cond3A_144 : i32
      scf.if %cond3A_145 {
        %add3A_146 = arith.constant 1 : i32
        %add3A_147 = arith.addi %scan3A_99, %add3A_146 : i32
        %jit3A_148 = arith.constant 2 : i32
        %eq3A_149 = arith.constant 0 : i32
        %eq3A_150 = arith.cmpi eq, %jit3A_148, %eq3A_149 : i32
        %jit3A_151 = arith.constant 1 : i32
        %select_n3A_152 = arith.select %eq3A_150, %jit3A_151, %jit3A_148 : i32
        %rem3A_153 = arith.remsi %add3A_147, %select_n3A_152 : i32
        %ne3A_154 = arith.constant 0 : i32
        %ne3A_155 = arith.cmpi ne, %rem3A_153, %ne3A_154 : i32
        %lt3A_156 = arith.constant 0 : i32
        %lt3A_157 = arith.cmpi slt, %rem3A_153, %lt3A_156 : i32
        %lt3A_158 = arith.constant 0 : i32
        %lt3A_159 = arith.cmpi slt, %select_n3A_152, %lt3A_158 : i32
        %ne3A_160 = arith.xori %lt3A_157, %lt3A_159 : i1
        %and3A_161 = arith.andi %ne3A_160, %ne3A_155 : i1
        %add3A_162 = arith.addi %rem3A_153, %select_n3A_152 : i32
        %select_n3A_163 = arith.select %and3A_161, %add3A_162, %rem3A_153 : i32
        %add3A_164 = arith.constant 1 : i32
        %add3A_165 = arith.addi %scan3A_99, %add3A_164 : i32
        "tpu.region"() ({
          %run_scoped3A_190 = tpu.sem_alloc : memref<!tpu.dma_semaphore, #tpu.memory_space<semaphore_mem>>
          %dma_start3A_191 = arith.constant 0 : i32
          %dma_start3A_192 = tpu.memref_slice %arg9[%select_n3A_163, %dma_start3A_191] : memref<2x128xi32, #tpu.memory_space<vmem>> -> memref<1x128xi32, #tpu.memory_space<vmem>>
          %dma_start3A_193 = arith.constant 0 : i32
          %dma_start3A_194 = tpu.memref_slice %arg4[%add3A, %add3A_165, %dma_start3A_193] : memref<32x81x128xi32, #tpu.memory_space<hbm>> -> memref<1x1x128xi32, #tpu.memory_space<hbm>>
          %dma_start3A_195 = tpu.memref_squeeze %dma_start3A_194 : memref<1x1x128xi32, #tpu.memory_space<hbm>> -> memref<1x128xi32, #tpu.memory_space<hbm>>
          %dma_start3A_196 = arith.constant 0 : i32
          %dma_start3A_197 = tpu.memref_slice %arg9[%select_n3A_163, %dma_start3A_196] : memref<2x128xi32, #tpu.memory_space<vmem>> -> memref<1x128xi32, #tpu.memory_space<vmem>>
          %dma_start3A_198 = arith.constant 0 : i32
          %dma_start3A_199 = tpu.memref_slice %arg4[%add3A, %add3A_165, %dma_start3A_198] : memref<32x81x128xi32, #tpu.memory_space<hbm>> -> memref<1x1x128xi32, #tpu.memory_space<hbm>>
          %dma_start3A_200 = tpu.memref_squeeze %dma_start3A_199 : memref<1x1x128xi32, #tpu.memory_space<hbm>> -> memref<1x128xi32, #tpu.memory_space<hbm>>
          tpu.enqueue_dma source(%dma_start3A_200 : memref<1x128xi32, #tpu.memory_space<hbm>>) target(%dma_start3A_197 : memref<1x128xi32, #tpu.memory_space<vmem>>) target_semaphore(%run_scoped3A_190 : memref<!tpu.dma_semaphore, #tpu.memory_space<semaphore_mem>>)
          %dma_wait3A_201 = arith.constant 0 : i32
          %dma_wait3A_202 = tpu.memref_slice %arg9[%select_n3A_163, %dma_wait3A_201] : memref<2x128xi32, #tpu.memory_space<vmem>> -> memref<1x128xi32, #tpu.memory_space<vmem>>
          %dma_wait3A_203 = arith.constant 0 : i32
          %dma_wait3A_204 = tpu.memref_slice %arg4[%add3A, %add3A_165, %dma_wait3A_203] : memref<32x81x128xi32, #tpu.memory_space<hbm>> -> memref<1x1x128xi32, #tpu.memory_space<hbm>>
          %dma_wait3A_205 = tpu.memref_squeeze %dma_wait3A_204 : memref<1x1x128xi32, #tpu.memory_space<hbm>> -> memref<1x128xi32, #tpu.memory_space<hbm>>
          %dma_wait3A_206 = arith.constant 0 : i32
          %dma_wait3A_207 = tpu.memref_slice %arg9[%select_n3A_163, %dma_wait3A_206] : memref<2x128xi32, #tpu.memory_space<vmem>> -> memref<1x128xi32, #tpu.memory_space<vmem>>
          %dma_wait3A_208 = arith.constant 0 : i32
          %dma_wait3A_209 = tpu.memref_slice %arg4[%add3A, %add3A_165, %dma_wait3A_208] : memref<32x81x128xi32, #tpu.memory_space<hbm>> -> memref<1x1x128xi32, #tpu.memory_space<hbm>>
          %dma_wait3A_210 = tpu.memref_squeeze %dma_wait3A_209 : memref<1x1x128xi32, #tpu.memory_space<hbm>> -> memref<1x128xi32, #tpu.memory_space<hbm>>
          tpu.wait_dma2 semaphore(%run_scoped3A_190 : memref<!tpu.dma_semaphore, #tpu.memory_space<semaphore_mem>>) src(%dma_wait3A_210 : memref<1x128xi32, #tpu.memory_space<hbm>>) dst(%dma_wait3A_207 : memref<1x128xi32, #tpu.memory_space<vmem>>)
          tpu.yield
        }) : () -> ()
        %add3A_166 = arith.constant 1 : i32
        %add3A_167 = arith.addi %scan3A_99, %add3A_166 : i32
        "tpu.region"() ({
          %run_scoped3A_190 = tpu.sem_alloc : memref<!tpu.dma_semaphore, #tpu.memory_space<semaphore_mem>>
          %dma_start3A_191 = arith.constant 0 : i32
          %dma_start3A_192 = tpu.memref_slice %arg10[%select_n3A_163, %dma_start3A_191] : memref<2x128xi32, #tpu.memory_space<vmem>> -> memref<1x128xi32, #tpu.memory_space<vmem>>
          %dma_start3A_193 = arith.constant 0 : i32
          %dma_start3A_194 = tpu.memref_slice %arg5[%add3A, %add3A_167, %dma_start3A_193] : memref<32x81x128xi32, #tpu.memory_space<hbm>> -> memref<1x1x128xi32, #tpu.memory_space<hbm>>
          %dma_start3A_195 = tpu.memref_squeeze %dma_start3A_194 : memref<1x1x128xi32, #tpu.memory_space<hbm>> -> memref<1x128xi32, #tpu.memory_space<hbm>>
          %dma_start3A_196 = arith.constant 0 : i32
          %dma_start3A_197 = tpu.memref_slice %arg10[%select_n3A_163, %dma_start3A_196] : memref<2x128xi32, #tpu.memory_space<vmem>> -> memref<1x128xi32, #tpu.memory_space<vmem>>
          %dma_start3A_198 = arith.constant 0 : i32
          %dma_start3A_199 = tpu.memref_slice %arg5[%add3A, %add3A_167, %dma_start3A_198] : memref<32x81x128xi32, #tpu.memory_space<hbm>> -> memref<1x1x128xi32, #tpu.memory_space<hbm>>
          %dma_start3A_200 = tpu.memref_squeeze %dma_start3A_199 : memref<1x1x128xi32, #tpu.memory_space<hbm>> -> memref<1x128xi32, #tpu.memory_space<hbm>>
          tpu.enqueue_dma source(%dma_start3A_200 : memref<1x128xi32, #tpu.memory_space<hbm>>) target(%dma_start3A_197 : memref<1x128xi32, #tpu.memory_space<vmem>>) target_semaphore(%run_scoped3A_190 : memref<!tpu.dma_semaphore, #tpu.memory_space<semaphore_mem>>)
          %dma_wait3A_201 = arith.constant 0 : i32
          %dma_wait3A_202 = tpu.memref_slice %arg10[%select_n3A_163, %dma_wait3A_201] : memref<2x128xi32, #tpu.memory_space<vmem>> -> memref<1x128xi32, #tpu.memory_space<vmem>>
          %dma_wait3A_203 = arith.constant 0 : i32
          %dma_wait3A_204 = tpu.memref_slice %arg5[%add3A, %add3A_167, %dma_wait3A_203] : memref<32x81x128xi32, #tpu.memory_space<hbm>> -> memref<1x1x128xi32, #tpu.memory_space<hbm>>
          %dma_wait3A_205 = tpu.memref_squeeze %dma_wait3A_204 : memref<1x1x128xi32, #tpu.memory_space<hbm>> -> memref<1x128xi32, #tpu.memory_space<hbm>>
          %dma_wait3A_206 = arith.constant 0 : i32
          %dma_wait3A_207 = tpu.memref_slice %arg10[%select_n3A_163, %dma_wait3A_206] : memref<2x128xi32, #tpu.memory_space<vmem>> -> memref<1x128xi32, #tpu.memory_space<vmem>>
          %dma_wait3A_208 = arith.constant 0 : i32
          %dma_wait3A_209 = tpu.memref_slice %arg5[%add3A, %add3A_167, %dma_wait3A_208] : memref<32x81x128xi32, #tpu.memory_space<hbm>> -> memref<1x1x128xi32, #tpu.memory_space<hbm>>
          %dma_wait3A_210 = tpu.memref_squeeze %dma_wait3A_209 : memref<1x1x128xi32, #tpu.memory_space<hbm>> -> memref<1x128xi32, #tpu.memory_space<hbm>>
          tpu.wait_dma2 semaphore(%run_scoped3A_190 : memref<!tpu.dma_semaphore, #tpu.memory_space<semaphore_mem>>) src(%dma_wait3A_210 : memref<1x128xi32, #tpu.memory_space<hbm>>) dst(%dma_wait3A_207 : memref<1x128xi32, #tpu.memory_space<vmem>>)
          tpu.yield
        }) : () -> ()
        %dma_start3A_168 = arith.constant 0 : i32
        %dma_start3A_169 = arith.constant 0 : i32
        %dma_start3A_170 = tpu.memref_slice %arg9[%select_n3A_163, %dma_start3A_169] : memref<2x128xi32, #tpu.memory_space<vmem>> -> memref<1x128xi32, #tpu.memory_space<vmem>>
        %dma_start3A_171 = tpu.memref_squeeze %dma_start3A_170 : memref<1x128xi32, #tpu.memory_space<vmem>> -> memref<128xi32, #tpu.memory_space<vmem>>
        %dma_start3A_172 = arith.constant 0 : i32
        %dma_start3A_173 = arith.constant 0 : i32
        %dma_start3A_174 = tpu.memref_slice %arg2[%dma_start3A_168, %dma_start3A_172, %dma_start3A_173] : memref<2x10112x144xf32, #tpu.memory_space<hbm>> -> memref<1x10112x144xf32, #tpu.memory_space<hbm>>
        %dma_start3A_175 = tpu.memref_squeeze %dma_start3A_174 : memref<1x10112x144xf32, #tpu.memory_space<hbm>> -> memref<10112x144xf32, #tpu.memory_space<hbm>>
        %dma_start3A_176 = arith.constant 0 : i32
        %dma_start3A_177 = arith.constant 0 : i32
        %dma_start3A_178 = tpu.memref_slice %dma_start3A_175[%dma_start3A_176, %dma_start3A_177] : memref<10112x144xf32, #tpu.memory_space<hbm>> -> memref<10112x144xf32, #tpu.memory_space<hbm>>
        tpu.enqueue_indirect_dma source(%dma_start3A_178 : memref<10112x144xf32, #tpu.memory_space<hbm>>) target(%arg11 : memref<128x144xf32, #tpu.memory_space<vmem>>) offsets(%dma_start3A_171 : memref<128xi32, #tpu.memory_space<vmem>>) semaphore(%arg16 : memref<!tpu.dma_semaphore, #tpu.memory_space<semaphore_mem>>)
        %dma_start3A_179 = arith.constant 0 : i32
        %dma_start3A_180 = arith.constant 0 : i32
        %dma_start3A_181 = tpu.memref_slice %arg10[%select_n3A_163, %dma_start3A_180] : memref<2x128xi32, #tpu.memory_space<vmem>> -> memref<1x128xi32, #tpu.memory_space<vmem>>
        %dma_start3A_182 = tpu.memref_squeeze %dma_start3A_181 : memref<1x128xi32, #tpu.memory_space<vmem>> -> memref<128xi32, #tpu.memory_space<vmem>>
        %dma_start3A_183 = arith.constant 0 : i32
        %dma_start3A_184 = arith.constant 0 : i32
        %dma_start3A_185 = tpu.memref_slice %arg3[%dma_start3A_179, %dma_start3A_183, %dma_start3A_184] : memref<2x10112x16xf32, #tpu.memory_space<hbm>> -> memref<1x10112x16xf32, #tpu.memory_space<hbm>>
        %dma_start3A_186 = tpu.memref_squeeze %dma_start3A_185 : memref<1x10112x16xf32, #tpu.memory_space<hbm>> -> memref<10112x16xf32, #tpu.memory_space<hbm>>
        %dma_start3A_187 = arith.constant 0 : i32
        %dma_start3A_188 = arith.constant 0 : i32
        %dma_start3A_189 = tpu.memref_slice %dma_start3A_186[%dma_start3A_187, %dma_start3A_188] : memref<10112x16xf32, #tpu.memory_space<hbm>> -> memref<10112x16xf32, #tpu.memory_space<hbm>>
        tpu.enqueue_indirect_dma source(%dma_start3A_189 : memref<10112x16xf32, #tpu.memory_space<hbm>>) target(%arg12 : memref<128x16xf32, #tpu.memory_space<vmem>>) offsets(%dma_start3A_182 : memref<128xi32, #tpu.memory_space<vmem>>) semaphore(%arg16 : memref<!tpu.dma_semaphore, #tpu.memory_space<semaphore_mem>>)
      } else {
      }
    }
    %scan3A_34 = arith.constant 81 : i32
    %dma_wait3A = arith.constant 0 : i32
    %dma_wait3A_35 = arith.constant 0 : i32
    %dma_wait3A_36 = tpu.memref_slice %arg10[%dma_wait3A, %dma_wait3A_35] : memref<2x128xi32, #tpu.memory_space<vmem>> -> memref<1x128xi32, #tpu.memory_space<vmem>>
    %dma_wait3A_37 = tpu.memref_squeeze %dma_wait3A_36 : memref<1x128xi32, #tpu.memory_space<vmem>> -> memref<128xi32, #tpu.memory_space<vmem>>
    %dma_wait3A_38 = arith.constant 0 : i32
    %dma_wait3A_39 = arith.constant 0 : i32
    %dma_wait3A_40 = tpu.memref_slice %arg15[%dma_wait3A_38, %dma_wait3A_39] : memref<10112x144xf32, #tpu.memory_space<vmem_shared>> -> memref<10112x144xf32, #tpu.memory_space<vmem_shared>>
    tpu.wait_indirect_dma semaphore(%arg17 : memref<!tpu.dma_semaphore, #tpu.memory_space<semaphore_mem>>) src(%arg13 : memref<128x144xf32, #tpu.memory_space<vmem>>) dst(%dma_wait3A_40 : memref<10112x144xf32, #tpu.memory_space<vmem_shared>>)
    %barrier3A_41 = arith.constant 0 : index
    tpu.barrier barrier_id(%barrier3A_41)
    %mul3A_42 = arith.constant 632 : i32
    %mul3A_43 = arith.muli %arg1, %mul3A_42 : i32
    %mul3A_44 = arith.constant 632 : i32
    %mul3A_45 = arith.muli %arg1, %mul3A_44 : i32
    %run_scoped3A_46 = arith.constant 0 : i32
    "tpu.region"() ({
      %run_scoped3A_99 = tpu.sem_alloc : memref<!tpu.dma_semaphore, #tpu.memory_space<semaphore_mem>>
      %dma_start3A_100 = arith.constant 0 : i32
      %dma_start3A_101 = tpu.memref_slice %arg8[%run_scoped3A_46, %arg0, %mul3A_45, %dma_start3A_100] : memref<2x2x10112x144xf32, #tpu.memory_space<hbm>> -> memref<1x1x632x144xf32, #tpu.memory_space<hbm>>
      %dma_start3A_102 = tpu.memref_squeeze %dma_start3A_101 : memref<1x1x632x144xf32, #tpu.memory_space<hbm>> -> memref<632x144xf32, #tpu.memory_space<hbm>>
      %dma_start3A_103 = arith.constant 0 : i32
      %dma_start3A_104 = tpu.memref_slice %arg15[%mul3A_43, %dma_start3A_103] : memref<10112x144xf32, #tpu.memory_space<vmem_shared>> -> memref<632x144xf32, #tpu.memory_space<vmem_shared>>
      tpu.enqueue_dma source(%dma_start3A_104 : memref<632x144xf32, #tpu.memory_space<vmem_shared>>) target(%dma_start3A_102 : memref<632x144xf32, #tpu.memory_space<hbm>>) target_semaphore(%run_scoped3A_99 : memref<!tpu.dma_semaphore, #tpu.memory_space<semaphore_mem>>)
      %dma_wait3A_105 = arith.constant 0 : i32
      %dma_wait3A_106 = tpu.memref_slice %arg8[%run_scoped3A_46, %arg0, %mul3A_45, %dma_wait3A_105] : memref<2x2x10112x144xf32, #tpu.memory_space<hbm>> -> memref<1x1x632x144xf32, #tpu.memory_space<hbm>>
      %dma_wait3A_107 = tpu.memref_squeeze %dma_wait3A_106 : memref<1x1x632x144xf32, #tpu.memory_space<hbm>> -> memref<632x144xf32, #tpu.memory_space<hbm>>
      %dma_wait3A_108 = arith.constant 0 : i32
      %dma_wait3A_109 = tpu.memref_slice %arg15[%mul3A_43, %dma_wait3A_108] : memref<10112x144xf32, #tpu.memory_space<vmem_shared>> -> memref<632x144xf32, #tpu.memory_space<vmem_shared>>
      tpu.wait_dma2 semaphore(%run_scoped3A_99 : memref<!tpu.dma_semaphore, #tpu.memory_space<semaphore_mem>>) src(%dma_wait3A_109 : memref<632x144xf32, #tpu.memory_space<vmem_shared>>) dst(%dma_wait3A_107 : memref<632x144xf32, #tpu.memory_space<hbm>>)
      tpu.yield
    }) : () -> ()
    %mul3A_47 = arith.constant 632 : i32
    %mul3A_48 = arith.muli %arg1, %mul3A_47 : i32
    %mul3A_49 = arith.constant 632 : i32
    %mul3A_50 = arith.muli %arg1, %mul3A_49 : i32
    "tpu.region"() ({
      %run_scoped3A_99 = tpu.sem_alloc : memref<!tpu.dma_semaphore, #tpu.memory_space<semaphore_mem>>
      %dma_start3A_100 = arith.constant 0 : i32
      %dma_start3A_101 = tpu.memref_slice %arg15[%mul3A_50, %dma_start3A_100] : memref<10112x144xf32, #tpu.memory_space<vmem_shared>> -> memref<632x144xf32, #tpu.memory_space<vmem_shared>>
      %dma_start3A_102 = arith.constant 0 : i32
      %dma_start3A_103 = tpu.memref_slice %arg7[%mul3A_48, %dma_start3A_102] : memref<10112x144xf32, #tpu.memory_space<hbm>> -> memref<632x144xf32, #tpu.memory_space<hbm>>
      tpu.enqueue_dma source(%dma_start3A_103 : memref<632x144xf32, #tpu.memory_space<hbm>>) target(%dma_start3A_101 : memref<632x144xf32, #tpu.memory_space<vmem_shared>>) target_semaphore(%run_scoped3A_99 : memref<!tpu.dma_semaphore, #tpu.memory_space<semaphore_mem>>)
      %dma_wait3A_104 = arith.constant 0 : i32
      %dma_wait3A_105 = tpu.memref_slice %arg15[%mul3A_50, %dma_wait3A_104] : memref<10112x144xf32, #tpu.memory_space<vmem_shared>> -> memref<632x144xf32, #tpu.memory_space<vmem_shared>>
      %dma_wait3A_106 = arith.constant 0 : i32
      %dma_wait3A_107 = tpu.memref_slice %arg7[%mul3A_48, %dma_wait3A_106] : memref<10112x144xf32, #tpu.memory_space<hbm>> -> memref<632x144xf32, #tpu.memory_space<hbm>>
      tpu.wait_dma2 semaphore(%run_scoped3A_99 : memref<!tpu.dma_semaphore, #tpu.memory_space<semaphore_mem>>) src(%dma_wait3A_107 : memref<632x144xf32, #tpu.memory_space<hbm>>) dst(%dma_wait3A_105 : memref<632x144xf32, #tpu.memory_space<vmem_shared>>)
      tpu.yield
    }) : () -> ()
    %run_scoped3A_51 = arith.constant 1 : i32
    "tpu.region"() ({
      %run_scoped3A_99 = tpu.sem_alloc : memref<!tpu.dma_semaphore, #tpu.memory_space<semaphore_mem>>
      %dma_start3A_100 = arith.constant 0 : i32
      %dma_start3A_101 = tpu.memref_slice %arg6[%run_scoped3A_51, %dma_start3A_100] : memref<2x16xf32, #tpu.memory_space<hbm>> -> memref<1x16xf32, #tpu.memory_space<hbm>>
      %dma_start3A_102 = tpu.memref_squeeze %dma_start3A_101 : memref<1x16xf32, #tpu.memory_space<hbm>> -> memref<16xf32, #tpu.memory_space<hbm>>
      %dma_start3A_103 = arith.constant 0 : i32
      %dma_start3A_104 = tpu.memref_slice %arg6[%run_scoped3A_51, %dma_start3A_103] : memref<2x16xf32, #tpu.memory_space<hbm>> -> memref<1x16xf32, #tpu.memory_space<hbm>>
      %dma_start3A_105 = tpu.memref_squeeze %dma_start3A_104 : memref<1x16xf32, #tpu.memory_space<hbm>> -> memref<16xf32, #tpu.memory_space<hbm>>
      tpu.enqueue_dma source(%dma_start3A_105 : memref<16xf32, #tpu.memory_space<hbm>>) target(%arg14 : memref<16xf32, #tpu.memory_space<vmem>>) target_semaphore(%run_scoped3A_99 : memref<!tpu.dma_semaphore, #tpu.memory_space<semaphore_mem>>)
      %dma_wait3A_106 = arith.constant 0 : i32
      %dma_wait3A_107 = tpu.memref_slice %arg6[%run_scoped3A_51, %dma_wait3A_106] : memref<2x16xf32, #tpu.memory_space<hbm>> -> memref<1x16xf32, #tpu.memory_space<hbm>>
      %dma_wait3A_108 = tpu.memref_squeeze %dma_wait3A_107 : memref<1x16xf32, #tpu.memory_space<hbm>> -> memref<16xf32, #tpu.memory_space<hbm>>
      %dma_wait3A_109 = arith.constant 0 : i32
      %dma_wait3A_110 = tpu.memref_slice %arg6[%run_scoped3A_51, %dma_wait3A_109] : memref<2x16xf32, #tpu.memory_space<hbm>> -> memref<1x16xf32, #tpu.memory_space<hbm>>
      %dma_wait3A_111 = tpu.memref_squeeze %dma_wait3A_110 : memref<1x16xf32, #tpu.memory_space<hbm>> -> memref<16xf32, #tpu.memory_space<hbm>>
      tpu.wait_dma2 semaphore(%run_scoped3A_99 : memref<!tpu.dma_semaphore, #tpu.memory_space<semaphore_mem>>) src(%dma_wait3A_111 : memref<16xf32, #tpu.memory_space<hbm>>) dst(%arg14 : memref<16xf32, #tpu.memory_space<vmem>>)
      tpu.yield
    }) : () -> ()
    %barrier3A_52 = arith.constant 0 : index
    tpu.barrier barrier_id(%barrier3A_52)
    %get3A_53 = arith.constant 0 : index
    %get3A_54 = tpu.vector_load %arg14[%get3A_53] {strides = array<i32>} : memref<16xf32, #tpu.memory_space<vmem>>, vector<16xf32>,
    %get3A_55 = vector.shape_cast %get3A_54 : vector<16xf32> to vector<16xf32>
    "tpu.region"() ({
      %run_scoped3A_99 = tpu.sem_alloc : memref<!tpu.dma_semaphore, #tpu.memory_space<semaphore_mem>>
      %dma_start3A_100 = arith.constant 0 : i32
      %dma_start3A_101 = arith.constant 0 : i32
      %dma_start3A_102 = tpu.memref_slice %arg9[%dma_start3A_100, %dma_start3A_101] : memref<2x128xi32, #tpu.memory_space<vmem>> -> memref<1x128xi32, #tpu.memory_space<vmem>>
      %dma_start3A_103 = arith.constant 0 : i32
      %dma_start3A_104 = arith.constant 0 : i32
      %dma_start3A_105 = tpu.memref_slice %arg4[%add3A, %dma_start3A_103, %dma_start3A_104] : memref<32x81x128xi32, #tpu.memory_space<hbm>> -> memref<1x1x128xi32, #tpu.memory_space<hbm>>
      %dma_start3A_106 = tpu.memref_squeeze %dma_start3A_105 : memref<1x1x128xi32, #tpu.memory_space<hbm>> -> memref<1x128xi32, #tpu.memory_space<hbm>>
      %dma_start3A_107 = arith.constant 0 : i32
      %dma_start3A_108 = arith.constant 0 : i32
      %dma_start3A_109 = tpu.memref_slice %arg9[%dma_start3A_107, %dma_start3A_108] : memref<2x128xi32, #tpu.memory_space<vmem>> -> memref<1x128xi32, #tpu.memory_space<vmem>>
      %dma_start3A_110 = arith.constant 0 : i32
      %dma_start3A_111 = arith.constant 0 : i32
      %dma_start3A_112 = tpu.memref_slice %arg4[%add3A, %dma_start3A_110, %dma_start3A_111] : memref<32x81x128xi32, #tpu.memory_space<hbm>> -> memref<1x1x128xi32, #tpu.memory_space<hbm>>
      %dma_start3A_113 = tpu.memref_squeeze %dma_start3A_112 : memref<1x1x128xi32, #tpu.memory_space<hbm>> -> memref<1x128xi32, #tpu.memory_space<hbm>>
      tpu.enqueue_dma source(%dma_start3A_113 : memref<1x128xi32, #tpu.memory_space<hbm>>) target(%dma_start3A_109 : memref<1x128xi32, #tpu.memory_space<vmem>>) target_semaphore(%run_scoped3A_99 : memref<!tpu.dma_semaphore, #tpu.memory_space<semaphore_mem>>)
      %dma_wait3A_114 = arith.constant 0 : i32
      %dma_wait3A_115 = arith.constant 0 : i32
      %dma_wait3A_116 = tpu.memref_slice %arg9[%dma_wait3A_114, %dma_wait3A_115] : memref<2x128xi32, #tpu.memory_space<vmem>> -> memref<1x128xi32, #tpu.memory_space<vmem>>
      %dma_wait3A_117 = arith.constant 0 : i32
      %dma_wait3A_118 = arith.constant 0 : i32
      %dma_wait3A_119 = tpu.memref_slice %arg4[%add3A, %dma_wait3A_117, %dma_wait3A_118] : memref<32x81x128xi32, #tpu.memory_space<hbm>> -> memref<1x1x128xi32, #tpu.memory_space<hbm>>
      %dma_wait3A_120 = tpu.memref_squeeze %dma_wait3A_119 : memref<1x1x128xi32, #tpu.memory_space<hbm>> -> memref<1x128xi32, #tpu.memory_space<hbm>>
      %dma_wait3A_121 = arith.constant 0 : i32
      %dma_wait3A_122 = arith.constant 0 : i32
      %dma_wait3A_123 = tpu.memref_slice %arg9[%dma_wait3A_121, %dma_wait3A_122] : memref<2x128xi32, #tpu.memory_space<vmem>> -> memref<1x128xi32, #tpu.memory_space<vmem>>
      %dma_wait3A_124 = arith.constant 0 : i32
      %dma_wait3A_125 = arith.constant 0 : i32
      %dma_wait3A_126 = tpu.memref_slice %arg4[%add3A, %dma_wait3A_124, %dma_wait3A_125] : memref<32x81x128xi32, #tpu.memory_space<hbm>> -> memref<1x1x128xi32, #tpu.memory_space<hbm>>
      %dma_wait3A_127 = tpu.memref_squeeze %dma_wait3A_126 : memref<1x1x128xi32, #tpu.memory_space<hbm>> -> memref<1x128xi32, #tpu.memory_space<hbm>>
      tpu.wait_dma2 semaphore(%run_scoped3A_99 : memref<!tpu.dma_semaphore, #tpu.memory_space<semaphore_mem>>) src(%dma_wait3A_127 : memref<1x128xi32, #tpu.memory_space<hbm>>) dst(%dma_wait3A_123 : memref<1x128xi32, #tpu.memory_space<vmem>>)
      tpu.yield
    }) : () -> ()
    "tpu.region"() ({
      %run_scoped3A_99 = tpu.sem_alloc : memref<!tpu.dma_semaphore, #tpu.memory_space<semaphore_mem>>
      %dma_start3A_100 = arith.constant 0 : i32
      %dma_start3A_101 = arith.constant 0 : i32
      %dma_start3A_102 = tpu.memref_slice %arg10[%dma_start3A_100, %dma_start3A_101] : memref<2x128xi32, #tpu.memory_space<vmem>> -> memref<1x128xi32, #tpu.memory_space<vmem>>
      %dma_start3A_103 = arith.constant 0 : i32
      %dma_start3A_104 = arith.constant 0 : i32
      %dma_start3A_105 = tpu.memref_slice %arg5[%add3A, %dma_start3A_103, %dma_start3A_104] : memref<32x81x128xi32, #tpu.memory_space<hbm>> -> memref<1x1x128xi32, #tpu.memory_space<hbm>>
      %dma_start3A_106 = tpu.memref_squeeze %dma_start3A_105 : memref<1x1x128xi32, #tpu.memory_space<hbm>> -> memref<1x128xi32, #tpu.memory_space<hbm>>
      %dma_start3A_107 = arith.constant 0 : i32
      %dma_start3A_108 = arith.constant 0 : i32
      %dma_start3A_109 = tpu.memref_slice %arg10[%dma_start3A_107, %dma_start3A_108] : memref<2x128xi32, #tpu.memory_space<vmem>> -> memref<1x128xi32, #tpu.memory_space<vmem>>
      %dma_start3A_110 = arith.constant 0 : i32
      %dma_start3A_111 = arith.constant 0 : i32
      %dma_start3A_112 = tpu.memref_slice %arg5[%add3A, %dma_start3A_110, %dma_start3A_111] : memref<32x81x128xi32, #tpu.memory_space<hbm>> -> memref<1x1x128xi32, #tpu.memory_space<hbm>>
      %dma_start3A_113 = tpu.memref_squeeze %dma_start3A_112 : memref<1x1x128xi32, #tpu.memory_space<hbm>> -> memref<1x128xi32, #tpu.memory_space<hbm>>
      tpu.enqueue_dma source(%dma_start3A_113 : memref<1x128xi32, #tpu.memory_space<hbm>>) target(%dma_start3A_109 : memref<1x128xi32, #tpu.memory_space<vmem>>) target_semaphore(%run_scoped3A_99 : memref<!tpu.dma_semaphore, #tpu.memory_space<semaphore_mem>>)
      %dma_wait3A_114 = arith.constant 0 : i32
      %dma_wait3A_115 = arith.constant 0 : i32
      %dma_wait3A_116 = tpu.memref_slice %arg10[%dma_wait3A_114, %dma_wait3A_115] : memref<2x128xi32, #tpu.memory_space<vmem>> -> memref<1x128xi32, #tpu.memory_space<vmem>>
      %dma_wait3A_117 = arith.constant 0 : i32
      %dma_wait3A_118 = arith.constant 0 : i32
      %dma_wait3A_119 = tpu.memref_slice %arg5[%add3A, %dma_wait3A_117, %dma_wait3A_118] : memref<32x81x128xi32, #tpu.memory_space<hbm>> -> memref<1x1x128xi32, #tpu.memory_space<hbm>>
      %dma_wait3A_120 = tpu.memref_squeeze %dma_wait3A_119 : memref<1x1x128xi32, #tpu.memory_space<hbm>> -> memref<1x128xi32, #tpu.memory_space<hbm>>
      %dma_wait3A_121 = arith.constant 0 : i32
      %dma_wait3A_122 = arith.constant 0 : i32
      %dma_wait3A_123 = tpu.memref_slice %arg10[%dma_wait3A_121, %dma_wait3A_122] : memref<2x128xi32, #tpu.memory_space<vmem>> -> memref<1x128xi32, #tpu.memory_space<vmem>>
      %dma_wait3A_124 = arith.constant 0 : i32
      %dma_wait3A_125 = arith.constant 0 : i32
      %dma_wait3A_126 = tpu.memref_slice %arg5[%add3A, %dma_wait3A_124, %dma_wait3A_125] : memref<32x81x128xi32, #tpu.memory_space<hbm>> -> memref<1x1x128xi32, #tpu.memory_space<hbm>>
      %dma_wait3A_127 = tpu.memref_squeeze %dma_wait3A_126 : memref<1x1x128xi32, #tpu.memory_space<hbm>> -> memref<1x128xi32, #tpu.memory_space<hbm>>
      tpu.wait_dma2 semaphore(%run_scoped3A_99 : memref<!tpu.dma_semaphore, #tpu.memory_space<semaphore_mem>>) src(%dma_wait3A_127 : memref<1x128xi32, #tpu.memory_space<hbm>>) dst(%dma_wait3A_123 : memref<1x128xi32, #tpu.memory_space<vmem>>)
      tpu.yield
    }) : () -> ()
    %dma_start3A_56 = arith.constant 1 : i32
    %dma_start3A_57 = arith.constant 0 : i32
    %dma_start3A_58 = arith.constant 0 : i32
    %dma_start3A_59 = tpu.memref_slice %arg9[%dma_start3A_57, %dma_start3A_58] : memref<2x128xi32, #tpu.memory_space<vmem>> -> memref<1x128xi32, #tpu.memory_space<vmem>>
    %dma_start3A_60 = tpu.memref_squeeze %dma_start3A_59 : memref<1x128xi32, #tpu.memory_space<vmem>> -> memref<128xi32, #tpu.memory_space<vmem>>
    %dma_start3A_61 = arith.constant 0 : i32
    %dma_start3A_62 = arith.constant 0 : i32
    %dma_start3A_63 = tpu.memref_slice %arg2[%dma_start3A_56, %dma_start3A_61, %dma_start3A_62] : memref<2x10112x144xf32, #tpu.memory_space<hbm>> -> memref<1x10112x144xf32, #tpu.memory_space<hbm>>
    %dma_start3A_64 = tpu.memref_squeeze %dma_start3A_63 : memref<1x10112x144xf32, #tpu.memory_space<hbm>> -> memref<10112x144xf32, #tpu.memory_space<hbm>>
    %dma_start3A_65 = arith.constant 0 : i32
    %dma_start3A_66 = arith.constant 0 : i32
    %dma_start3A_67 = tpu.memref_slice %dma_start3A_64[%dma_start3A_65, %dma_start3A_66] : memref<10112x144xf32, #tpu.memory_space<hbm>> -> memref<10112x144xf32, #tpu.memory_space<hbm>>
    tpu.enqueue_indirect_dma source(%dma_start3A_67 : memref<10112x144xf32, #tpu.memory_space<hbm>>) target(%arg11 : memref<128x144xf32, #tpu.memory_space<vmem>>) offsets(%dma_start3A_60 : memref<128xi32, #tpu.memory_space<vmem>>) semaphore(%arg16 : memref<!tpu.dma_semaphore, #tpu.memory_space<semaphore_mem>>)
    %dma_start3A_68 = arith.constant 1 : i32
    %dma_start3A_69 = arith.constant 0 : i32
    %dma_start3A_70 = arith.constant 0 : i32
    %dma_start3A_71 = tpu.memref_slice %arg10[%dma_start3A_69, %dma_start3A_70] : memref<2x128xi32, #tpu.memory_space<vmem>> -> memref<1x128xi32, #tpu.memory_space<vmem>>
    %dma_start3A_72 = tpu.memref_squeeze %dma_start3A_71 : memref<1x128xi32, #tpu.memory_space<vmem>> -> memref<128xi32, #tpu.memory_space<vmem>>
    %dma_start3A_73 = arith.constant 0 : i32
    %dma_start3A_74 = arith.constant 0 : i32
    %dma_start3A_75 = tpu.memref_slice %arg3[%dma_start3A_68, %dma_start3A_73, %dma_start3A_74] : memref<2x10112x16xf32, #tpu.memory_space<hbm>> -> memref<1x10112x16xf32, #tpu.memory_space<hbm>>
    %dma_start3A_76 = tpu.memref_squeeze %dma_start3A_75 : memref<1x10112x16xf32, #tpu.memory_space<hbm>> -> memref<10112x16xf32, #tpu.memory_space<hbm>>
    %dma_start3A_77 = arith.constant 0 : i32
    %dma_start3A_78 = arith.constant 0 : i32
    %dma_start3A_79 = tpu.memref_slice %dma_start3A_76[%dma_start3A_77, %dma_start3A_78] : memref<10112x16xf32, #tpu.memory_space<hbm>> -> memref<10112x16xf32, #tpu.memory_space<hbm>>
    tpu.enqueue_indirect_dma source(%dma_start3A_79 : memref<10112x16xf32, #tpu.memory_space<hbm>>) target(%arg12 : memref<128x16xf32, #tpu.memory_space<vmem>>) offsets(%dma_start3A_72 : memref<128xi32, #tpu.memory_space<vmem>>) semaphore(%arg16 : memref<!tpu.dma_semaphore, #tpu.memory_space<semaphore_mem>>)
    %scan3A_80 = arith.constant 0 : i32
    %scan3A_81 = arith.constant 0 : i32
    %scan3A_82 = arith.constant 81 : i32
    %scan3A_83 = arith.addi %scan3A_81, %scan3A_82 : i32
    %scan3A_84 = arith.constant 1 : i32
    scf.for %scan3A_99 = %scan3A_81 to %scan3A_83 step %scan3A_84  : i32 {
      %jit3A = arith.constant 2 : i32
      %eq3A = arith.constant 0 : i32
      %eq3A_100 = arith.cmpi eq, %jit3A, %eq3A : i32
      %jit3A_101 = arith.constant 1 : i32
      %select_n3A = arith.select %eq3A_100, %jit3A_101, %jit3A : i32
      %rem3A = arith.remsi %scan3A_99, %select_n3A : i32
      %ne3A = arith.constant 0 : i32
      %ne3A_102 = arith.cmpi ne, %rem3A, %ne3A : i32
      %lt3A = arith.constant 0 : i32
      %lt3A_103 = arith.cmpi slt, %rem3A, %lt3A : i32
      %lt3A_104 = arith.constant 0 : i32
      %lt3A_105 = arith.cmpi slt, %select_n3A, %lt3A_104 : i32
      %ne3A_106 = arith.xori %lt3A_103, %lt3A_105 : i1
      %and3A = arith.andi %ne3A_106, %ne3A_102 : i1
      %add3A_107 = arith.addi %rem3A, %select_n3A : i32
      %select_n3A_108 = arith.select %and3A, %add3A_107, %rem3A : i32
      %dma_wait3A_109 = arith.constant 1 : i32
      %dma_wait3A_110 = arith.constant 0 : i32
      %dma_wait3A_111 = tpu.memref_slice %arg9[%select_n3A_108, %dma_wait3A_110] : memref<2x128xi32, #tpu.memory_space<vmem>> -> memref<1x128xi32, #tpu.memory_space<vmem>>
      %dma_wait3A_112 = tpu.memref_squeeze %dma_wait3A_111 : memref<1x128xi32, #tpu.memory_space<vmem>> -> memref<128xi32, #tpu.memory_space<vmem>>
      %dma_wait3A_113 = arith.constant 0 : i32
      %dma_wait3A_114 = arith.constant 0 : i32
      %dma_wait3A_115 = tpu.memref_slice %arg2[%dma_wait3A_109, %dma_wait3A_113, %dma_wait3A_114] : memref<2x10112x144xf32, #tpu.memory_space<hbm>> -> memref<1x10112x144xf32, #tpu.memory_space<hbm>>
      %dma_wait3A_116 = tpu.memref_squeeze %dma_wait3A_115 : memref<1x10112x144xf32, #tpu.memory_space<hbm>> -> memref<10112x144xf32, #tpu.memory_space<hbm>>
      %dma_wait3A_117 = arith.constant 0 : i32
      %dma_wait3A_118 = arith.constant 0 : i32
      %dma_wait3A_119 = tpu.memref_slice %dma_wait3A_116[%dma_wait3A_117, %dma_wait3A_118] : memref<10112x144xf32, #tpu.memory_space<hbm>> -> memref<10112x144xf32, #tpu.memory_space<hbm>>
      tpu.wait_indirect_dma semaphore(%arg16 : memref<!tpu.dma_semaphore, #tpu.memory_space<semaphore_mem>>) src(%dma_wait3A_119 : memref<10112x144xf32, #tpu.memory_space<hbm>>) dst(%arg11 : memref<128x144xf32, #tpu.memory_space<vmem>>)
      %dma_wait3A_120 = arith.constant 1 : i32
      %dma_wait3A_121 = arith.constant 0 : i32
      %dma_wait3A_122 = tpu.memref_slice %arg10[%select_n3A_108, %dma_wait3A_121] : memref<2x128xi32, #tpu.memory_space<vmem>> -> memref<1x128xi32, #tpu.memory_space<vmem>>
      %dma_wait3A_123 = tpu.memref_squeeze %dma_wait3A_122 : memref<1x128xi32, #tpu.memory_space<vmem>> -> memref<128xi32, #tpu.memory_space<vmem>>
      %dma_wait3A_124 = arith.constant 0 : i32
      %dma_wait3A_125 = arith.constant 0 : i32
      %dma_wait3A_126 = tpu.memref_slice %arg3[%dma_wait3A_120, %dma_wait3A_124, %dma_wait3A_125] : memref<2x10112x16xf32, #tpu.memory_space<hbm>> -> memref<1x10112x16xf32, #tpu.memory_space<hbm>>
      %dma_wait3A_127 = tpu.memref_squeeze %dma_wait3A_126 : memref<1x10112x16xf32, #tpu.memory_space<hbm>> -> memref<10112x16xf32, #tpu.memory_space<hbm>>
      %dma_wait3A_128 = arith.constant 0 : i32
      %dma_wait3A_129 = arith.constant 0 : i32
      %dma_wait3A_130 = tpu.memref_slice %dma_wait3A_127[%dma_wait3A_128, %dma_wait3A_129] : memref<10112x16xf32, #tpu.memory_space<hbm>> -> memref<10112x16xf32, #tpu.memory_space<hbm>>
      tpu.wait_indirect_dma semaphore(%arg16 : memref<!tpu.dma_semaphore, #tpu.memory_space<semaphore_mem>>) src(%dma_wait3A_130 : memref<10112x16xf32, #tpu.memory_space<hbm>>) dst(%arg12 : memref<128x16xf32, #tpu.memory_space<vmem>>)
      %gt3A = arith.constant 0 : i32
      %gt3A_131 = arith.cmpi sgt, %scan3A_99, %gt3A : i32
      %convert_element_type3A = arith.extui %gt3A_131 : i1 to i32
      %cond3A = arith.constant 0 : i32
      %cond3A_132 = arith.cmpi ne, %convert_element_type3A, %cond3A : i32
      scf.if %cond3A_132 {
        %dma_wait3A_146 = arith.constant 0 : i32
        %dma_wait3A_147 = arith.constant 0 : i32
        %dma_wait3A_148 = tpu.memref_slice %arg10[%dma_wait3A_146, %dma_wait3A_147] : memref<2x128xi32, #tpu.memory_space<vmem>> -> memref<1x128xi32, #tpu.memory_space<vmem>>
        %dma_wait3A_149 = tpu.memref_squeeze %dma_wait3A_148 : memref<1x128xi32, #tpu.memory_space<vmem>> -> memref<128xi32, #tpu.memory_space<vmem>>
        %dma_wait3A_150 = arith.constant 0 : i32
        %dma_wait3A_151 = arith.constant 0 : i32
        %dma_wait3A_152 = tpu.memref_slice %arg15[%dma_wait3A_150, %dma_wait3A_151] : memref<10112x144xf32, #tpu.memory_space<vmem_shared>> -> memref<10112x144xf32, #tpu.memory_space<vmem_shared>>
        tpu.wait_indirect_dma semaphore(%arg17 : memref<!tpu.dma_semaphore, #tpu.memory_space<semaphore_mem>>) src(%arg13 : memref<128x144xf32, #tpu.memory_space<vmem>>) dst(%dma_wait3A_152 : memref<10112x144xf32, #tpu.memory_space<vmem_shared>>)
      } else {
      }
      %parallel_loop3A = arith.constant 0 : i32
      %parallel_loop3A_133 = arith.constant 128 : i32
      %parallel_loop3A_134 = arith.constant 1 : i32
      scf.for %parallel_loop3A_146 = %parallel_loop3A to %parallel_loop3A_133 step %parallel_loop3A_134  : i32 {
        %parallel_loop3A_147 = arith.index_cast %parallel_loop3A_146 : i32 to index
        %parallel_loop3A_148 = arith.constant 128 : index
        %parallel_loop3A_149 = tpu.vector_load %arg11[%parallel_loop3A_147, %parallel_loop3A_148] {strides = array<i32>} : memref<128x144xf32, #tpu.memory_space<vmem>>, vector<1x16xf32>,
        %parallel_loop3A_150 = vector.shape_cast %parallel_loop3A_149 : vector<1x16xf32> to vector<16xf32>
        %parallel_loop3A_151 = arith.index_cast %parallel_loop3A_146 : i32 to index
        %parallel_loop3A_152 = arith.constant 0 : index
        %parallel_loop3A_153 = tpu.vector_load %arg12[%parallel_loop3A_151, %parallel_loop3A_152] {strides = array<i32>} : memref<128x16xf32, #tpu.memory_space<vmem>>, vector<1x16xf32>,
        %parallel_loop3A_154 = vector.shape_cast %parallel_loop3A_153 : vector<1x16xf32> to vector<16xf32>
        %parallel_loop3A_155 = arith.addf %parallel_loop3A_150, %parallel_loop3A_154 : vector<16xf32>
        %parallel_loop3A_156 = arith.constant 0.000000e+00 : f32
        %parallel_loop3A_157 = vector.broadcast %parallel_loop3A_156 : f32 to vector<16xf32>
        %parallel_loop3A_158 = arith.cmpf oge, %parallel_loop3A_155, %parallel_loop3A_157 : vector<16xf32>
        %parallel_loop3A_159 = arith.constant 2.000000e-01 : f32
        %parallel_loop3A_160 = vector.broadcast %parallel_loop3A_159 : f32 to vector<16xf32>
        %parallel_loop3A_161 = arith.mulf %parallel_loop3A_160, %parallel_loop3A_155 : vector<16xf32>
        %parallel_loop3A_162 = arith.select %parallel_loop3A_158, %parallel_loop3A_155, %parallel_loop3A_161 : vector<16xi1>, vector<16xf32>
        %parallel_loop3A_163 = arith.subf %parallel_loop3A_162, %get3A_55 : vector<16xf32>
        %parallel_loop3A_164 = math.exp %parallel_loop3A_163 : vector<16xf32>
        %parallel_loop3A_165 = arith.index_cast %parallel_loop3A_146 : i32 to index
        %parallel_loop3A_166 = arith.constant 128 : index
        %parallel_loop3A_167 = tpu.vector_load %arg13[%parallel_loop3A_165, %parallel_loop3A_166] {strides = array<i32>} : memref<128x144xf32, #tpu.memory_space<vmem>>, vector<1x16xf32>,
        %parallel_loop3A_168 = vector.shape_cast %parallel_loop3A_167 : vector<1x16xf32> to vector<16xf32>
        %parallel_loop3A_169 = vector.shape_cast %parallel_loop3A_164 : vector<16xf32> to vector<1x16xf32>
        tpu.vector_store %arg13[%parallel_loop3A_165, %parallel_loop3A_166], %parallel_loop3A_169 {strides = array<i32>} : memref<128x144xf32, #tpu.memory_space<vmem>>, vector<1x16xf32>,
        %parallel_loop3A_170 = arith.constant 0 : i32
        %parallel_loop3A_171 = vector.broadcast %parallel_loop3A_170 : i32 to vector<16xi32>
        %parallel_loop3A_172 = vector.shape_cast %parallel_loop3A_171 : vector<16xi32> to vector<16x1xi32>
        %parallel_loop3A_173 = vector.shape_cast %parallel_loop3A_172 : vector<16x1xi32> to vector<16xi32>
        %parallel_loop3A_174 = tpu.dynamic_gather %parallel_loop3A_164[%parallel_loop3A_173] in [0] : vector<16xf32>, vector<16xi32> -> vector<16xf32>
        %parallel_loop3A_175 = arith.index_cast %parallel_loop3A_146 : i32 to index
        %parallel_loop3A_176 = arith.constant 0 : index
        %parallel_loop3A_177 = tpu.vector_load %arg11[%parallel_loop3A_175, %parallel_loop3A_176] {strides = array<i32>} : memref<128x144xf32, #tpu.memory_space<vmem>>, vector<1x16xf32>,
        %parallel_loop3A_178 = vector.shape_cast %parallel_loop3A_177 : vector<1x16xf32> to vector<16xf32>
        %parallel_loop3A_179 = arith.mulf %parallel_loop3A_178, %parallel_loop3A_174 : vector<16xf32>
        %parallel_loop3A_180 = arith.index_cast %parallel_loop3A_146 : i32 to index
        %parallel_loop3A_181 = arith.constant 0 : index
        %parallel_loop3A_182 = tpu.vector_load %arg13[%parallel_loop3A_180, %parallel_loop3A_181] {strides = array<i32>} : memref<128x144xf32, #tpu.memory_space<vmem>>, vector<1x16xf32>,
        %parallel_loop3A_183 = vector.shape_cast %parallel_loop3A_182 : vector<1x16xf32> to vector<16xf32>
        %parallel_loop3A_184 = vector.shape_cast %parallel_loop3A_179 : vector<16xf32> to vector<1x16xf32>
        tpu.vector_store %arg13[%parallel_loop3A_180, %parallel_loop3A_181], %parallel_loop3A_184 {strides = array<i32>} : memref<128x144xf32, #tpu.memory_space<vmem>>, vector<1x16xf32>,
        %parallel_loop3A_185 = arith.constant 1 : i32
        %parallel_loop3A_186 = vector.broadcast %parallel_loop3A_185 : i32 to vector<16xi32>
        %parallel_loop3A_187 = vector.shape_cast %parallel_loop3A_186 : vector<16xi32> to vector<16x1xi32>
        %parallel_loop3A_188 = vector.shape_cast %parallel_loop3A_187 : vector<16x1xi32> to vector<16xi32>
        %parallel_loop3A_189 = tpu.dynamic_gather %parallel_loop3A_164[%parallel_loop3A_188] in [0] : vector<16xf32>, vector<16xi32> -> vector<16xf32>
        %parallel_loop3A_190 = arith.index_cast %parallel_loop3A_146 : i32 to index
        %parallel_loop3A_191 = arith.constant 16 : index
        %parallel_loop3A_192 = tpu.vector_load %arg11[%parallel_loop3A_190, %parallel_loop3A_191] {strides = array<i32>} : memref<128x144xf32, #tpu.memory_space<vmem>>, vector<1x16xf32>,
        %parallel_loop3A_193 = vector.shape_cast %parallel_loop3A_192 : vector<1x16xf32> to vector<16xf32>
        %parallel_loop3A_194 = arith.mulf %parallel_loop3A_193, %parallel_loop3A_189 : vector<16xf32>
        %parallel_loop3A_195 = arith.index_cast %parallel_loop3A_146 : i32 to index
        %parallel_loop3A_196 = arith.constant 16 : index
        %parallel_loop3A_197 = tpu.vector_load %arg13[%parallel_loop3A_195, %parallel_loop3A_196] {strides = array<i32>} : memref<128x144xf32, #tpu.memory_space<vmem>>, vector<1x16xf32>,
        %parallel_loop3A_198 = vector.shape_cast %parallel_loop3A_197 : vector<1x16xf32> to vector<16xf32>
        %parallel_loop3A_199 = vector.shape_cast %parallel_loop3A_194 : vector<16xf32> to vector<1x16xf32>
        tpu.vector_store %arg13[%parallel_loop3A_195, %parallel_loop3A_196], %parallel_loop3A_199 {strides = array<i32>} : memref<128x144xf32, #tpu.memory_space<vmem>>, vector<1x16xf32>,
        %parallel_loop3A_200 = arith.constant 2 : i32
        %parallel_loop3A_201 = vector.broadcast %parallel_loop3A_200 : i32 to vector<16xi32>
        %parallel_loop3A_202 = vector.shape_cast %parallel_loop3A_201 : vector<16xi32> to vector<16x1xi32>
        %parallel_loop3A_203 = vector.shape_cast %parallel_loop3A_202 : vector<16x1xi32> to vector<16xi32>
        %parallel_loop3A_204 = tpu.dynamic_gather %parallel_loop3A_164[%parallel_loop3A_203] in [0] : vector<16xf32>, vector<16xi32> -> vector<16xf32>
        %parallel_loop3A_205 = arith.index_cast %parallel_loop3A_146 : i32 to index
        %parallel_loop3A_206 = arith.constant 32 : index
        %parallel_loop3A_207 = tpu.vector_load %arg11[%parallel_loop3A_205, %parallel_loop3A_206] {strides = array<i32>} : memref<128x144xf32, #tpu.memory_space<vmem>>, vector<1x16xf32>,
        %parallel_loop3A_208 = vector.shape_cast %parallel_loop3A_207 : vector<1x16xf32> to vector<16xf32>
        %parallel_loop3A_209 = arith.mulf %parallel_loop3A_208, %parallel_loop3A_204 : vector<16xf32>
        %parallel_loop3A_210 = arith.index_cast %parallel_loop3A_146 : i32 to index
        %parallel_loop3A_211 = arith.constant 32 : index
        %parallel_loop3A_212 = tpu.vector_load %arg13[%parallel_loop3A_210, %parallel_loop3A_211] {strides = array<i32>} : memref<128x144xf32, #tpu.memory_space<vmem>>, vector<1x16xf32>,
        %parallel_loop3A_213 = vector.shape_cast %parallel_loop3A_212 : vector<1x16xf32> to vector<16xf32>
        %parallel_loop3A_214 = vector.shape_cast %parallel_loop3A_209 : vector<16xf32> to vector<1x16xf32>
        tpu.vector_store %arg13[%parallel_loop3A_210, %parallel_loop3A_211], %parallel_loop3A_214 {strides = array<i32>} : memref<128x144xf32, #tpu.memory_space<vmem>>, vector<1x16xf32>,
        %parallel_loop3A_215 = arith.constant 3 : i32
        %parallel_loop3A_216 = vector.broadcast %parallel_loop3A_215 : i32 to vector<16xi32>
        %parallel_loop3A_217 = vector.shape_cast %parallel_loop3A_216 : vector<16xi32> to vector<16x1xi32>
        %parallel_loop3A_218 = vector.shape_cast %parallel_loop3A_217 : vector<16x1xi32> to vector<16xi32>
        %parallel_loop3A_219 = tpu.dynamic_gather %parallel_loop3A_164[%parallel_loop3A_218] in [0] : vector<16xf32>, vector<16xi32> -> vector<16xf32>
        %parallel_loop3A_220 = arith.index_cast %parallel_loop3A_146 : i32 to index
        %parallel_loop3A_221 = arith.constant 48 : index
        %parallel_loop3A_222 = tpu.vector_load %arg11[%parallel_loop3A_220, %parallel_loop3A_221] {strides = array<i32>} : memref<128x144xf32, #tpu.memory_space<vmem>>, vector<1x16xf32>,
        %parallel_loop3A_223 = vector.shape_cast %parallel_loop3A_222 : vector<1x16xf32> to vector<16xf32>
        %parallel_loop3A_224 = arith.mulf %parallel_loop3A_223, %parallel_loop3A_219 : vector<16xf32>
        %parallel_loop3A_225 = arith.index_cast %parallel_loop3A_146 : i32 to index
        %parallel_loop3A_226 = arith.constant 48 : index
        %parallel_loop3A_227 = tpu.vector_load %arg13[%parallel_loop3A_225, %parallel_loop3A_226] {strides = array<i32>} : memref<128x144xf32, #tpu.memory_space<vmem>>, vector<1x16xf32>,
        %parallel_loop3A_228 = vector.shape_cast %parallel_loop3A_227 : vector<1x16xf32> to vector<16xf32>
        %parallel_loop3A_229 = vector.shape_cast %parallel_loop3A_224 : vector<16xf32> to vector<1x16xf32>
        tpu.vector_store %arg13[%parallel_loop3A_225, %parallel_loop3A_226], %parallel_loop3A_229 {strides = array<i32>} : memref<128x144xf32, #tpu.memory_space<vmem>>, vector<1x16xf32>,
        %parallel_loop3A_230 = arith.constant 4 : i32
        %parallel_loop3A_231 = vector.broadcast %parallel_loop3A_230 : i32 to vector<16xi32>
        %parallel_loop3A_232 = vector.shape_cast %parallel_loop3A_231 : vector<16xi32> to vector<16x1xi32>
        %parallel_loop3A_233 = vector.shape_cast %parallel_loop3A_232 : vector<16x1xi32> to vector<16xi32>
        %parallel_loop3A_234 = tpu.dynamic_gather %parallel_loop3A_164[%parallel_loop3A_233] in [0] : vector<16xf32>, vector<16xi32> -> vector<16xf32>
        %parallel_loop3A_235 = arith.index_cast %parallel_loop3A_146 : i32 to index
        %parallel_loop3A_236 = arith.constant 64 : index
        %parallel_loop3A_237 = tpu.vector_load %arg11[%parallel_loop3A_235, %parallel_loop3A_236] {strides = array<i32>} : memref<128x144xf32, #tpu.memory_space<vmem>>, vector<1x16xf32>,
        %parallel_loop3A_238 = vector.shape_cast %parallel_loop3A_237 : vector<1x16xf32> to vector<16xf32>
        %parallel_loop3A_239 = arith.mulf %parallel_loop3A_238, %parallel_loop3A_234 : vector<16xf32>
        %parallel_loop3A_240 = arith.index_cast %parallel_loop3A_146 : i32 to index
        %parallel_loop3A_241 = arith.constant 64 : index
        %parallel_loop3A_242 = tpu.vector_load %arg13[%parallel_loop3A_240, %parallel_loop3A_241] {strides = array<i32>} : memref<128x144xf32, #tpu.memory_space<vmem>>, vector<1x16xf32>,
        %parallel_loop3A_243 = vector.shape_cast %parallel_loop3A_242 : vector<1x16xf32> to vector<16xf32>
        %parallel_loop3A_244 = vector.shape_cast %parallel_loop3A_239 : vector<16xf32> to vector<1x16xf32>
        tpu.vector_store %arg13[%parallel_loop3A_240, %parallel_loop3A_241], %parallel_loop3A_244 {strides = array<i32>} : memref<128x144xf32, #tpu.memory_space<vmem>>, vector<1x16xf32>,
        %parallel_loop3A_245 = arith.constant 5 : i32
        %parallel_loop3A_246 = vector.broadcast %parallel_loop3A_245 : i32 to vector<16xi32>
        %parallel_loop3A_247 = vector.shape_cast %parallel_loop3A_246 : vector<16xi32> to vector<16x1xi32>
        %parallel_loop3A_248 = vector.shape_cast %parallel_loop3A_247 : vector<16x1xi32> to vector<16xi32>
        %parallel_loop3A_249 = tpu.dynamic_gather %parallel_loop3A_164[%parallel_loop3A_248] in [0] : vector<16xf32>, vector<16xi32> -> vector<16xf32>
        %parallel_loop3A_250 = arith.index_cast %parallel_loop3A_146 : i32 to index
        %parallel_loop3A_251 = arith.constant 80 : index
        %parallel_loop3A_252 = tpu.vector_load %arg11[%parallel_loop3A_250, %parallel_loop3A_251] {strides = array<i32>} : memref<128x144xf32, #tpu.memory_space<vmem>>, vector<1x16xf32>,
        %parallel_loop3A_253 = vector.shape_cast %parallel_loop3A_252 : vector<1x16xf32> to vector<16xf32>
        %parallel_loop3A_254 = arith.mulf %parallel_loop3A_253, %parallel_loop3A_249 : vector<16xf32>
        %parallel_loop3A_255 = arith.index_cast %parallel_loop3A_146 : i32 to index
        %parallel_loop3A_256 = arith.constant 80 : index
        %parallel_loop3A_257 = tpu.vector_load %arg13[%parallel_loop3A_255, %parallel_loop3A_256] {strides = array<i32>} : memref<128x144xf32, #tpu.memory_space<vmem>>, vector<1x16xf32>,
        %parallel_loop3A_258 = vector.shape_cast %parallel_loop3A_257 : vector<1x16xf32> to vector<16xf32>
        %parallel_loop3A_259 = vector.shape_cast %parallel_loop3A_254 : vector<16xf32> to vector<1x16xf32>
        tpu.vector_store %arg13[%parallel_loop3A_255, %parallel_loop3A_256], %parallel_loop3A_259 {strides = array<i32>} : memref<128x144xf32, #tpu.memory_space<vmem>>, vector<1x16xf32>,
        %parallel_loop3A_260 = arith.constant 6 : i32
        %parallel_loop3A_261 = vector.broadcast %parallel_loop3A_260 : i32 to vector<16xi32>
        %parallel_loop3A_262 = vector.shape_cast %parallel_loop3A_261 : vector<16xi32> to vector<16x1xi32>
        %parallel_loop3A_263 = vector.shape_cast %parallel_loop3A_262 : vector<16x1xi32> to vector<16xi32>
        %parallel_loop3A_264 = tpu.dynamic_gather %parallel_loop3A_164[%parallel_loop3A_263] in [0] : vector<16xf32>, vector<16xi32> -> vector<16xf32>
        %parallel_loop3A_265 = arith.index_cast %parallel_loop3A_146 : i32 to index
        %parallel_loop3A_266 = arith.constant 96 : index
        %parallel_loop3A_267 = tpu.vector_load %arg11[%parallel_loop3A_265, %parallel_loop3A_266] {strides = array<i32>} : memref<128x144xf32, #tpu.memory_space<vmem>>, vector<1x16xf32>,
        %parallel_loop3A_268 = vector.shape_cast %parallel_loop3A_267 : vector<1x16xf32> to vector<16xf32>
        %parallel_loop3A_269 = arith.mulf %parallel_loop3A_268, %parallel_loop3A_264 : vector<16xf32>
        %parallel_loop3A_270 = arith.index_cast %parallel_loop3A_146 : i32 to index
        %parallel_loop3A_271 = arith.constant 96 : index
        %parallel_loop3A_272 = tpu.vector_load %arg13[%parallel_loop3A_270, %parallel_loop3A_271] {strides = array<i32>} : memref<128x144xf32, #tpu.memory_space<vmem>>, vector<1x16xf32>,
        %parallel_loop3A_273 = vector.shape_cast %parallel_loop3A_272 : vector<1x16xf32> to vector<16xf32>
        %parallel_loop3A_274 = vector.shape_cast %parallel_loop3A_269 : vector<16xf32> to vector<1x16xf32>
        tpu.vector_store %arg13[%parallel_loop3A_270, %parallel_loop3A_271], %parallel_loop3A_274 {strides = array<i32>} : memref<128x144xf32, #tpu.memory_space<vmem>>, vector<1x16xf32>,
        %parallel_loop3A_275 = arith.constant 7 : i32
        %parallel_loop3A_276 = vector.broadcast %parallel_loop3A_275 : i32 to vector<16xi32>
        %parallel_loop3A_277 = vector.shape_cast %parallel_loop3A_276 : vector<16xi32> to vector<16x1xi32>
        %parallel_loop3A_278 = vector.shape_cast %parallel_loop3A_277 : vector<16x1xi32> to vector<16xi32>
        %parallel_loop3A_279 = tpu.dynamic_gather %parallel_loop3A_164[%parallel_loop3A_278] in [0] : vector<16xf32>, vector<16xi32> -> vector<16xf32>
        %parallel_loop3A_280 = arith.index_cast %parallel_loop3A_146 : i32 to index
        %parallel_loop3A_281 = arith.constant 112 : index
        %parallel_loop3A_282 = tpu.vector_load %arg11[%parallel_loop3A_280, %parallel_loop3A_281] {strides = array<i32>} : memref<128x144xf32, #tpu.memory_space<vmem>>, vector<1x16xf32>,
        %parallel_loop3A_283 = vector.shape_cast %parallel_loop3A_282 : vector<1x16xf32> to vector<16xf32>
        %parallel_loop3A_284 = arith.mulf %parallel_loop3A_283, %parallel_loop3A_279 : vector<16xf32>
        %parallel_loop3A_285 = arith.index_cast %parallel_loop3A_146 : i32 to index
        %parallel_loop3A_286 = arith.constant 112 : index
        %parallel_loop3A_287 = tpu.vector_load %arg13[%parallel_loop3A_285, %parallel_loop3A_286] {strides = array<i32>} : memref<128x144xf32, #tpu.memory_space<vmem>>, vector<1x16xf32>,
        %parallel_loop3A_288 = vector.shape_cast %parallel_loop3A_287 : vector<1x16xf32> to vector<16xf32>
        %parallel_loop3A_289 = vector.shape_cast %parallel_loop3A_284 : vector<16xf32> to vector<1x16xf32>
        tpu.vector_store %arg13[%parallel_loop3A_285, %parallel_loop3A_286], %parallel_loop3A_289 {strides = array<i32>} : memref<128x144xf32, #tpu.memory_space<vmem>>, vector<1x16xf32>,
      } {sc.loop_unroll_factor = 8 : i64, sc.parallel_access}
      %dma_start3A_135 = arith.constant 0 : i32
      %dma_start3A_136 = tpu.memref_slice %arg10[%select_n3A_108, %dma_start3A_135] : memref<2x128xi32, #tpu.memory_space<vmem>> -> memref<1x128xi32, #tpu.memory_space<vmem>>
      %dma_start3A_137 = tpu.memref_squeeze %dma_start3A_136 : memref<1x128xi32, #tpu.memory_space<vmem>> -> memref<128xi32, #tpu.memory_space<vmem>>
      %dma_start3A_138 = arith.constant 0 : i32
      %dma_start3A_139 = arith.constant 0 : i32
      %dma_start3A_140 = tpu.memref_slice %arg15[%dma_start3A_138, %dma_start3A_139] : memref<10112x144xf32, #tpu.memory_space<vmem_shared>> -> memref<10112x144xf32, #tpu.memory_space<vmem_shared>>
      tpu.enqueue_indirect_dma source(%arg13 : memref<128x144xf32, #tpu.memory_space<vmem>>) target(%dma_start3A_140 : memref<10112x144xf32, #tpu.memory_space<vmem_shared>>) offsets(%dma_start3A_137 : memref<128xi32, #tpu.memory_space<vmem>>) semaphore(%arg17 : memref<!tpu.dma_semaphore, #tpu.memory_space<semaphore_mem>>) {add = true}
      %lt3A_141 = arith.constant 80 : i32
      %lt3A_142 = arith.cmpi slt, %scan3A_99, %lt3A_141 : i32
      %convert_element_type3A_143 = arith.extui %lt3A_142 : i1 to i32
      %cond3A_144 = arith.constant 0 : i32
      %cond3A_145 = arith.cmpi ne, %convert_element_type3A_143, %cond3A_144 : i32
      scf.if %cond3A_145 {
        %add3A_146 = arith.constant 1 : i32
        %add3A_147 = arith.addi %scan3A_99, %add3A_146 : i32
        %jit3A_148 = arith.constant 2 : i32
        %eq3A_149 = arith.constant 0 : i32
        %eq3A_150 = arith.cmpi eq, %jit3A_148, %eq3A_149 : i32
        %jit3A_151 = arith.constant 1 : i32
        %select_n3A_152 = arith.select %eq3A_150, %jit3A_151, %jit3A_148 : i32
        %rem3A_153 = arith.remsi %add3A_147, %select_n3A_152 : i32
        %ne3A_154 = arith.constant 0 : i32
        %ne3A_155 = arith.cmpi ne, %rem3A_153, %ne3A_154 : i32
        %lt3A_156 = arith.constant 0 : i32
        %lt3A_157 = arith.cmpi slt, %rem3A_153, %lt3A_156 : i32
        %lt3A_158 = arith.constant 0 : i32
        %lt3A_159 = arith.cmpi slt, %select_n3A_152, %lt3A_158 : i32
        %ne3A_160 = arith.xori %lt3A_157, %lt3A_159 : i1
        %and3A_161 = arith.andi %ne3A_160, %ne3A_155 : i1
        %add3A_162 = arith.addi %rem3A_153, %select_n3A_152 : i32
        %select_n3A_163 = arith.select %and3A_161, %add3A_162, %rem3A_153 : i32
        %add3A_164 = arith.constant 1 : i32
        %add3A_165 = arith.addi %scan3A_99, %add3A_164 : i32
        "tpu.region"() ({
          %run_scoped3A_190 = tpu.sem_alloc : memref<!tpu.dma_semaphore, #tpu.memory_space<semaphore_mem>>
          %dma_start3A_191 = arith.constant 0 : i32
          %dma_start3A_192 = tpu.memref_slice %arg9[%select_n3A_163, %dma_start3A_191] : memref<2x128xi32, #tpu.memory_space<vmem>> -> memref<1x128xi32, #tpu.memory_space<vmem>>
          %dma_start3A_193 = arith.constant 0 : i32
          %dma_start3A_194 = tpu.memref_slice %arg4[%add3A, %add3A_165, %dma_start3A_193] : memref<32x81x128xi32, #tpu.memory_space<hbm>> -> memref<1x1x128xi32, #tpu.memory_space<hbm>>
          %dma_start3A_195 = tpu.memref_squeeze %dma_start3A_194 : memref<1x1x128xi32, #tpu.memory_space<hbm>> -> memref<1x128xi32, #tpu.memory_space<hbm>>
          %dma_start3A_196 = arith.constant 0 : i32
          %dma_start3A_197 = tpu.memref_slice %arg9[%select_n3A_163, %dma_start3A_196] : memref<2x128xi32, #tpu.memory_space<vmem>> -> memref<1x128xi32, #tpu.memory_space<vmem>>
          %dma_start3A_198 = arith.constant 0 : i32
          %dma_start3A_199 = tpu.memref_slice %arg4[%add3A, %add3A_165, %dma_start3A_198] : memref<32x81x128xi32, #tpu.memory_space<hbm>> -> memref<1x1x128xi32, #tpu.memory_space<hbm>>
          %dma_start3A_200 = tpu.memref_squeeze %dma_start3A_199 : memref<1x1x128xi32, #tpu.memory_space<hbm>> -> memref<1x128xi32, #tpu.memory_space<hbm>>
          tpu.enqueue_dma source(%dma_start3A_200 : memref<1x128xi32, #tpu.memory_space<hbm>>) target(%dma_start3A_197 : memref<1x128xi32, #tpu.memory_space<vmem>>) target_semaphore(%run_scoped3A_190 : memref<!tpu.dma_semaphore, #tpu.memory_space<semaphore_mem>>)
          %dma_wait3A_201 = arith.constant 0 : i32
          %dma_wait3A_202 = tpu.memref_slice %arg9[%select_n3A_163, %dma_wait3A_201] : memref<2x128xi32, #tpu.memory_space<vmem>> -> memref<1x128xi32, #tpu.memory_space<vmem>>
          %dma_wait3A_203 = arith.constant 0 : i32
          %dma_wait3A_204 = tpu.memref_slice %arg4[%add3A, %add3A_165, %dma_wait3A_203] : memref<32x81x128xi32, #tpu.memory_space<hbm>> -> memref<1x1x128xi32, #tpu.memory_space<hbm>>
          %dma_wait3A_205 = tpu.memref_squeeze %dma_wait3A_204 : memref<1x1x128xi32, #tpu.memory_space<hbm>> -> memref<1x128xi32, #tpu.memory_space<hbm>>
          %dma_wait3A_206 = arith.constant 0 : i32
          %dma_wait3A_207 = tpu.memref_slice %arg9[%select_n3A_163, %dma_wait3A_206] : memref<2x128xi32, #tpu.memory_space<vmem>> -> memref<1x128xi32, #tpu.memory_space<vmem>>
          %dma_wait3A_208 = arith.constant 0 : i32
          %dma_wait3A_209 = tpu.memref_slice %arg4[%add3A, %add3A_165, %dma_wait3A_208] : memref<32x81x128xi32, #tpu.memory_space<hbm>> -> memref<1x1x128xi32, #tpu.memory_space<hbm>>
          %dma_wait3A_210 = tpu.memref_squeeze %dma_wait3A_209 : memref<1x1x128xi32, #tpu.memory_space<hbm>> -> memref<1x128xi32, #tpu.memory_space<hbm>>
          tpu.wait_dma2 semaphore(%run_scoped3A_190 : memref<!tpu.dma_semaphore, #tpu.memory_space<semaphore_mem>>) src(%dma_wait3A_210 : memref<1x128xi32, #tpu.memory_space<hbm>>) dst(%dma_wait3A_207 : memref<1x128xi32, #tpu.memory_space<vmem>>)
          tpu.yield
        }) : () -> ()
        %add3A_166 = arith.constant 1 : i32
        %add3A_167 = arith.addi %scan3A_99, %add3A_166 : i32
        "tpu.region"() ({
          %run_scoped3A_190 = tpu.sem_alloc : memref<!tpu.dma_semaphore, #tpu.memory_space<semaphore_mem>>
          %dma_start3A_191 = arith.constant 0 : i32
          %dma_start3A_192 = tpu.memref_slice %arg10[%select_n3A_163, %dma_start3A_191] : memref<2x128xi32, #tpu.memory_space<vmem>> -> memref<1x128xi32, #tpu.memory_space<vmem>>
          %dma_start3A_193 = arith.constant 0 : i32
          %dma_start3A_194 = tpu.memref_slice %arg5[%add3A, %add3A_167, %dma_start3A_193] : memref<32x81x128xi32, #tpu.memory_space<hbm>> -> memref<1x1x128xi32, #tpu.memory_space<hbm>>
          %dma_start3A_195 = tpu.memref_squeeze %dma_start3A_194 : memref<1x1x128xi32, #tpu.memory_space<hbm>> -> memref<1x128xi32, #tpu.memory_space<hbm>>
          %dma_start3A_196 = arith.constant 0 : i32
          %dma_start3A_197 = tpu.memref_slice %arg10[%select_n3A_163, %dma_start3A_196] : memref<2x128xi32, #tpu.memory_space<vmem>> -> memref<1x128xi32, #tpu.memory_space<vmem>>
          %dma_start3A_198 = arith.constant 0 : i32
          %dma_start3A_199 = tpu.memref_slice %arg5[%add3A, %add3A_167, %dma_start3A_198] : memref<32x81x128xi32, #tpu.memory_space<hbm>> -> memref<1x1x128xi32, #tpu.memory_space<hbm>>
          %dma_start3A_200 = tpu.memref_squeeze %dma_start3A_199 : memref<1x1x128xi32, #tpu.memory_space<hbm>> -> memref<1x128xi32, #tpu.memory_space<hbm>>
          tpu.enqueue_dma source(%dma_start3A_200 : memref<1x128xi32, #tpu.memory_space<hbm>>) target(%dma_start3A_197 : memref<1x128xi32, #tpu.memory_space<vmem>>) target_semaphore(%run_scoped3A_190 : memref<!tpu.dma_semaphore, #tpu.memory_space<semaphore_mem>>)
          %dma_wait3A_201 = arith.constant 0 : i32
          %dma_wait3A_202 = tpu.memref_slice %arg10[%select_n3A_163, %dma_wait3A_201] : memref<2x128xi32, #tpu.memory_space<vmem>> -> memref<1x128xi32, #tpu.memory_space<vmem>>
          %dma_wait3A_203 = arith.constant 0 : i32
          %dma_wait3A_204 = tpu.memref_slice %arg5[%add3A, %add3A_167, %dma_wait3A_203] : memref<32x81x128xi32, #tpu.memory_space<hbm>> -> memref<1x1x128xi32, #tpu.memory_space<hbm>>
          %dma_wait3A_205 = tpu.memref_squeeze %dma_wait3A_204 : memref<1x1x128xi32, #tpu.memory_space<hbm>> -> memref<1x128xi32, #tpu.memory_space<hbm>>
          %dma_wait3A_206 = arith.constant 0 : i32
          %dma_wait3A_207 = tpu.memref_slice %arg10[%select_n3A_163, %dma_wait3A_206] : memref<2x128xi32, #tpu.memory_space<vmem>> -> memref<1x128xi32, #tpu.memory_space<vmem>>
          %dma_wait3A_208 = arith.constant 0 : i32
          %dma_wait3A_209 = tpu.memref_slice %arg5[%add3A, %add3A_167, %dma_wait3A_208] : memref<32x81x128xi32, #tpu.memory_space<hbm>> -> memref<1x1x128xi32, #tpu.memory_space<hbm>>
          %dma_wait3A_210 = tpu.memref_squeeze %dma_wait3A_209 : memref<1x1x128xi32, #tpu.memory_space<hbm>> -> memref<1x128xi32, #tpu.memory_space<hbm>>
          tpu.wait_dma2 semaphore(%run_scoped3A_190 : memref<!tpu.dma_semaphore, #tpu.memory_space<semaphore_mem>>) src(%dma_wait3A_210 : memref<1x128xi32, #tpu.memory_space<hbm>>) dst(%dma_wait3A_207 : memref<1x128xi32, #tpu.memory_space<vmem>>)
          tpu.yield
        }) : () -> ()
        %dma_start3A_168 = arith.constant 1 : i32
        %dma_start3A_169 = arith.constant 0 : i32
        %dma_start3A_170 = tpu.memref_slice %arg9[%select_n3A_163, %dma_start3A_169] : memref<2x128xi32, #tpu.memory_space<vmem>> -> memref<1x128xi32, #tpu.memory_space<vmem>>
        %dma_start3A_171 = tpu.memref_squeeze %dma_start3A_170 : memref<1x128xi32, #tpu.memory_space<vmem>> -> memref<128xi32, #tpu.memory_space<vmem>>
        %dma_start3A_172 = arith.constant 0 : i32
        %dma_start3A_173 = arith.constant 0 : i32
        %dma_start3A_174 = tpu.memref_slice %arg2[%dma_start3A_168, %dma_start3A_172, %dma_start3A_173] : memref<2x10112x144xf32, #tpu.memory_space<hbm>> -> memref<1x10112x144xf32, #tpu.memory_space<hbm>>
        %dma_start3A_175 = tpu.memref_squeeze %dma_start3A_174 : memref<1x10112x144xf32, #tpu.memory_space<hbm>> -> memref<10112x144xf32, #tpu.memory_space<hbm>>
        %dma_start3A_176 = arith.constant 0 : i32
        %dma_start3A_177 = arith.constant 0 : i32
        %dma_start3A_178 = tpu.memref_slice %dma_start3A_175[%dma_start3A_176, %dma_start3A_177] : memref<10112x144xf32, #tpu.memory_space<hbm>> -> memref<10112x144xf32, #tpu.memory_space<hbm>>
        tpu.enqueue_indirect_dma source(%dma_start3A_178 : memref<10112x144xf32, #tpu.memory_space<hbm>>) target(%arg11 : memref<128x144xf32, #tpu.memory_space<vmem>>) offsets(%dma_start3A_171 : memref<128xi32, #tpu.memory_space<vmem>>) semaphore(%arg16 : memref<!tpu.dma_semaphore, #tpu.memory_space<semaphore_mem>>)
        %dma_start3A_179 = arith.constant 1 : i32
        %dma_start3A_180 = arith.constant 0 : i32
        %dma_start3A_181 = tpu.memref_slice %arg10[%select_n3A_163, %dma_start3A_180] : memref<2x128xi32, #tpu.memory_space<vmem>> -> memref<1x128xi32, #tpu.memory_space<vmem>>
        %dma_start3A_182 = tpu.memref_squeeze %dma_start3A_181 : memref<1x128xi32, #tpu.memory_space<vmem>> -> memref<128xi32, #tpu.memory_space<vmem>>
        %dma_start3A_183 = arith.constant 0 : i32
        %dma_start3A_184 = arith.constant 0 : i32
        %dma_start3A_185 = tpu.memref_slice %arg3[%dma_start3A_179, %dma_start3A_183, %dma_start3A_184] : memref<2x10112x16xf32, #tpu.memory_space<hbm>> -> memref<1x10112x16xf32, #tpu.memory_space<hbm>>
        %dma_start3A_186 = tpu.memref_squeeze %dma_start3A_185 : memref<1x10112x16xf32, #tpu.memory_space<hbm>> -> memref<10112x16xf32, #tpu.memory_space<hbm>>
        %dma_start3A_187 = arith.constant 0 : i32
        %dma_start3A_188 = arith.constant 0 : i32
        %dma_start3A_189 = tpu.memref_slice %dma_start3A_186[%dma_start3A_187, %dma_start3A_188] : memref<10112x16xf32, #tpu.memory_space<hbm>> -> memref<10112x16xf32, #tpu.memory_space<hbm>>
        tpu.enqueue_indirect_dma source(%dma_start3A_189 : memref<10112x16xf32, #tpu.memory_space<hbm>>) target(%arg12 : memref<128x16xf32, #tpu.memory_space<vmem>>) offsets(%dma_start3A_182 : memref<128xi32, #tpu.memory_space<vmem>>) semaphore(%arg16 : memref<!tpu.dma_semaphore, #tpu.memory_space<semaphore_mem>>)
      } else {
      }
    }
    %scan3A_85 = arith.constant 81 : i32
    %dma_wait3A_86 = arith.constant 0 : i32
    %dma_wait3A_87 = arith.constant 0 : i32
    %dma_wait3A_88 = tpu.memref_slice %arg10[%dma_wait3A_86, %dma_wait3A_87] : memref<2x128xi32, #tpu.memory_space<vmem>> -> memref<1x128xi32, #tpu.memory_space<vmem>>
    %dma_wait3A_89 = tpu.memref_squeeze %dma_wait3A_88 : memref<1x128xi32, #tpu.memory_space<vmem>> -> memref<128xi32, #tpu.memory_space<vmem>>
    %dma_wait3A_90 = arith.constant 0 : i32
    %dma_wait3A_91 = arith.constant 0 : i32
    %dma_wait3A_92 = tpu.memref_slice %arg15[%dma_wait3A_90, %dma_wait3A_91] : memref<10112x144xf32, #tpu.memory_space<vmem_shared>> -> memref<10112x144xf32, #tpu.memory_space<vmem_shared>>
    tpu.wait_indirect_dma semaphore(%arg17 : memref<!tpu.dma_semaphore, #tpu.memory_space<semaphore_mem>>) src(%arg13 : memref<128x144xf32, #tpu.memory_space<vmem>>) dst(%dma_wait3A_92 : memref<10112x144xf32, #tpu.memory_space<vmem_shared>>)
    %barrier3A_93 = arith.constant 0 : index
    tpu.barrier barrier_id(%barrier3A_93)
    %mul3A_94 = arith.constant 632 : i32
    %mul3A_95 = arith.muli %arg1, %mul3A_94 : i32
    %mul3A_96 = arith.constant 632 : i32
    %mul3A_97 = arith.muli %arg1, %mul3A_96 : i32
    %run_scoped3A_98 = arith.constant 1 : i32
    "tpu.region"() ({
      %run_scoped3A_99 = tpu.sem_alloc : memref<!tpu.dma_semaphore, #tpu.memory_space<semaphore_mem>>
      %dma_start3A_100 = arith.constant 0 : i32
      %dma_start3A_101 = tpu.memref_slice %arg8[%run_scoped3A_98, %arg0, %mul3A_97, %dma_start3A_100] : memref<2x2x10112x144xf32, #tpu.memory_space<hbm>> -> memref<1x1x632x144xf32, #tpu.memory_space<hbm>>
      %dma_start3A_102 = tpu.memref_squeeze %dma_start3A_101 : memref<1x1x632x144xf32, #tpu.memory_space<hbm>> -> memref<632x144xf32, #tpu.memory_space<hbm>>
      %dma_start3A_103 = arith.constant 0 : i32
      %dma_start3A_104 = tpu.memref_slice %arg15[%mul3A_95, %dma_start3A_103] : memref<10112x144xf32, #tpu.memory_space<vmem_shared>> -> memref<632x144xf32, #tpu.memory_space<vmem_shared>>
      tpu.enqueue_dma source(%dma_start3A_104 : memref<632x144xf32, #tpu.memory_space<vmem_shared>>) target(%dma_start3A_102 : memref<632x144xf32, #tpu.memory_space<hbm>>) target_semaphore(%run_scoped3A_99 : memref<!tpu.dma_semaphore, #tpu.memory_space<semaphore_mem>>)
      %dma_wait3A_105 = arith.constant 0 : i32
      %dma_wait3A_106 = tpu.memref_slice %arg8[%run_scoped3A_98, %arg0, %mul3A_97, %dma_wait3A_105] : memref<2x2x10112x144xf32, #tpu.memory_space<hbm>> -> memref<1x1x632x144xf32, #tpu.memory_space<hbm>>
      %dma_wait3A_107 = tpu.memref_squeeze %dma_wait3A_106 : memref<1x1x632x144xf32, #tpu.memory_space<hbm>> -> memref<632x144xf32, #tpu.memory_space<hbm>>
      %dma_wait3A_108 = arith.constant 0 : i32
      %dma_wait3A_109 = tpu.memref_slice %arg15[%mul3A_95, %dma_wait3A_108] : memref<10112x144xf32, #tpu.memory_space<vmem_shared>> -> memref<632x144xf32, #tpu.memory_space<vmem_shared>>
      tpu.wait_dma2 semaphore(%run_scoped3A_99 : memref<!tpu.dma_semaphore, #tpu.memory_space<semaphore_mem>>) src(%dma_wait3A_109 : memref<632x144xf32, #tpu.memory_space<vmem_shared>>) dst(%dma_wait3A_107 : memref<632x144xf32, #tpu.memory_space<hbm>>)
      tpu.yield
    }) : () -> ()
    return
  }
}

module attributes {stable_mosaic.version = 14 : i64} {
  func.func @_proj_body(%arg0: i32, %arg1: i32, %arg2: memref<1x1264x128xf32, #tpu.memory_space<vmem>>, %arg3: memref<128x128xf32, #tpu.memory_space<vmem>>, %arg4: memref<128x16xf32, #tpu.memory_space<vmem>>, %arg5: memref<128x16xf32, #tpu.memory_space<vmem>>, %arg6: memref<1x1264x128xf32, #tpu.memory_space<vmem>>, %arg7: memref<1x1264x16xf32, #tpu.memory_space<vmem>>, %arg8: memref<1x1264x16xf32, #tpu.memory_space<vmem>>, %arg9: memref<1x8x16xf32, #tpu.memory_space<vmem>>, %arg10: memref<1x8x16xf32, #tpu.memory_space<vmem>>) attributes {dimension_semantics = [#tpu.dimension_semantics<arbitrary>, #tpu.dimension_semantics<arbitrary>], iteration_bounds = array<i64: 2, 8>, scalar_prefetch = 0 : i64, scratch_operands = 0 : i64, tpu.core_type = #tpu.core_type<tc>, window_params = [{transform_indices = @transform_0, window_bounds = array<i64: 1, 1264, 128>}, {pipeline_mode = #tpu.pipeline_mode<synchronous>, transform_indices = @transform_1, window_bounds = array<i64: 128, 128>}, {pipeline_mode = #tpu.pipeline_mode<synchronous>, transform_indices = @transform_2, window_bounds = array<i64: 128, 16>}, {pipeline_mode = #tpu.pipeline_mode<synchronous>, transform_indices = @transform_3, window_bounds = array<i64: 128, 16>}, {transform_indices = @transform_4, window_bounds = array<i64: 1, 1264, 128>}, {transform_indices = @transform_5, window_bounds = array<i64: 1, 1264, 16>}, {transform_indices = @transform_6, window_bounds = array<i64: 1, 1264, 16>}, {transform_indices = @transform_7, window_bounds = array<i64: 1, 8, 16>}, {transform_indices = @transform_8, window_bounds = array<i64: 1, 8, 16>}]} {
    %get3A = arith.constant 0 : index
    %get3A_0 = arith.constant 0 : index
    %get3A_1 = arith.constant 0 : index
    %get3A_2 = vector.load %arg2[%get3A, %get3A_0, %get3A_1] : memref<1x1264x128xf32, #tpu.memory_space<vmem>>, vector<1x1264x128xf32>
    %get3A_3 = vector.shape_cast %get3A_2 : vector<1x1264x128xf32> to vector<1264x128xf32>
    %get3A_4 = arith.constant 0 : index
    %get3A_5 = arith.constant 0 : index
    %get3A_6 = vector.load %arg3[%get3A_4, %get3A_5] : memref<128x128xf32, #tpu.memory_space<vmem>>, vector<128x128xf32>
    %dot_general3A = arith.constant dense<0.000000e+00> : vector<1264x128xf32>
    %dot_general3A_7 = tpu.matmul %get3A_3, %get3A_6, %dot_general3A {dimension_numbers = #tpu.dot_dimension_numbers<[1], [0], [0], [1], [0, 0, 1, 1], [], []>, transpose_lhs_hint = false} : vector<1264x128xf32>, vector<128x128xf32>, vector<1264x128xf32> -> vector<1264x128xf32>
    %swap3A = arith.constant 0 : index
    %swap3A_8 = arith.constant 0 : index
    %swap3A_9 = arith.constant 0 : index
    %swap3A_10 = vector.load %arg6[%swap3A, %swap3A_8, %swap3A_9] : memref<1x1264x128xf32, #tpu.memory_space<vmem>>, vector<1x1264x128xf32>
    %swap3A_11 = vector.shape_cast %swap3A_10 : vector<1x1264x128xf32> to vector<1264x128xf32>
    %swap3A_12 = vector.shape_cast %dot_general3A_7 : vector<1264x128xf32> to vector<1x1264x128xf32>
    tpu.vector_store %arg6[%swap3A, %swap3A_8, %swap3A_9], %swap3A_12 {strides = array<i32>} : memref<1x1264x128xf32, #tpu.memory_space<vmem>>, vector<1x1264x128xf32>,
    %get3A_13 = arith.constant 0 : index
    %get3A_14 = arith.constant 0 : index
    %get3A_15 = vector.load %arg4[%get3A_13, %get3A_14] : memref<128x16xf32, #tpu.memory_space<vmem>>, vector<128x16xf32>
    %dot_general3A_16 = arith.constant dense<0.000000e+00> : vector<1264x16xf32>
    %dot_general3A_17 = tpu.matmul %dot_general3A_7, %get3A_15, %dot_general3A_16 {dimension_numbers = #tpu.dot_dimension_numbers<[1], [0], [0], [1], [0, 0, 1, 1], [], []>, transpose_lhs_hint = false} : vector<1264x128xf32>, vector<128x16xf32>, vector<1264x16xf32> -> vector<1264x16xf32>
    %get3A_18 = arith.constant 0 : index
    %get3A_19 = arith.constant 0 : index
    %get3A_20 = vector.load %arg5[%get3A_18, %get3A_19] : memref<128x16xf32, #tpu.memory_space<vmem>>, vector<128x16xf32>
    %dot_general3A_21 = arith.constant dense<0.000000e+00> : vector<1264x16xf32>
    %dot_general3A_22 = tpu.matmul %dot_general3A_7, %get3A_20, %dot_general3A_21 {dimension_numbers = #tpu.dot_dimension_numbers<[1], [0], [0], [1], [0, 0, 1, 1], [], []>, transpose_lhs_hint = false} : vector<1264x128xf32>, vector<128x16xf32>, vector<1264x16xf32> -> vector<1264x16xf32>
    %swap3A_23 = arith.constant 0 : index
    %swap3A_24 = arith.constant 0 : index
    %swap3A_25 = arith.constant 0 : index
    %swap3A_26 = vector.load %arg7[%swap3A_23, %swap3A_24, %swap3A_25] : memref<1x1264x16xf32, #tpu.memory_space<vmem>>, vector<1x1264x16xf32>
    %swap3A_27 = vector.shape_cast %swap3A_26 : vector<1x1264x16xf32> to vector<1264x16xf32>
    %swap3A_28 = vector.shape_cast %dot_general3A_17 : vector<1264x16xf32> to vector<1x1264x16xf32>
    tpu.vector_store %arg7[%swap3A_23, %swap3A_24, %swap3A_25], %swap3A_28 {strides = array<i32>} : memref<1x1264x16xf32, #tpu.memory_space<vmem>>, vector<1x1264x16xf32>,
    %swap3A_29 = arith.constant 0 : index
    %swap3A_30 = arith.constant 0 : index
    %swap3A_31 = arith.constant 0 : index
    %swap3A_32 = vector.load %arg8[%swap3A_29, %swap3A_30, %swap3A_31] : memref<1x1264x16xf32, #tpu.memory_space<vmem>>, vector<1x1264x16xf32>
    %swap3A_33 = vector.shape_cast %swap3A_32 : vector<1x1264x16xf32> to vector<1264x16xf32>
    %swap3A_34 = vector.shape_cast %dot_general3A_22 : vector<1264x16xf32> to vector<1x1264x16xf32>
    tpu.vector_store %arg8[%swap3A_29, %swap3A_30, %swap3A_31], %swap3A_34 {strides = array<i32>} : memref<1x1264x16xf32, #tpu.memory_space<vmem>>, vector<1x1264x16xf32>,
    %eq3A = arith.constant 0 : i32
    %eq3A_35 = arith.cmpi eq, %arg1, %eq3A : i32
    %convert_element_type3A = arith.extui %eq3A_35 : i1 to i32
    %cond3A = arith.constant 0 : i32
    %cond3A_36 = arith.cmpi ne, %convert_element_type3A, %cond3A : i32
    scf.if %cond3A_36 {
      %broadcast_in_dim3A_60 = arith.constant 0xFF800000 : f32
      %broadcast_in_dim3A_61 = vector.broadcast %broadcast_in_dim3A_60 : f32 to vector<1x8x16xf32>
      %swap3A_62 = arith.constant 0 : index
      %swap3A_63 = arith.constant 0 : index
      %swap3A_64 = arith.constant 0 : index
      %swap3A_65 = vector.load %arg9[%swap3A_62, %swap3A_63, %swap3A_64] : memref<1x8x16xf32, #tpu.memory_space<vmem>>, vector<1x8x16xf32>
      tpu.vector_store %arg9[%swap3A_62, %swap3A_63, %swap3A_64], %broadcast_in_dim3A_61 {strides = array<i32>} : memref<1x8x16xf32, #tpu.memory_space<vmem>>, vector<1x8x16xf32>,
      %broadcast_in_dim3A_66 = arith.constant 0xFF800000 : f32
      %broadcast_in_dim3A_67 = vector.broadcast %broadcast_in_dim3A_66 : f32 to vector<1x8x16xf32>
      %swap3A_68 = arith.constant 0 : index
      %swap3A_69 = arith.constant 0 : index
      %swap3A_70 = arith.constant 0 : index
      %swap3A_71 = vector.load %arg10[%swap3A_68, %swap3A_69, %swap3A_70] : memref<1x8x16xf32, #tpu.memory_space<vmem>>, vector<1x8x16xf32>
      tpu.vector_store %arg10[%swap3A_68, %swap3A_69, %swap3A_70], %broadcast_in_dim3A_67 {strides = array<i32>} : memref<1x8x16xf32, #tpu.memory_space<vmem>>, vector<1x8x16xf32>,
    } else {
    }
    %get3A_37 = arith.constant 0 : index
    %get3A_38 = arith.constant 0 : index
    %get3A_39 = arith.constant 0 : index
    %get3A_40 = vector.load %arg9[%get3A_37, %get3A_38, %get3A_39] : memref<1x8x16xf32, #tpu.memory_space<vmem>>, vector<1x8x16xf32>
    %reduce_max3A = arith.constant dense<0xFF800000> : vector<16xf32>
    %reduce_max3A_41 = vector.multi_reduction <maximumf>, %dot_general3A_17, %reduce_max3A [0] : vector<1264x16xf32> to vector<16xf32>
    %broadcast_in_dim3A = vector.shape_cast %reduce_max3A_41 : vector<16xf32> to vector<1x1x16xf32>
    %max3A = vector.broadcast %broadcast_in_dim3A : vector<1x1x16xf32> to vector<1x8x16xf32>
    %max3A_42 = arith.maximumf %get3A_40, %max3A : vector<1x8x16xf32>
    %swap3A_43 = arith.constant 0 : index
    %swap3A_44 = arith.constant 0 : index
    %swap3A_45 = arith.constant 0 : index
    %swap3A_46 = vector.load %arg9[%swap3A_43, %swap3A_44, %swap3A_45] : memref<1x8x16xf32, #tpu.memory_space<vmem>>, vector<1x8x16xf32>
    tpu.vector_store %arg9[%swap3A_43, %swap3A_44, %swap3A_45], %max3A_42 {strides = array<i32>} : memref<1x8x16xf32, #tpu.memory_space<vmem>>, vector<1x8x16xf32>,
    %get3A_47 = arith.constant 0 : index
    %get3A_48 = arith.constant 0 : index
    %get3A_49 = arith.constant 0 : index
    %get3A_50 = vector.load %arg10[%get3A_47, %get3A_48, %get3A_49] : memref<1x8x16xf32, #tpu.memory_space<vmem>>, vector<1x8x16xf32>
    %reduce_max3A_51 = arith.constant dense<0xFF800000> : vector<16xf32>
    %reduce_max3A_52 = vector.multi_reduction <maximumf>, %dot_general3A_22, %reduce_max3A_51 [0] : vector<1264x16xf32> to vector<16xf32>
    %broadcast_in_dim3A_53 = vector.shape_cast %reduce_max3A_52 : vector<16xf32> to vector<1x1x16xf32>
    %max3A_54 = vector.broadcast %broadcast_in_dim3A_53 : vector<1x1x16xf32> to vector<1x8x16xf32>
    %max3A_55 = arith.maximumf %get3A_50, %max3A_54 : vector<1x8x16xf32>
    %swap3A_56 = arith.constant 0 : index
    %swap3A_57 = arith.constant 0 : index
    %swap3A_58 = arith.constant 0 : index
    %swap3A_59 = vector.load %arg10[%swap3A_56, %swap3A_57, %swap3A_58] : memref<1x8x16xf32, #tpu.memory_space<vmem>>, vector<1x8x16xf32>
    tpu.vector_store %arg10[%swap3A_56, %swap3A_57, %swap3A_58], %max3A_55 {strides = array<i32>} : memref<1x8x16xf32, #tpu.memory_space<vmem>>, vector<1x8x16xf32>,
    return
  }
  func.func @transform_0(%arg0: i32, %arg1: i32) -> (i32, i32, i32) {
    %c0_i32 = arith.constant 0 : i32
    %c0_i32_0 = arith.constant 0 : i32
    return %arg0, %arg1, %c0_i32 : i32, i32, i32
  }
  func.func @transform_1(%arg0: i32, %arg1: i32) -> (i32, i32) {
    %c0_i32 = arith.constant 0 : i32
    %c0_i32_0 = arith.constant 0 : i32
    %c0_i32_1 = arith.constant 0 : i32
    return %c0_i32, %c0_i32_0 : i32, i32
  }
  func.func @transform_2(%arg0: i32, %arg1: i32) -> (i32, i32) {
    %c0_i32 = arith.constant 0 : i32
    %c0_i32_0 = arith.constant 0 : i32
    %c0_i32_1 = arith.constant 0 : i32
    return %c0_i32, %c0_i32_0 : i32, i32
  }
  func.func @transform_3(%arg0: i32, %arg1: i32) -> (i32, i32) {
    %c0_i32 = arith.constant 0 : i32
    %c0_i32_0 = arith.constant 0 : i32
    %c0_i32_1 = arith.constant 0 : i32
    return %c0_i32, %c0_i32_0 : i32, i32
  }
  func.func @transform_4(%arg0: i32, %arg1: i32) -> (i32, i32, i32) {
    %c0_i32 = arith.constant 0 : i32
    %c0_i32_0 = arith.constant 0 : i32
    return %arg0, %arg1, %c0_i32 : i32, i32, i32
  }
  func.func @transform_5(%arg0: i32, %arg1: i32) -> (i32, i32, i32) {
    %c0_i32 = arith.constant 0 : i32
    %c0_i32_0 = arith.constant 0 : i32
    return %arg0, %arg1, %c0_i32 : i32, i32, i32
  }
  func.func @transform_6(%arg0: i32, %arg1: i32) -> (i32, i32, i32) {
    %c0_i32 = arith.constant 0 : i32
    %c0_i32_0 = arith.constant 0 : i32
    return %arg0, %arg1, %c0_i32 : i32, i32, i32
  }
  func.func @transform_7(%arg0: i32, %arg1: i32) -> (i32, i32, i32) {
    %c0_i32 = arith.constant 0 : i32
    %c0_i32_0 = arith.constant 0 : i32
    %c0_i32_1 = arith.constant 0 : i32
    return %arg0, %c0_i32, %c0_i32_0 : i32, i32, i32
  }
  func.func @transform_8(%arg0: i32, %arg1: i32) -> (i32, i32, i32) {
    %c0_i32 = arith.constant 0 : i32
    %c0_i32_0 = arith.constant 0 : i32
    %c0_i32_1 = arith.constant 0 : i32
    return %arg0, %c0_i32, %c0_i32_0 : i32, i32, i32
  }
}

module attributes {stable_mosaic.version = 14 : i64} {
  func.func @_norm_body(%arg0: i32, %arg1: i32, %arg2: memref<1x1264x128xf32, #tpu.memory_space<vmem>>, %arg3: memref<1x1264x128xf32, #tpu.memory_space<vmem>>, %arg4: memref<1x1264x16xf32, #tpu.memory_space<vmem>>, %arg5: memref<1x1264x16xf32, #tpu.memory_space<vmem>>, %arg6: memref<16x128xf32, #tpu.memory_space<vmem>>, %arg7: memref<1x128xf32, #tpu.memory_space<vmem>>, %arg8: memref<1x1264x128xf32, #tpu.memory_space<vmem>>) attributes {dimension_semantics = [#tpu.dimension_semantics<arbitrary>, #tpu.dimension_semantics<arbitrary>], iteration_bounds = array<i64: 2, 8>, scalar_prefetch = 0 : i64, scratch_operands = 0 : i64, tpu.core_type = #tpu.core_type<tc>, window_params = [{transform_indices = @transform_0, window_bounds = array<i64: 1, 1264, 128>}, {transform_indices = @transform_1, window_bounds = array<i64: 1, 1264, 128>}, {transform_indices = @transform_2, window_bounds = array<i64: 1, 1264, 16>}, {transform_indices = @transform_3, window_bounds = array<i64: 1, 1264, 16>}, {pipeline_mode = #tpu.pipeline_mode<synchronous>, transform_indices = @transform_4, window_bounds = array<i64: 16, 128>}, {pipeline_mode = #tpu.pipeline_mode<synchronous>, transform_indices = @transform_5, window_bounds = array<i64: 1, 128>}, {transform_indices = @transform_6, window_bounds = array<i64: 1, 1264, 128>}]} {
    %get3A = arith.constant 0 : index
    %get3A_0 = arith.constant 0 : index
    %get3A_1 = arith.constant 0 : index
    %get3A_2 = vector.load %arg2[%get3A, %get3A_0, %get3A_1] : memref<1x1264x128xf32, #tpu.memory_space<vmem>>, vector<1x1264x128xf32>
    %get3A_3 = vector.shape_cast %get3A_2 : vector<1x1264x128xf32> to vector<1264x128xf32>
    %get3A_4 = arith.constant 0 : index
    %get3A_5 = arith.constant 0 : index
    %get3A_6 = arith.constant 0 : index
    %get3A_7 = vector.load %arg3[%get3A_4, %get3A_5, %get3A_6] : memref<1x1264x128xf32, #tpu.memory_space<vmem>>, vector<1x1264x128xf32>
    %get3A_8 = vector.shape_cast %get3A_7 : vector<1x1264x128xf32> to vector<1264x128xf32>
    %add3A = arith.addf %get3A_3, %get3A_8 : vector<1264x128xf32>
    %get3A_9 = arith.constant 0 : index
    %get3A_10 = arith.constant 0 : index
    %get3A_11 = arith.constant 0 : index
    %get3A_12 = vector.load %arg4[%get3A_9, %get3A_10, %get3A_11] : memref<1x1264x16xf32, #tpu.memory_space<vmem>>, vector<1x1264x16xf32>
    %get3A_13 = vector.shape_cast %get3A_12 : vector<1x1264x16xf32> to vector<1264x16xf32>
    %get3A_14 = arith.constant 0 : index
    %get3A_15 = arith.constant 0 : index
    %get3A_16 = arith.constant 0 : index
    %get3A_17 = vector.load %arg5[%get3A_14, %get3A_15, %get3A_16] : memref<1x1264x16xf32, #tpu.memory_space<vmem>>, vector<1x1264x16xf32>
    %get3A_18 = vector.shape_cast %get3A_17 : vector<1x1264x16xf32> to vector<1264x16xf32>
    %add3A_19 = arith.addf %get3A_13, %get3A_18 : vector<1264x16xf32>
    %get3A_20 = arith.constant 0 : index
    %get3A_21 = arith.constant 0 : index
    %get3A_22 = vector.load %arg6[%get3A_20, %get3A_21] : memref<16x128xf32, #tpu.memory_space<vmem>>, vector<16x128xf32>
    %dot_general3A = arith.constant dense<0.000000e+00> : vector<1264x128xf32>
    %dot_general3A_23 = tpu.matmul %add3A_19, %get3A_22, %dot_general3A {dimension_numbers = #tpu.dot_dimension_numbers<[1], [0], [0], [1], [0, 0, 1, 1], [], []>, transpose_lhs_hint = false} : vector<1264x16xf32>, vector<16x128xf32>, vector<1264x128xf32> -> vector<1264x128xf32>
    %add3A_24 = arith.constant 1.000000e-16 : f32
    %add3A_25 = vector.broadcast %add3A_24 : f32 to vector<1264x128xf32>
    %add3A_26 = arith.addf %dot_general3A_23, %add3A_25 : vector<1264x128xf32>
    %div3A = arith.divf %add3A, %add3A_26 : vector<1264x128xf32>
    %get3A_27 = arith.constant 0 : index
    %get3A_28 = arith.constant 0 : index
    %get3A_29 = vector.load %arg7[%get3A_27, %get3A_28] : memref<1x128xf32, #tpu.memory_space<vmem>>, vector<1x128xf32>
    %add3A_30 = vector.broadcast %get3A_29 : vector<1x128xf32> to vector<1264x128xf32>
    %add3A_31 = arith.addf %div3A, %add3A_30 : vector<1264x128xf32>
    %swap3A = arith.constant 0 : index
    %swap3A_32 = arith.constant 0 : index
    %swap3A_33 = arith.constant 0 : index
    %swap3A_34 = vector.load %arg8[%swap3A, %swap3A_32, %swap3A_33] : memref<1x1264x128xf32, #tpu.memory_space<vmem>>, vector<1x1264x128xf32>
    %swap3A_35 = vector.shape_cast %swap3A_34 : vector<1x1264x128xf32> to vector<1264x128xf32>
    %swap3A_36 = vector.shape_cast %add3A_31 : vector<1264x128xf32> to vector<1x1264x128xf32>
    tpu.vector_store %arg8[%swap3A, %swap3A_32, %swap3A_33], %swap3A_36 {strides = array<i32>} : memref<1x1264x128xf32, #tpu.memory_space<vmem>>, vector<1x1264x128xf32>,
    return
  }
  func.func @transform_0(%arg0: i32, %arg1: i32) -> (i32, i32, i32) {
    %c0_i32 = arith.constant 0 : i32
    %c0_i32_0 = arith.constant 0 : i32
    return %arg0, %arg1, %c0_i32 : i32, i32, i32
  }
  func.func @transform_1(%arg0: i32, %arg1: i32) -> (i32, i32, i32) {
    %c0_i32 = arith.constant 0 : i32
    %c0_i32_0 = arith.constant 0 : i32
    return %arg0, %arg1, %c0_i32 : i32, i32, i32
  }
  func.func @transform_2(%arg0: i32, %arg1: i32) -> (i32, i32, i32) {
    %c0_i32 = arith.constant 0 : i32
    %c0_i32_0 = arith.constant 0 : i32
    return %arg0, %arg1, %c0_i32 : i32, i32, i32
  }
  func.func @transform_3(%arg0: i32, %arg1: i32) -> (i32, i32, i32) {
    %c0_i32 = arith.constant 0 : i32
    %c0_i32_0 = arith.constant 0 : i32
    return %arg0, %arg1, %c0_i32 : i32, i32, i32
  }
  func.func @transform_4(%arg0: i32, %arg1: i32) -> (i32, i32) {
    %c0_i32 = arith.constant 0 : i32
    %c0_i32_0 = arith.constant 0 : i32
    %c0_i32_1 = arith.constant 0 : i32
    return %c0_i32, %c0_i32_0 : i32, i32
  }
  func.func @transform_5(%arg0: i32, %arg1: i32) -> (i32, i32) {
    %c0_i32 = arith.constant 0 : i32
    %c0_i32_0 = arith.constant 0 : i32
    %c0_i32_1 = arith.constant 0 : i32
    return %c0_i32, %c0_i32_0 : i32, i32
  }
  func.func @transform_6(%arg0: i32, %arg1: i32) -> (i32, i32, i32) {
    %c0_i32 = arith.constant 0 : i32
    %c0_i32_0 = arith.constant 0 : i32
    return %arg0, %arg1, %c0_i32 : i32, i32, i32
  }
}

</mosaic_0001>

<sc_bundles>
// kernel: kernel.5.cloned.1.call-start
scs
__scs_entry_jumppad:
0x0: {  	(pc) =	sbr.rel $0x88, $3  }
0x1: {  	(tag) =	ssettag $0x0;
	lr =	simm.s32 $0x1  }
0x2: {  	[smem:$0x3F9B] =	sst lr;
	_ =	strace $0xD0000000  }
0x3: {  	_ = 	snop  }
0x4: {  	_ = 	snop  }
0x5: {  	_ = 	snop  }
0x6: {  	_ = 	snop  }
0x7: {  	_ = 	snop  }
__scs_overlays_trampoline_lowered:
0x8: {  	[smem:$0x3FAA] =	sst s0  }
0x9: {  	[smem:$0x3FAB] =	sst s1  }
0xa: {  	[smem:$0x3FAC] =	sst s2  }
0xb: {  	[smem:$0x3FAD] =	sst s3  }
0xc: {  	[smem:$0x3FAE] =	sst s4  }
0xd: {  	[smem:$0x3FAF] =	sst s5  }
0xe: {  	[smem:$0x3FB0] =	sst s6  }
0xf: {  	[smem:$0x3FB1] =	sst s7  }
0x10: {  	[smem:$0x3FB2] =	sst s8  }
0x11: {  	[smem:$0x3FB3] =	sst s9;
	s0 =	simm.s32 @!p0 $0x0  }
0x12: {  	s1 =	sld [smem:$0x3F99];
	s0 =	simm.s32 @p0 $0x1  }
0x13: {  	[smem:$0x3FB4] =	sst s0;
	s0 =	simm.s32 @!p1 $0x0  }
0x14: {  	s2 =	sld [smem:$0x3F98];
	s0 =	simm.s32 @p1 $0x1  }
0x15: {  	[smem:$0x3FB5] =	sst s0;
	s0 =	simm.s32 @!p2 $0x0  }
0x16: {  	s3 =	sld [smem:$0x3FDB];
	s0 =	simm.s32 @p2 $0x1  }
0x17: {  	s4 =	simm.s32 $0x1BF5;
	[smem:$0x3FB7] =	sst s0  }
0x18: {  	s0 =	sld [smem:$0x3F9A];
	_ =	swait.ge [sflag:s4], $0x0  }
0x19: {  	s7 =	sld [smem:$0x3F9B]  }
0x1a: {  	s8 =	sadd.s32 $0xFFFFE003, lr  }
0x1b: {  	s9 =	sadd.s32 $0xFFFFFEF7, lr;
	s5 =	simm.s32 $0xFFFFFFFF;
	p2 =	slt.u32 s8, $0xFFFFF086  }
0x1c: {  	p1 =	slt.u32 s9, $0xF7A;
	s5 =	simm.s32 @!p2 $0x0  }
0x1d: {  	s5 =	simm.s32 @p1 $0x1;
	p0 =	seq.s32 s7, s2  }
0x1e: {  	s7 =	smul.u32 @!p0 $0xF7A, s2;
	p2 =	seq.s32 @!p0 s5, $0x0  }
0x1f: {  	s9 =	smul.u32 $0xF7A, s1;
	s8 =	simm.s32 @!p0 $0x1BF5;
	p2 =	por !p2, p0  }
0x20: {  	[sflag:s8] =	ssyncset.s32 @!p0 $0xFFFFF086;
	s6 =	sadd.s32 @!p0 s3, s7;
	s7 =	simm.s32 @!p0 $0x108  }
0x21: {  	s3 =	sadd.s32 s3, s9;
	s6 =	sadd.s32 @!p0 $0x88, s6;
	s7 =	simm.s32 @p2 $0x1082  }
0x22: {  	[simem:s7], [sflag:s8] =	dma.local @!p0 [hbm:s6], $0xF7A  }
0x23: {  	s9 =	sor.u32 $0xD0000000, s2;
	s6 =	simm.s32 $0x108;
	_ =	swait.ge @!p0 [sflag:s8], $0x0  }
0x24: {  	s3 =	sadd.s32 $0x88, s3;
	s6 =	simm.s32 @!p1 $0x1082;
	[sflag:s4] =	ssyncset.s32 $0xFFFFF086  }
0x25: {  	[simem:s6], [sflag:s4] =	dma.local [hbm:s3], $0xF7A  }
0x26: {  	[smem:$0x3F9B] =	sst s1;
	(tag) =	ssettag s2;
	_ =	strace s9  }
0x27: {  	s1 =	sld [smem:$0x3FAB]  }
0x28: {  	s2 =	sld [smem:$0x3FAC]  }
0x29: {  	s4 =	sld [smem:$0x3FAE]  }
0x2a: {  	p0 =	seq.s32 s5, $0x0;
	s5 =	sld [smem:$0x3FAF]  }
0x2b: {  	s6 =	sld [smem:$0x3FB0]  }
0x2c: {  	s7 =	sld [smem:$0x3FB1]  }
0x2d: {  	s3 =	simm.s32 $0x108;
	s8 =	sld [smem:$0x3FB2]  }
0x2e: {  	s3 =	simm.s32 @!p0 $0x1082;
	s9 =	sld [smem:$0x3FB3]  }
0x2f: {  	lr =	sadd.s32 s0, s3;
	s0 =	sld [smem:$0x3FAA]  }
0x30: {  	s3 =	sld [smem:$0x3FAD]  }
0x31: {  	[smem:$0x3FB6] =	sst s10  }
0x32: {  	s10 =	sld [smem:$0x3FB4];
	_ =	sdelay $0x3  }
0x33: {  	p0 =	seq.s32 s10, $0x1;
	s10 =	sld [smem:$0x3FB6];
	_ =	sdelay $0x3  }
0x34: {  	[smem:$0x3FB6] =	sst s10  }
0x35: {  	s10 =	sld [smem:$0x3FB5];
	_ =	sdelay $0x3  }
0x36: {  	p1 =	seq.s32 s10, $0x1;
	s10 =	sld [smem:$0x3FB6];
	_ =	sdelay $0x3  }
0x37: {  	[smem:$0x3FB6] =	sst s10  }
0x38: {  	s10 =	sld [smem:$0x3FB7]  }
0x39: {  	_ = 	snop;
	(pc) =	sbr.ind lr, $3  }
0x3a: {  	_ = 	snop  }
0x3b: {  	_ = 	snop  }
0x3c: {  	p2 =	seq.s32 s10, $0x1;
	s10 =	sld [smem:$0x3FB6]  }
0x3d: {  	_ =	shalt  }
0x3e: {  	_ =	shalt  }
0x3f: {  	_ =	shalt  }
0x40: {  	_ =	shalt  }
0x41: {  	_ =	shalt  }
0x42: {  	_ =	shalt  }
0x43: {  	_ =	shalt  }
0x44: {  	_ =	shalt  }
0x45: {  	_ =	shalt  }
0x46: {  	_ =	shalt  }
0x47: {  	_ =	shalt  }
0x48: {  	_ =	shalt  }
0x49: {  	_ =	shalt  }
0x4a: {  	_ =	shalt  }
0x4b: {  	_ =	shalt  }
0x4c: {  	_ =	shalt  }
0x4d: {  	_ =	shalt  }
0x4e: {  	_ =	shalt  }
0x4f: {  	_ =	shalt  }
0x50: {  	_ =	shalt  }
0x51: {  	_ =	shalt  }
0x52: {  	_ =	shalt  }
0x53: {  	_ =	shalt  }
0x54: {  	_ =	shalt  }
0x55: {  	_ =	shalt  }
0x56: {  	_ =	shalt  }
0x57: {  	_ =	shalt  }
0x58: {  	_ =	shalt  }
0x59: {  	_ =	shalt  }
0x5a: {  	_ =	shalt  }
0x5b: {  	_ =	shalt  }
0x5c: {  	_ =	shalt  }
0x5d: {  	_ =	shalt  }
0x5e: {  	_ =	shalt  }
0x5f: {  	_ =	shalt  }
0x60: {  	_ =	shalt  }
0x61: {  	_ =	shalt  }
0x62: {  	_ =	shalt  }
0x63: {  	_ =	shalt  }
0x64: {  	_ =	shalt  }
0x65: {  	_ =	shalt  }
0x66: {  	_ =	shalt  }
0x67: {  	_ =	shalt  }
0x68: {  	_ =	shalt  }
0x69: {  	_ =	shalt  }
0x6a: {  	_ =	shalt  }
0x6b: {  	_ =	shalt  }
0x6c: {  	_ =	shalt  }
0x6d: {  	_ =	shalt  }
0x6e: {  	_ =	shalt  }
0x6f: {  	_ =	shalt  }
0x70: {  	_ =	shalt  }
0x71: {  	_ =	shalt  }
0x72: {  	_ =	shalt  }
0x73: {  	_ =	shalt  }
0x74: {  	_ =	shalt  }
0x75: {  	_ =	shalt  }
0x76: {  	_ =	shalt  }
0x77: {  	_ =	shalt  }
0x78: {  	_ =	shalt  }
0x79: {  	_ =	shalt  }
0x7a: {  	_ =	shalt  }
0x7b: {  	_ =	shalt  }
0x7c: {  	_ =	shalt  }
0x7d: {  	_ =	shalt  }
0x7e: {  	_ =	shalt  }
0x7f: {  	_ =	shalt  }
0x80: {  	_ =	shalt  }
0x81: {  	_ =	shalt  }
0x82: {  	_ =	shalt  }
0x83: {  	_ =	shalt  }
0x84: {  	_ =	shalt  }
0x85: {  	_ =	shalt  }
0x86: {  	_ =	shalt  }
0x87: {  	_ =	shalt  }
.Lfunc_end0:
.L_simem_size_0:
called_computation_lowered:
.L_overlay_start_0:
0x88: {  	s2 =	sld [smem:$0x3FD9]  }
0x89: {  	s3 =	sld [smem:$0x3FFE];
	_ =	sdelay $0x1  }
0x8a: {  	s1 =	srdreg.scid  }
0x8b: {  	s0 =	sand.u32 $0x1, s1  }
0x8c: {  	s17 =	sshll.u32 s0, $0xA;
	s2 =	sadd.s32 s3, s2  }
0x8d: {  	s2 =	sadd.s32 s2, s17  }
0x8e: {  	[smem:$0x3FC2] =	sst s2  }
0x8f: {  	_ = 	snop  }
0x90: {  	s2 =	sld [smem:$0x3FD0];
	(tm) =	ssettm $0x1  }
0x91: {  	s18 =	sld [smem:$0x3FFB];
	_ =	sdelay $0x3  }
0x92: {  	_ =	strace s18  }
0x93: {  	s3 =	sld [smem:$0x3FFC];
	_ =	sdelay $0x3  }
0x94: {  	_ =	strace s3  }
0x95: {  	s3 =	sld [smem:$0x3FFD];
	_ =	sdelay $0x3  }
0x96: {  	_ =	strace s3  }
0x97: {  	_ =	strace $0x8FFFFFFF  }
0x98: {  	s19 =	sld [smem:$0x3FDB];
	_ =	sdelay $0x1  }
0x99: {  	s4 =	simm.s32 $_scs_section_size  }
0x9a: {  	s5 =	simm.s32 $_size__tile_overlayer_lowered;
	s6 =	simm.s32 $_tile_overlayer_lowered  }
0x9b: {  	s22 =	simm.s32 $0x1BFF;
	s21 =	sshll.u32 s6, $0x1;
	s3 =	sadd.s32 s4, s19  }
0x9c: {  	s7 =	simm.s32 $0x0;
	s20 =	sshll.u32 s5, $0x1;
	s5 =	sadd.s32 s21, s3  }
0x9d: {  	[timem:s7], [sflag:s22] =	dma.local [hbm:s5], s20  }
0x9e: {  	_ =	swait.ge [sflag:s22], s20  }
0x9f: {  	s4 =	ssub.s32 $0x0, s20;
	[sflag:s22] =	ssyncset.done $0x0  }
0xa0: {  	[sflag:s22] =	ssyncadd.s32 s4;
	_ =	sdelay $0x1  }
0xa1: {  	s23 =	simm.s32 $0x1B8B  }
0xa2: {  	_ =	swait.ge [sflag:s23], $0x1  }
0xa3: {  	[sflag:s23] =	ssyncset.done $0x0  }
0xa4: {  	s25 =	simm.s32 $0x1B8E;
	s24 =	sld [smem:$0x3FFE];
	[sflag:s23] =	ssyncadd.s32 $0xFFFFFFFF  }
0xa5: {  	s26 =	simm.s32 $execute0_lowered;
	[smem:$0x3FD2] =	sst s25  }
0xa6: {  	s5 =	sshll.u32 s26, $0x1;
	_ =	strace $0x80000046;
	[dreg:$0x1] =	wrdreg $0xFFFFFFFF  }
0xa7: {  	s28 =	simm.s32 $_size_execute0_lowered;
	s3 =	sadd.s32 s3, s5;
	[dreg:$0x0] =	wrdreg $0x0  }
0xa8: {  	s5 =	sshll.u32 s28, $0x1;
	[dreg:$0x2] =	wrdreg s3  }
0xa9: {  	[dreg:$0x3] =	wrdreg s5  }
0xaa: {  	[dreg:$0x4] =	wrdreg $0xC0  }
0xab: {  	_ =	task [dreg:s7], $0x5FFFF  }
0xac: {  	[dreg:$0x1] =	wrdreg $0xFFFFFFFF  }
0xad: {  	[dreg:$0x0] =	wrdreg $0x60  }
0xae: {  	[dreg:$0x2] =	wrdreg s24  }
0xaf: {  	[dreg:$0x3] =	wrdreg s2  }
0xb0: {  	[dreg:$0x4] =	wrdreg $0x9A100  }
0xb1: {  	[dreg:$0x5] =	wrdreg $0x9  }
0xb2: {  	_ =	task.clear_ibuf [dreg:s7], $0x6FFFF;
	_ =	strace $0x90000046  }
0xb3: {  	s29 =	simm.s32 $0x9;
	_ =	strace $0x80000048  }
0xb4: {  	_ =	swait.ge [sflag:s29], $0x1  }
0xb5: {  	[sflag:s29] =	ssyncadd.s32 $0xFFFFFFFF  }
0xb6: {  	_ =	strace $0x90000048  }
0xb7: {  	_ =	sfence  }
0xb8: {  	s30 =	sld [smem:$0x0];
	_ =	sdelay $0x2  }
0xb9: {  	s31 =	sshll.u32 s1, $0xD;
	s1 =	sshrl.u32 s1, $0x2  }
0xba: {  	s3 =	sand.u32 $0x4000, s31;
	s1 =	sadd.s32 s1, s30  }
0xbb: {  	s0 =	sor.u32 s3, s0;
	s1 =	sshll.u32 s1, $0x11  }
0xbc: {  	s0 =	sor.u32 s1, s0  }
0xbd: {  	s0 =	sadd.s32 $0x8F2B, s0  }
0xbe: {  	[sflag:s0] =	ssyncadd.remote.s32 $0x1  }
0xbf: {  	_ =	sfence.sel $0xFFFF  }
0xc0: {  	[dreg:$0x0] =	wrdreg $0xFFFFFFFF;
	(pc) =	sbr.abs _section_cstart, $3  }
0xc1: {  	[dreg:$0x1] =	wrdreg $0xFFFFFFFF  }
0xc2: {  	_ =	task.clear_ibuf [dreg:s7], $0x2FFFF;
	_ =	strace $0x9FFFFFFF  }
0xc3: {  	(tm) =	ssettm $0x7FFFFFFF  }
tec
execute0_lowered:
.L_overlay_start_1:
0x0: {  	(tag) =	ssettag $0x1  }
0x1: {  	s0 =	rddreg [dreg:$0x0]  }
0x2: {  	s2 =	rddreg [dreg:$0x1]  }
0x3: {  	s1 =	rddreg [dreg:$0x2];
	s3 =	simm.s32 $0x0  }
0x4: {  	s5 =	srdreg.scid;
	s16 =	stileid.u32;
	s28 =	simm.s32 $0x1  }
0x5: {  	s29 =	simm.s32 $0x5200;
	s30 =	simm.s32 $0x2;
	[smem:$0x7FF] =	sst s3  }
0x6: {  	s4 =	sadd.s32 $0x13D600, s0;
	s8 =	sand.u32 $0x1, s5;
	s10 =	smul.u32 $0x16380, s16  }
0x7: {  	s5 =	sadd.s32 $0x1800, s0;
	s6 =	sadd.s32 $0x15800, s0;
	s7 =	sadd.s32 $0xB600, s0  }
0x8: {  	s11 =	sadd.s32 $0x1600, s0;
	s18 =	sshll.u32 s16, $0x1;
	s21 =	sshll.u32 s16, $0x6  }
0x9: {  	s24 =	sadd.s32 $0x1602, s0;
	s16 =	sadd.s32 $0x169D00, s0;
	s17 =	sadd.s32 $0x6700, s0  }
0xa: {  	s31 =	simm.s32 $0x0;
	_ =	strace $0x80000047;
	s9 =	smul.u32 $0x163800, s8  }
0xb: {  	[dreg:$0x4] =	wrdreg s11;
	s12 =	ssub.s32 $0x2, s8;
	s8 =	sor.u32 s8, s18  }
0xc: {  	s11 =	sor.u32 $0x1C03, s21;
	[dreg:$0x6] =	wrdreg s24;
	s21 =	simm.s32 $0x3  }
0xd: {  	s24 =	simm.s32 $0x80;
	s13 =	sshrl.u32 s12, $0x1;
	s15 =	sadd.s32 s10, s1  }
0xe: {  	s9 =	sadd.s32 s10, s9;
	s14 =	ssub.s32 s12, s13;
	s10 =	sshrl.u32 s10, $0x3  }
0xf: {  	s19 =	sshrl.u32 s9, $0x3;
	s9 =	smul.u32 $0x2880, s8;
	s10 =	sadd.s32 s2, s10  }
.Ltmp0:
0x10: {  	s26 =	smax.u32 s14, $0x1;
	s20 =	sadd.s32 s19, s0;
	(pc) =	sbr.rel .LBB2_1-.Ltmp0, $4  }
0x11: {  	[dreg:$0x8] =	wrdreg s26;
	s26 =	simm.s32 $0x4A00;
	s22 =	sshrl.u32 s9, $0x3  }
0x12: {  	v0 =	vimm.s32 $0x0;
	v1 =	vimm.s32 $0x1;
	s23 =	sadd.s32 $0x1FA00, s20;
	s25 =	sadd.s32 $0x78800, s20;
	s20 =	sshrl.u32 s15, $0x3  }
0x13: {  	v2 =	vimm.s32 $0x2;
	v3 =	vimm.s32 $0x3;
	v4 =	vimm.s32 $0x4;
	s12 =	sadd.s32 s6, s22;
	s13 =	sadd.s32 s7, s22;
	[dreg:$0x5] =	wrdreg s23  }
0x14: {  	v5 =	vimm.s32 $0x5;
	v6 =	vimm.s32 $0x6;
	v7 =	vimm.s32 $0x7;
	[dreg:$0x7] =	wrdreg s25;
	s23 =	simm.s32 $0x100;
	s25 =	simm.s32 $0x200  }
.LBB2_11:
0x15: {  	_ =	swait.ge [sflag:s30], $0x4800  }
0x16: {  	[sflag:s30] =	ssyncset.done $0x0  }
0x17: {  	[sflag:s30] =	ssyncadd.s32 $0xFFFFB800  }
0x18: {  	[bflag:$0x0] =	sbarrier.arrive $0xFFFF  }
0x19: {  	s0 =	rddreg [dreg:$0x7]  }
0x1a: {  	[hbm:s0], [sflag:s11] =	dma.local [spmem:s20], $0x2C70  }
0x1b: {  	_ =	swait.ge [sflag:s21], $0x2C70  }
0x1c: {  	s31 =	sadd.s32 $0x1, s31;
	s22 =	rddreg [dreg:$0x8]  }
0x1d: {  	p0 =	sne.s32 s31, s22  }
.Ltmp1:
0x1e: {  	_ = 	snop;
	(pc) =	sbr.rel @!p0 .LBB2_12-.Ltmp1, $3  }
0x1f: {  	_ =	sdelay $0x1  }
0x20: {  	[sflag:s21] =	ssyncset.done $0x0  }
0x21: {  	[sflag:s21] =	ssyncadd.s32 $0xFFFFD390  }
.LBB2_1:
0x22: {  	[spmem:s20], [sflag:s11] =	dma.local [hbm:s10], $0x2C70  }
0x23: {  	_ =	swait.ge [sflag:s21], $0x2C70  }
0x24: {  	[sflag:s21] =	ssyncset.done $0x0  }
0x25: {  	s2 =	simm.s32 $0x9A00;
	s0 =	rddreg [dreg:$0x4];
	[sflag:s21] =	ssyncadd.s32 $0xFFFFD390  }
0x26: {  	[tilespmem:s2], [sflag:$0x3] =	stream.linear.gather [hbm4b:s0+s3], $0x10, $0x38;
	[tilespmem:$0x1FD90] =	vst v63  }
0x27: {  	_ =	swait.ge [sflag:s21], $0x10  }
0x28: {  	[sflag:s21] =	ssyncset.done $0x0  }
0x29: {  	[sflag:s21] =	ssyncadd.s32 $0xFFFFFFF0  }
0x2a: {  	[bflag:$0x0] =	sbarrier.arrive $0xFFFF  }
0x2b: {  	v8 =	vld [tilespmem:$0x9A00];
	[tilespmem:s3], [sflag:$0x3] =	stream.linear.gather [hbm4b:s12+s3], $0x80, $0x38  }
0x2c: {  	_ =	swait.ge [sflag:s21], $0x80  }
0x2d: {  	[sflag:s21] =	ssyncset.done $0x0  }
0x2e: {  	[sflag:s21] =	ssyncadd.s32 $0xFFFFFF80  }
0x2f: {  	[tilespmem:s23], [sflag:$0x3] =	stream.linear.gather [hbm4b:s13+s3], $0x80, $0x38;
	[tilespmem:$0x1FD90] =	vst v63  }
0x30: {  	_ =	swait.ge [sflag:s21], $0x80  }
0x31: {  	[sflag:s21] =	ssyncset.done $0x0  }
0x32: {  	[sflag:s21] =	ssyncadd.s32 $0xFFFFFF80  }
0x33: {  	[tilespmem:s25], [sflag:$0x1] =	stream.indirect.gather [hbm4b:s4+s24], $0x90, s3, s24, $0xb8;
	[tilespmem:$0x1FD90] =	vst v63  }
0x34: {  	s0 =	simm.s32 $0x0  }
0x35: {  	[tilespmem:s26], [sflag:$0x1] =	stream.indirect.gather [hbm4b:s5+s24], $0x10, s23, s24, $0xb8;
	[tilespmem:$0x1FD90] =	vst v63  }
.LBB2_2:
0x36: {  	_ =	swait.ge [sflag:s28], $0x4800  }
0x37: {  	[sflag:s28] =	ssyncset.done $0x0  }
0x38: {  	[sflag:s28] =	ssyncadd.s32 $0xFFFFB800  }
0x39: {  	_ =	swait.ge [sflag:s28], $0x800  }
0x3a: {  	p0 =	seq.s32 s0, $0x0;
	[sflag:s28] =	ssyncset.done $0x0  }
0x3b: {  	s2 =	simm.s32 @!p0 $0x2;
	[sflag:s28] =	ssyncadd.s32 $0xFFFFF800  }
0x3c: {  	_ =	swait.ge @!p0 [sflag:s2], $0x4800  }
0x3d: {  	[sflag:s2] =	ssyncset.done @!p0 $0x0  }
0x3e: {  	s19 =	simm.s32 $0x440;
	[sflag:s2] =	ssyncadd.s32 @!p0 $0xFFFFB800  }
0x3f: {  	s22 =	simm.s32 $0x4A40;
	v9 =	vld [tilespmem:s19+$0x230]  }
0x40: {  	v10 =	vld [tilespmem:s22+$0x30];
	_ =	sdelay $0x4  }
0x41: {  	v9 =	vadd.f32 v10, v9  }
0x42: {  	v12 =	vld [tilespmem:s19+$0x1A0]  }
0x43: {  	v10 =	vld [tilespmem:s22+$0x20];
	v11 =	vmul.f32 $2.000000030e-01, v9  }
0x44: {  	vm0 =	vge.f32 v9, $0.0e+00  }
0x45: {  	v13 =	vld [tilespmem:s22+$0xFFFFFFC0];
	v9 =	vsel vm0, v9, v11  }
0x46: {  	v14 =	vld [tilespmem:s22+$0x0];
	v9 =	vsub.f32 v9, v8  }
0x47: {  	v15 =	vld [tilespmem:s22+$0x10]  }
0x48: {  	v17 =	vld [tilespmem:s22+$0xFFFFFFE0];
	v10 =	vadd.f32 v10, v12;
	v9 =	vmul.f32 $1.442695020e+00, v9  }
0x49: {  	v12 =	vld [tilespmem:s19+$0x110]  }
0x4a: {  	v16 =	vmul.f32 $2.000000030e-01, v10;
	(erf) = vpow2.f32 v9;
	v9 =	vld [tilespmem:s19+$0x80]  }
0x4b: {  	v18 =	vld [tilespmem:s22+$0xFFFFFFF0];
	vm0 =	vge.f32 v10, $0.0e+00  }
0x4c: {  	v19 =	vld [tilespmem:s19+$0xFFFFFF60];
	v10 =	vsel vm0, v10, v16  }
0x4d: {  	v16 =	vld [tilespmem:s19+$0xFFFFFFF0];
	v10 =	vsub.f32 v10, v8  }
0x4e: {  	v11 =	vld [tilespmem:s19+$0xFFFFFE40];
	v12 =	vadd.f32 v15, v12  }
0x4f: {  	v15 =	vld [tilespmem:s22+$0xFFFFFFD0];
	v10 =	vmul.f32 $1.442695020e+00, v10;
	v9 =	vadd.f32 v14, v9  }
0x50: {  	v20 =	vmul.f32 $2.000000030e-01, v12;
	v14 =	vld [tilespmem:s19+$0xFFFFFED0]  }
0x51: {  	v17 =	vadd.f32 v17, v19;
	(erf) = vpow2.f32 v10;
	v10 =	vmul.f32 $2.000000030e-01, v9  }
0x52: {  	vm0 =	vge.f32 v12, $0.0e+00;
	v16 =	vadd.f32 v18, v16;
	vm1 =	vge.f32 v9, $0.0e+00  }
0x53: {  	v12 =	vsel vm0, v12, v20;
	v9 =	vsel vm1, v9, v10;
	v10 =	vadd.f32 v13, v11  }
0x54: {  	s8 =	simm.s32 $0x4AC0;
	s22 =	simm.s32 $0x5440;
	vm0 =	vge.f32 v17, $0.0e+00;
	v19 =	vsub.f32 v12, v8;
	v38 =	vpop (erf);
	v9 =	vsub.f32 v9, v8  }
0x55: {  	v24 =	vld [tilespmem:s8+$0x10];
	[tilespmem:s22+$0x230] =	vst v38;
	v18 =	vadd.f32 v15, v14;
	v14 =	vmul.f32 $2.000000030e-01, v17;
	v15 =	vmul.f32 $2.000000030e-01, v10  }
0x56: {  	s2 =	simm.s32 $0x8C0;
	v11 =	vperm.xlane v38, v0;
	v20 =	vld [tilespmem:s19+$0x1B0];
	vm1 =	vge.f32 v10, $0.0e+00;
	v9 =	vmul.f32 $1.442695020e+00, v9  }
0x57: {  	v25 =	vld [tilespmem:s2+$0x110];
	v17 =	vsel vm0, v17, v14;
	v21 =	vmul.f32 $2.000000030e-01, v18;
	v10 =	vsel vm1, v10, v15  }
0x58: {  	v40 =	vld [tilespmem:s2+$0x230];
	vm0 =	vge.f32 v18, $0.0e+00;
	(erf) = vpow2.f32 v9;
	v9 =	vsub.f32 v10, v8  }
0x59: {  	v41 =	vld [tilespmem:s8+$0x20];
	v10 =	vmul.f32 $2.000000030e-01, v16;
	v18 =	vsel vm0, v18, v21;
	v21 =	vsub.f32 v17, v8  }
0x5a: {  	v42 =	vld [tilespmem:s8+$0x30];
	vm0 =	vge.f32 v16, $0.0e+00;
	v22 =	vsub.f32 v18, v8;
	v9 =	vmul.f32 $1.442695020e+00, v9  }
0x5b: {  	v12 =	vld [tilespmem:s2+$0xFFFFFE40];
	v11 =	vmul.f32 v20, v11;
	v10 =	vsel vm0, v16, v10;
	v16 =	vmul.f32 $1.442695020e+00, v21  }
0x5c: {  	v13 =	vld [tilespmem:s8+$0xFFFFFFC0];
	v23 =	vmul.f32 $1.442695020e+00, v22;
	(erf) = vpow2.f32 v9  }
0x5d: {  	v14 =	vld [tilespmem:s8+$0xFFFFFFD0];
	v10 =	vsub.f32 v10, v8;
	[tilespmem:s22+$0x1B0] =	vst v11;
	v9 =	vmul.f32 $1.442695020e+00, v19;
	(erf) = vpow2.f32 v16  }
0x5e: {  	v39 =	vpop (erf);
	v11 =	vld [tilespmem:s19+$0x1C0];
	(erf) = vpow2.f32 v23  }
0x5f: {  	v15 =	vld [tilespmem:s2+$0xFFFFFED0];
	v10 =	vmul.f32 $1.442695020e+00, v10;
	(erf) = vpow2.f32 v9  }
0x60: {  	v17 =	vld [tilespmem:s8+$0xFFFFFFE0]  }
0x61: {  	v18 =	vld [tilespmem:s2+$0xFFFFFF60];
	v9 =	vperm.xlane v38, v1;
	(erf) = vpow2.f32 v10;
	v26 =	vpop (erf)  }
0x62: {  	v27 =	vperm.xlane v38, v6;
	v31 =	vperm.xlane v38, v5;
	v20 =	vld [tilespmem:s8+$0xFFFFFFF0];
	[tilespmem:s22+$0x80] =	vst v26  }
0x63: {  	v33 =	vperm.xlane v38, v4;
	[tilespmem:s22+$0x1A0] =	vst v39;
	v9 =	vmul.f32 v11, v9;
	v32 =	vld [tilespmem:s19+$0x0]  }
0x64: {  	v45 =	vperm.xlane v38, v3;
	v30 =	vperm.xlane v39, v5;
	v36 =	vld [tilespmem:s19+$0x120]  }
0x65: {  	v43 =	vperm.xlane v39, v2;
	v37 =	vperm.xlane v39, v3;
	v21 =	vld [tilespmem:s8+$0x0];
	[tilespmem:s22+$0x1C0] =	vst v9;
	v28 =	vpop (erf)  }
0x66: {  	v47 =	vperm.xlane v39, v0;
	v35 =	vperm.xlane v26, v0;
	v44 =	vld [tilespmem:s19+$0x1D0];
	[tilespmem:s22+$0xFFFFFE40] =	vst v28;
	v34 =	vpop (erf)  }
0x67: {  	v19 =	vperm.xlane v38, v7;
	v16 =	vperm.xlane v39, v7;
	v46 =	vld [tilespmem:s19+$0xFFFFFDC0];
	[tilespmem:s22+$0xFFFFFF60] =	vst v34;
	v29 =	vpop (erf)  }
0x68: {  	v23 =	vperm.xlane v39, v6;
	[tilespmem:s22+$0xFFFFFED0] =	vst v29;
	v48 =	vld [tilespmem:s19+$0xFFFFFEE0];
	v49 =	vmul.f32 v32, v35;
	v32 =	vpop (erf)  }
0x69: {  	v47 =	vmul.f32 v36, v47;
	v38 =	vperm.xlane v38, v2;
	v50 =	vld [tilespmem:s19+$0xFFFFFE50];
	[tilespmem:s22+$0x110] =	vst v32  }
0x6a: {  	v11 =	vperm.xlane v39, v4;
	v51 =	vperm.xlane v28, v0;
	v36 =	vpop (erf);
	[tilespmem:s22+$0x0] =	vst v49;
	v49 =	vld [tilespmem:s19+$0x90]  }
0x6b: {  	v53 =	vperm.xlane v26, v1;
	v52 =	vperm.xlane v34, v0;
	[tilespmem:s22+$0xFFFFFFF0] =	vst v36;
	v54 =	vld [tilespmem:s19+$0x10]  }
0x6c: {  	[tilespmem:s22+$0x120] =	vst v47;
	v60 =	vperm.xlane v29, v0;
	v55 =	vld [tilespmem:s19+$0xFFFFFF70];
	v46 =	vmul.f32 v46, v51  }
0x6d: {  	v38 =	vmul.f32 v44, v38;
	v61 =	vmul.f32 v48, v52;
	v48 =	vld [tilespmem:s19+$0x130]  }
0x6e: {  	v39 =	vperm.xlane v39, v1;
	v62 =	vperm.xlane v32, v0;
	v52 =	vld [tilespmem:s2+$0x1A0];
	[tilespmem:s22+$0xFFFFFDC0] =	vst v46  }
0x6f: {  	v9 =	vperm.xlane v34, v7;
	[tilespmem:s22+$0x1D0] =	vst v38;
	v63 =	vmul.f32 v50, v60;
	v56 =	vld [tilespmem:s19+$0xFFFFFDD0]  }
0x70: {  	v50 =	vperm.xlane v36, v0;
	[tilespmem:s22+$0xFFFFFEE0] =	vst v61;
	v60 =	vmul.f32 v49, v62;
	v49 =	vld [tilespmem:s19+$0x1E0]  }
0x71: {  	v57 =	vperm.xlane v34, v1;
	[tilespmem:s22+$0xFFFFFE50] =	vst v63;
	v61 =	vld [tilespmem:s19+$0xFFFFFEF0];
	v62 =	vmul.f32 v54, v53  }
0x72: {  	v10 =	vperm.xlane v29, v7;
	v50 =	vmul.f32 v55, v50;
	v63 =	vld [tilespmem:s19+$0xFFFFFE60];
	[tilespmem:s22+$0x90] =	vst v60  }
0x73: {  	v40 =	vadd.f32 v42, v40;
	v35 =	vperm.xlane v26, v6;
	v55 =	vperm.xlane v28, v1;
	[tilespmem:s22+$0x10] =	vst v62;
	v44 =	vld [tilespmem:s19+$0xA0]  }
0x74: {  	v58 =	vperm.xlane v29, v1;
	v39 =	vmul.f32 v48, v39;
	[tilespmem:s22+$0xFFFFFF70] =	vst v50;
	v50 =	vld [tilespmem:s19+$0x20]  }
0x75: {  	v51 =	vmul.f32 $2.000000030e-01, v40;
	v53 =	vld [tilespmem:s19+$0xFFFFFF80];
	v42 =	vmul.f32 v56, v55  }
0x76: {  	vm0 =	vge.f32 v40, $0.0e+00;
	v22 =	vld [tilespmem:s2+$0x80];
	v60 =	vperm.xlane v32, v1;
	[tilespmem:s22+$0x130] =	vst v39;
	v59 =	vmul.f32 v61, v57  }
0x77: {  	v40 =	vsel vm0, v40, v51;
	v48 =	vperm.xlane v26, v2;
	v47 =	vld [tilespmem:s19+$0x140];
	[tilespmem:s22+$0xFFFFFDD0] =	vst v42;
	v62 =	vmul.f32 v63, v58  }
0x78: {  	v61 =	vsub.f32 v40, v8;
	v63 =	vperm.xlane v36, v1;
	v57 =	vld [tilespmem:s19+$0xFFFFFDE0];
	[tilespmem:s22+$0xFFFFFEF0] =	vst v59;
	v58 =	vmul.f32 v44, v60  }
0x79: {  	v39 =	vadd.f32 v41, v52;
	v45 =	vmul.f32 v49, v45;
	[tilespmem:s22+$0xFFFFFE60] =	vst v62;
	v59 =	vld [tilespmem:s19+$0xFFFFFF00];
	v60 =	vmul.f32 v50, v48  }
0x7a: {  	v38 =	vmul.f32 $1.442695020e+00, v61;
	v42 =	vmul.f32 v53, v63;
	v61 =	vld [tilespmem:s19+$0xFFFFFE70];
	[tilespmem:s22+$0xA0] =	vst v58  }
0x7b: {  	v56 =	vmul.f32 $2.000000030e-01, v39;
	v62 =	vperm.xlane v28, v2;
	[tilespmem:s22+$0x20] =	vst v60;
	v63 =	vld [tilespmem:s19+$0xB0]  }
0x7c: {  	vm0 =	vge.f32 v39, $0.0e+00;
	v53 =	vperm.xlane v34, v2;
	v43 =	vmul.f32 v47, v43;
	[tilespmem:s22+$0xFFFFFF80] =	vst v42;
	v54 =	vld [tilespmem:s19+$0x30]  }
0x7d: {  	v55 =	vperm.xlane v29, v2;
	[tilespmem:s22+$0x1E0] =	vst v45;
	v39 =	vsel vm0, v39, v56;
	v56 =	vld [tilespmem:s19+$0xFFFFFF90];
	v41 =	vmul.f32 v57, v62  }
0x7e: {  	v46 =	vld [tilespmem:s19+$0x1F0];
	[tilespmem:s22+$0x140] =	vst v43;
	v57 =	vperm.xlane v32, v2;
	v40 =	vmul.f32 v59, v53  }
0x7f: {  	v48 =	vperm.xlane v26, v3;
	v39 =	vsub.f32 v39, v8;
	v58 =	vld [tilespmem:s19+$0x150];
	[tilespmem:s22+$0xFFFFFDE0] =	vst v41;
	v59 =	vmul.f32 v61, v55  }
0x80: {  	v60 =	vperm.xlane v36, v2;
	v61 =	vld [tilespmem:s19+$0xFFFFFDF0];
	[tilespmem:s22+$0xFFFFFF00] =	vst v40;
	v62 =	vmul.f32 v63, v57  }
0x81: {  	v39 =	vmul.f32 $1.442695020e+00, v39;
	[tilespmem:s22+$0xFFFFFE70] =	vst v59;
	v63 =	vld [tilespmem:s19+$0xFFFFFF10];
	v51 =	vmul.f32 v54, v48  }
0x82: {  	(erf) = vpow2.f32 v38;
	v53 =	vmul.f32 v56, v60;
	v52 =	vld [tilespmem:s19+$0xFFFFFE80];
	[tilespmem:s22+$0xB0] =	vst v62  }
0x83: {  	(erf) = vpow2.f32 v39;
	v54 =	vperm.xlane v28, v3;
	[tilespmem:s22+$0x30] =	vst v51;
	v55 =	vld [tilespmem:s19+$0xC0]  }
0x84: {  	v56 =	vperm.xlane v34, v3;
	v37 =	vmul.f32 v58, v37;
	[tilespmem:s22+$0xFFFFFF90] =	vst v53;
	v58 =	vld [tilespmem:s19+$0x40]  }
0x85: {  	v59 =	vperm.xlane v29, v3;
	v60 =	vld [tilespmem:s19+$0xFFFFFFA0];
	v40 =	vmul.f32 v61, v54  }
0x86: {  	v48 =	vld [tilespmem:s2+$0xFFFFFFF0];
	v62 =	vperm.xlane v32, v3;
	[tilespmem:s22+$0x150] =	vst v37;
	v61 =	vmul.f32 v63, v56  }
0x87: {  	v57 =	vperm.xlane v26, v4;
	v63 =	vld [tilespmem:s19+$0x160];
	[tilespmem:s22+$0xFFFFFDF0] =	vst v40;
	v39 =	vmul.f32 v52, v59  }
0x88: {  	v52 =	vperm.xlane v36, v3;
	v53 =	vld [tilespmem:s19+$0xFFFFFE00];
	[tilespmem:s22+$0xFFFFFF10] =	vst v61;
	v54 =	vmul.f32 v55, v62  }
0x89: {  	v49 =	vperm.xlane v29, v5;
	[tilespmem:s22+$0xFFFFFE80] =	vst v39;
	v55 =	vld [tilespmem:s19+$0xFFFFFF20];
	v56 =	vmul.f32 v58, v57  }
0x8a: {  	v44 =	vperm.xlane v34, v6;
	v40 =	vmul.f32 v60, v52;
	v57 =	vld [tilespmem:s19+$0xFFFFFE90];
	[tilespmem:s22+$0xC0] =	vst v54  }
0x8b: {  	v33 =	vmul.f32 v46, v33;
	v58 =	vperm.xlane v28, v4;
	[tilespmem:s22+$0x40] =	vst v56;
	v59 =	vld [tilespmem:s19+$0xD0]  }
0x8c: {  	v60 =	vperm.xlane v34, v4;
	v11 =	vmul.f32 v63, v11;
	[tilespmem:s22+$0xFFFFFFA0] =	vst v40;
	v62 =	vld [tilespmem:s19+$0x50]  }
0x8d: {  	[tilespmem:s22+$0x1F0] =	vst v33;
	v63 =	vperm.xlane v29, v4;
	v52 =	vld [tilespmem:s19+$0xFFFFFFB0];
	v37 =	vmul.f32 v53, v58  }
0x8e: {  	v54 =	vld [tilespmem:s19+$0x200];
	v53 =	vperm.xlane v32, v4;
	[tilespmem:s22+$0x160] =	vst v11;
	v38 =	vmul.f32 v55, v60  }
0x8f: {  	v61 =	vperm.xlane v26, v5;
	[tilespmem:s22+$0xFFFFFE00] =	vst v37;
	v55 =	vmul.f32 v57, v63;
	v57 =	vld [tilespmem:s19+$0x170]  }
0x90: {  	v56 =	vperm.xlane v36, v4;
	v58 =	vld [tilespmem:s19+$0xFFFFFE10];
	[tilespmem:s22+$0xFFFFFF20] =	vst v38;
	v41 =	vmul.f32 v59, v53  }
0x91: {  	v51 =	vperm.xlane v32, v5;
	[tilespmem:s22+$0xFFFFFE90] =	vst v55;
	v59 =	vld [tilespmem:s19+$0xFFFFFF30];
	v40 =	vmul.f32 v62, v61  }
0x92: {  	v39 =	vperm.xlane v36, v6;
	v42 =	vmul.f32 v52, v56;
	v60 =	vld [tilespmem:s19+$0xFFFFFEA0];
	[tilespmem:s22+$0xD0] =	vst v41  }
0x93: {  	v31 =	vmul.f32 v54, v31;
	v61 =	vperm.xlane v28, v5;
	[tilespmem:s22+$0x50] =	vst v40;
	v62 =	vld [tilespmem:s19+$0xE0]  }
0x94: {  	v34 =	vperm.xlane v34, v5;
	v11 =	vpop (erf);
	[tilespmem:s22+$0xFFFFFFB0] =	vst v42;
	v63 =	vld [tilespmem:s19+$0x60];
	v30 =	vmul.f32 v57, v30  }
0x95: {  	v33 =	vperm.xlane v11, v0;
	[tilespmem:s22+$0x200] =	vst v31;
	v50 =	vld [tilespmem:s19+$0xFFFFFFC0];
	v41 =	vmul.f32 v58, v61  }
0x96: {  	v38 =	vperm.xlane v26, v7;
	v31 =	vmul.f32 v59, v34;
	[tilespmem:s22+$0x170] =	vst v30;
	v30 =	vld [tilespmem:s19+$0x210]  }
0x97: {  	v26 =	vperm.xlane v32, v7;
	[tilespmem:s22+$0xFFFFFE10] =	vst v41;
	v52 =	vmul.f32 v60, v49;
	v54 =	vld [tilespmem:s19+$0x180]  }
0x98: {  	v53 =	vperm.xlane v36, v5;
	v55 =	vld [tilespmem:s19+$0xFFFFFE20];
	[tilespmem:s22+$0xFFFFFF30] =	vst v31;
	v37 =	vmul.f32 v62, v51  }
0x99: {  	v32 =	vperm.xlane v32, v6;
	[tilespmem:s22+$0xFFFFFEA0] =	vst v52;
	v56 =	vld [tilespmem:s19+$0xFFFFFF40];
	v35 =	vmul.f32 v63, v35  }
0x9a: {  	v24 =	vadd.f32 v24, v25;
	v34 =	vperm.xlane v28, v7;
	v57 =	vmul.f32 v50, v53;
	v25 =	vld [tilespmem:s19+$0xFFFFFEB0];
	[tilespmem:s22+$0xE0] =	vst v37  }
0x9b: {  	v28 =	vperm.xlane v28, v6;
	[tilespmem:s22+$0x60] =	vst v35;
	v58 =	vld [tilespmem:s19+$0xF0];
	v27 =	vmul.f32 v30, v27  }
0x9c: {  	v59 =	vmul.f32 $2.000000030e-01, v24;
	v30 =	vadd.f32 v21, v22;
	[tilespmem:s22+$0xFFFFFFC0] =	vst v57;
	v22 =	vld [tilespmem:s19+$0x70];
	v21 =	vmul.f32 v54, v23  }
0x9d: {  	v18 =	vadd.f32 v17, v18;
	v23 =	vmul.f32 v55, v28;
	v28 =	vperm.xlane v29, v6;
	v29 =	vld [tilespmem:s19+$0xFFFFFFD0];
	[tilespmem:s22+$0x210] =	vst v27  }
0x9e: {  	vm0 =	vge.f32 v24, $0.0e+00;
	v27 =	vmul.f32 $2.000000030e-01, v30;
	v60 =	vmul.f32 v56, v44;
	[tilespmem:s22+$0x180] =	vst v21;
	v61 =	vld [tilespmem:s19+$0x220]  }
0x9f: {  	vm1 =	vge.f32 v30, $0.0e+00;
	v21 =	vadd.f32 v20, v48;
	[tilespmem:s22+$0xFFFFFE20] =	vst v23;
	v20 =	vmul.f32 v25, v28;
	v62 =	vld [tilespmem:s19+$0x190]  }
0xa0: {  	v31 =	vperm.xlane v36, v7;
	v23 =	vsel vm0, v24, v59;
	v25 =	vsel vm1, v30, v27;
	v17 =	vld [tilespmem:s19+$0xFFFFFE30];
	[tilespmem:s22+$0xFFFFFF40] =	vst v60  }
0xa1: {  	s14 =	simm.s32 $0x58C0;
	v28 =	vadd.f32 v14, v15;
	v24 =	vsub.f32 v23, v8;
	[tilespmem:s22+$0xFFFFFEB0] =	vst v20;
	v23 =	vld [tilespmem:s19+$0xFFFFFF50];
	v20 =	vmul.f32 v58, v32  }
0xa2: {  	[tilespmem:s14+$0x230] =	vst v11;
	v15 =	vadd.f32 v13, v12;
	v27 =	vsub.f32 v25, v8;
	v25 =	vld [tilespmem:s19+$0xFFFFFEC0];
	v14 =	vmul.f32 v29, v39  }
0xa3: {  	v63 =	vmul.f32 $2.000000030e-01, v18;
	vm1 =	vge.f32 v18, $0.0e+00;
	v29 =	vld [tilespmem:s2+$0x1B0];
	[tilespmem:s22+$0xF0] =	vst v20;
	v13 =	vmul.f32 v61, v19  }
0xa4: {  	vm0 =	vge.f32 v21, $0.0e+00;
	v35 =	vmul.f32 $2.000000030e-01, v15;
	v30 =	vmul.f32 $1.442695020e+00, v27;
	[tilespmem:s22+$0xFFFFFFD0] =	vst v14;
	v20 =	vld [tilespmem:s19+$0x100]  }
0xa5: {  	s15 =	simm.s32 $0x8;
	s18 =	simm.s32 $0xD40;
	v12 =	vpop (erf);
	v32 =	vsel vm1, v18, v63;
	v19 =	vmul.f32 $2.000000030e-01, v21;
	v16 =	vmul.f32 v62, v16;
	v27 =	vld [tilespmem:s19+$0xFFFFFFE0];
	[tilespmem:s22+$0x220] =	vst v13  }
.LBB2_3:
0xa6: {  	v13 =	vld [tilespmem:s18+$0xFFFFFE40];
	s15 =	sadd.s32 $0x8, s15;
	vm1 =	vge.f32 v15, $0.0e+00;
	v18 =	vmul.f32 $2.000000030e-01, v28;
	s8 =	sadd.s32 $0x80, s8;
	v22 =	vmul.f32 v22, v38  }
0xa7: {  	v14 =	vld [tilespmem:s8+$0xFFFFFFC0];
	p0 =	slt.u32 s15, $0x78;
	v35 =	vsel vm1, v15, v35;
	vm1 =	vge.f32 v28, $0.0e+00;
	(erf) = vpow2.f32 v30;
	[tilespmem:s22+$0x190] =	vst v16  }
0xa8: {  	v15 =	vld [tilespmem:s8+$0xFFFFFFD0];
	v30 =	vsub.f32 v35, v8;
	v18 =	vsel vm1, v28, v18;
	v28 =	vmul.f32 v29, v33;
	[tilespmem:s22+$0x70] =	vst v22  }
0xa9: {  	v22 =	vsub.f32 v32, v8;
	v29 =	vmul.f32 v17, v34;
	v16 =	vld [tilespmem:s18+$0xFFFFFED0];
	v18 =	vsub.f32 v18, v8  }
0xaa: {  	v9 =	vmul.f32 v23, v9;
	v32 =	vsel vm0, v21, v19;
	v17 =	vld [tilespmem:s8+$0xFFFFFFE0];
	v30 =	vmul.f32 $1.442695020e+00, v30;
	[tilespmem:s14+$0x1B0] =	vst v28  }
0xab: {  	v10 =	vmul.f32 v25, v10;
	v19 =	vld [tilespmem:s18+$0xFFFFFF60];
	v18 =	vmul.f32 $1.442695020e+00, v18;
	[tilespmem:s22+$0xFFFFFE30] =	vst v29  }
0xac: {  	v25 =	vmul.f32 $1.442695020e+00, v22;
	v21 =	vld [tilespmem:s8+$0xFFFFFFF0];
	[tilespmem:s22+$0xFFFFFF50] =	vst v9;
	v9 =	vmul.f32 v27, v31  }
0xad: {  	v27 =	vsub.f32 v32, v8;
	v22 =	vld [tilespmem:s8+$0x0];
	(erf) = vpow2.f32 v30;
	[tilespmem:s22+$0xFFFFFEC0] =	vst v10;
	v10 =	vmul.f32 v20, v26  }
0xae: {  	v20 =	vmul.f32 $1.442695020e+00, v24;
	v23 =	vld [tilespmem:s18+$0x80];
	(erf) = vpow2.f32 v25;
	[tilespmem:s22+$0xFFFFFFE0] =	vst v9  }
0xaf: {  	v9 =	vmul.f32 $1.442695020e+00, v27;
	v29 =	vld [tilespmem:s2+$0x1C0];
	(erf) = vpow2.f32 v18;
	[tilespmem:s22+$0x100] =	vst v10;
	s22 =	smov.u32 s14  }
0xb0: {  	v18 =	vperm.xlane v12, v7;
	v25 =	vld [tilespmem:s8+$0x10];
	v26 =	vpop (erf);
	(erf) = vpow2.f32 v20  }
0xb1: {  	v20 =	vperm.xlane v11, v7;
	v27 =	vld [tilespmem:s18+$0x110];
	(erf) = vpow2.f32 v9  }
0xb2: {  	v24 =	vperm.xlane v12, v6;
	v9 =	vperm.xlane v11, v1;
	v40 =	vld [tilespmem:s18+$0x230]  }
0xb3: {  	v28 =	vperm.xlane v11, v6;
	v31 =	vperm.xlane v12, v5;
	v41 =	vld [tilespmem:s8+$0x20];
	[tilespmem:s14+$0x80] =	vst v26  }
0xb4: {  	v34 =	vperm.xlane v11, v5;
	v32 =	vld [tilespmem:s2+$0x0];
	[tilespmem:s14+$0x1A0] =	vst v12;
	v9 =	vmul.f32 v29, v9  }
0xb5: {  	v38 =	vperm.xlane v11, v4;
	v33 =	vperm.xlane v12, v4;
	v36 =	vld [tilespmem:s2+$0x120]  }
0xb6: {  	v43 =	vperm.xlane v12, v2;
	v39 =	vperm.xlane v12, v3;
	v42 =	vld [tilespmem:s8+$0x30];
	[tilespmem:s14+$0x1C0] =	vst v9;
	v30 =	vpop (erf)  }
0xb7: {  	v45 =	vperm.xlane v11, v3;
	v35 =	vperm.xlane v26, v0;
	[tilespmem:s14+$0xFFFFFE40] =	vst v30;
	v44 =	vld [tilespmem:s2+$0x1D0];
	v37 =	vpop (erf)  }
0xb8: {  	v47 =	vperm.xlane v12, v0;
	v46 =	vld [tilespmem:s2+$0xFFFFFDC0];
	[tilespmem:s14+$0xFFFFFF60] =	vst v37;
	v9 =	vperm.xlane v37, v7;
	v29 =	vpop (erf)  }
0xb9: {  	[tilespmem:s14+$0xFFFFFED0] =	vst v29;
	v10 =	vperm.xlane v29, v7;
	v48 =	vld [tilespmem:s2+$0xFFFFFEE0];
	v49 =	vmul.f32 v32, v35;
	v32 =	vpop (erf)  }
0xba: {  	v35 =	vperm.xlane v26, v6;
	v50 =	vld [tilespmem:s2+$0xFFFFFE50];
	[tilespmem:s14+$0x110] =	vst v32;
	v47 =	vmul.f32 v36, v47;
	v36 =	vpop (erf)  }
0xbb: {  	v11 =	vperm.xlane v11, v2;
	v51 =	vperm.xlane v30, v0;
	[tilespmem:s14+$0x0] =	vst v49;
	v49 =	vld [tilespmem:s2+$0x90]  }
0xbc: {  	v52 =	vperm.xlane v26, v1;
	v40 =	vadd.f32 v42, v40;
	v42 =	vperm.xlane v37, v0;
	[tilespmem:s14+$0xFFFFFFF0] =	vst v36;
	v53 =	vld [tilespmem:s2+$0x10]  }
0xbd: {  	v46 =	vmul.f32 v46, v51;
	v51 =	vperm.xlane v29, v0;
	v54 =	vld [tilespmem:s2+$0xFFFFFF70];
	[tilespmem:s14+$0x120] =	vst v47  }
0xbe: {  	v47 =	vperm.xlane v32, v0;
	v42 =	vmul.f32 v48, v42;
	v48 =	vld [tilespmem:s2+$0x130]  }
0xbf: {  	v55 =	vld [tilespmem:s18+$0x1A0];
	[tilespmem:s14+$0xFFFFFDC0] =	vst v46;
	v46 =	vmul.f32 v50, v51;
	v50 =	vperm.xlane v36, v0  }
0xc0: {  	v51 =	vmul.f32 $2.000000030e-01, v40;
	v56 =	vld [tilespmem:s2+$0xFFFFFDD0];
	[tilespmem:s14+$0xFFFFFEE0] =	vst v42;
	v42 =	vmul.f32 v49, v47  }
0xc1: {  	v12 =	vperm.xlane v12, v1;
	vm0 =	vge.f32 v40, $0.0e+00;
	[tilespmem:s14+$0xFFFFFE50] =	vst v46;
	v46 =	vld [tilespmem:s2+$0xFFFFFEF0];
	v47 =	vmul.f32 v53, v52  }
0xc2: {  	v11 =	vmul.f32 v44, v11;
	v40 =	vsel vm0, v40, v51;
	v49 =	vld [tilespmem:s2+$0xFFFFFE60];
	v50 =	vmul.f32 v54, v50;
	[tilespmem:s14+$0x90] =	vst v42  }
0xc3: {  	v40 =	vsub.f32 v40, v8;
	v42 =	vperm.xlane v30, v1;
	[tilespmem:s14+$0x10] =	vst v47;
	v44 =	vld [tilespmem:s2+$0xA0];
	v12 =	vmul.f32 v48, v12  }
0xc4: {  	v47 =	vperm.xlane v37, v1;
	v48 =	vperm.xlane v26, v2;
	v41 =	vadd.f32 v41, v55;
	[tilespmem:s14+$0xFFFFFF70] =	vst v50;
	v50 =	vld [tilespmem:s2+$0x20]  }
0xc5: {  	v51 =	vperm.xlane v29, v1;
	v42 =	vmul.f32 v56, v42;
	v52 =	vld [tilespmem:s2+$0xFFFFFF80];
	[tilespmem:s14+$0x130] =	vst v12  }
0xc6: {  	v12 =	vmul.f32 v46, v47;
	v46 =	vperm.xlane v32, v1;
	v47 =	vld [tilespmem:s2+$0x140];
	[tilespmem:s14+$0x1D0] =	vst v11  }
0xc7: {  	[tilespmem:s14+$0xFFFFFDD0] =	vst v42;
	v11 =	vmul.f32 v49, v51;
	v42 =	vperm.xlane v36, v1;
	v49 =	vld [tilespmem:s2+$0x1E0]  }
0xc8: {  	v51 =	vmul.f32 $2.000000030e-01, v41;
	v53 =	vld [tilespmem:s2+$0xFFFFFDE0];
	[tilespmem:s14+$0xFFFFFEF0] =	vst v12;
	v12 =	vmul.f32 v44, v46  }
0xc9: {  	v40 =	vmul.f32 $1.442695020e+00, v40;
	vm0 =	vge.f32 v41, $0.0e+00;
	[tilespmem:s14+$0xFFFFFE60] =	vst v11;
	v11 =	vld [tilespmem:s2+$0xFFFFFF00];
	v44 =	vmul.f32 v50, v48  }
0xca: {  	v41 =	vsel vm0, v41, v51;
	v48 =	vperm.xlane v26, v3;
	v46 =	vld [tilespmem:s2+$0xFFFFFE70];
	v42 =	vmul.f32 v52, v42;
	[tilespmem:s14+$0xA0] =	vst v12  }
0xcb: {  	v12 =	vsub.f32 v41, v8;
	v41 =	vperm.xlane v30, v2;
	[tilespmem:s14+$0x20] =	vst v44;
	v44 =	vld [tilespmem:s2+$0xB0];
	v43 =	vmul.f32 v47, v43  }
0xcc: {  	v47 =	vperm.xlane v37, v2;
	[tilespmem:s14+$0xFFFFFF80] =	vst v42;
	v42 =	vld [tilespmem:s2+$0x30];
	v45 =	vmul.f32 v49, v45  }
0xcd: {  	v49 =	vperm.xlane v29, v2;
	v41 =	vmul.f32 v53, v41;
	v50 =	vld [tilespmem:s2+$0xFFFFFF90];
	[tilespmem:s14+$0x140] =	vst v43  }
0xce: {  	v43 =	vperm.xlane v32, v2;
	v11 =	vmul.f32 v11, v47;
	v47 =	vld [tilespmem:s2+$0x150];
	[tilespmem:s14+$0x1E0] =	vst v45  }
0xcf: {  	v45 =	vperm.xlane v36, v2;
	[tilespmem:s14+$0xFFFFFDE0] =	vst v41;
	v41 =	vmul.f32 v46, v49;
	v46 =	vld [tilespmem:s2+$0x1F0]  }
0xd0: {  	v12 =	vmul.f32 $1.442695020e+00, v12;
	v49 =	vld [tilespmem:s2+$0xFFFFFDF0];
	[tilespmem:s14+$0xFFFFFF00] =	vst v11;
	v11 =	vmul.f32 v44, v43  }
0xd1: {  	(erf) = vpow2.f32 v40;
	[tilespmem:s14+$0xFFFFFE70] =	vst v41;
	v40 =	vld [tilespmem:s2+$0xFFFFFF10];
	v41 =	vmul.f32 v42, v48  }
0xd2: {  	(erf) = vpow2.f32 v12;
	v12 =	vld [tilespmem:s2+$0xFFFFFE80];
	v42 =	vmul.f32 v50, v45;
	[tilespmem:s14+$0xB0] =	vst v11  }
0xd3: {  	v11 =	vperm.xlane v30, v3;
	[tilespmem:s14+$0x30] =	vst v41;
	v41 =	vld [tilespmem:s2+$0xC0];
	v39 =	vmul.f32 v47, v39  }
0xd4: {  	v43 =	vperm.xlane v37, v3;
	[tilespmem:s14+$0xFFFFFF90] =	vst v42;
	v42 =	vperm.xlane v26, v4;
	v44 =	vld [tilespmem:s2+$0x40]  }
0xd5: {  	v45 =	vperm.xlane v29, v3;
	v11 =	vmul.f32 v49, v11;
	v47 =	vld [tilespmem:s2+$0xFFFFFFA0];
	[tilespmem:s14+$0x150] =	vst v39  }
0xd6: {  	v39 =	vmul.f32 v40, v43;
	v40 =	vperm.xlane v32, v3;
	v43 =	vld [tilespmem:s2+$0x160]  }
0xd7: {  	v48 =	vld [tilespmem:s18+$0xFFFFFFF0];
	[tilespmem:s14+$0xFFFFFDF0] =	vst v11;
	v49 =	vmul.f32 v12, v45;
	v12 =	vperm.xlane v36, v3  }
0xd8: {  	v38 =	vmul.f32 v46, v38;
	v45 =	vld [tilespmem:s2+$0xFFFFFE00];
	[tilespmem:s14+$0xFFFFFF10] =	vst v39;
	v40 =	vmul.f32 v41, v40  }
0xd9: {  	v39 =	vperm.xlane v36, v6;
	[tilespmem:s14+$0xFFFFFE80] =	vst v49;
	v41 =	vld [tilespmem:s2+$0xFFFFFF20];
	v42 =	vmul.f32 v44, v42  }
0xda: {  	v46 =	vperm.xlane v37, v6;
	v11 =	vpop (erf);
	v44 =	vld [tilespmem:s2+$0xFFFFFE90];
	v47 =	vmul.f32 v47, v12;
	[tilespmem:s14+$0xC0] =	vst v40  }
0xdb: {  	v40 =	vperm.xlane v30, v4;
	v12 =	vpop (erf);
	[tilespmem:s14+$0x40] =	vst v42;
	v42 =	vld [tilespmem:s2+$0xD0];
	v33 =	vmul.f32 v43, v33  }
0xdc: {  	v43 =	vperm.xlane v37, v4;
	s14 =	sadd.s32 $0x480, s14;
	[tilespmem:s22+$0xFFFFFFA0] =	vst v47;
	v47 =	vperm.xlane v26, v5;
	v49 =	vld [tilespmem:s2+$0x50]  }
0xdd: {  	v40 =	vmul.f32 v45, v40;
	v45 =	vperm.xlane v29, v4;
	v50 =	vld [tilespmem:s2+$0xFFFFFFB0];
	[tilespmem:s22+$0x1F0] =	vst v38  }
0xde: {  	v38 =	vmul.f32 v41, v43;
	v41 =	vperm.xlane v32, v4;
	[tilespmem:s22+$0x160] =	vst v33;
	v43 =	vld [tilespmem:s2+$0x200]  }
0xdf: {  	[tilespmem:s22+$0xFFFFFE00] =	vst v40;
	v40 =	vmul.f32 v44, v45;
	v44 =	vperm.xlane v36, v4;
	v45 =	vld [tilespmem:s2+$0x170]  }
0xe0: {  	v33 =	vperm.xlane v11, v0;
	v51 =	vld [tilespmem:s2+$0xFFFFFE10];
	[tilespmem:s22+$0xFFFFFF20] =	vst v38;
	v41 =	vmul.f32 v42, v41  }
0xe1: {  	v38 =	vperm.xlane v26, v7;
	[tilespmem:s22+$0xFFFFFE90] =	vst v40;
	v40 =	vld [tilespmem:s2+$0xFFFFFF30];
	v42 =	vmul.f32 v49, v47  }
0xe2: {  	v26 =	vperm.xlane v32, v7;
	v47 =	vld [tilespmem:s2+$0xFFFFFEA0];
	v44 =	vmul.f32 v50, v44;
	[tilespmem:s22+$0xD0] =	vst v41  }
0xe3: {  	v41 =	vperm.xlane v30, v5;
	[tilespmem:s22+$0x50] =	vst v42;
	v42 =	vld [tilespmem:s2+$0xE0];
	v34 =	vmul.f32 v43, v34  }
0xe4: {  	v37 =	vperm.xlane v37, v5;
	[tilespmem:s22+$0xFFFFFFB0] =	vst v44;
	v43 =	vld [tilespmem:s2+$0x60];
	v31 =	vmul.f32 v45, v31  }
0xe5: {  	v44 =	vperm.xlane v29, v5;
	v41 =	vmul.f32 v51, v41;
	v45 =	vld [tilespmem:s2+$0xFFFFFFC0];
	[tilespmem:s22+$0x200] =	vst v34  }
0xe6: {  	v37 =	vmul.f32 v40, v37;
	v40 =	vperm.xlane v32, v5;
	[tilespmem:s22+$0x170] =	vst v31;
	v49 =	vld [tilespmem:s2+$0x210]  }
0xe7: {  	[tilespmem:s22+$0xFFFFFE10] =	vst v41;
	v31 =	vmul.f32 v47, v44;
	v41 =	vperm.xlane v36, v5;
	v44 =	vld [tilespmem:s2+$0x180]  }
0xe8: {  	v34 =	vperm.xlane v30, v7;
	v47 =	vld [tilespmem:s2+$0xFFFFFE20];
	[tilespmem:s22+$0xFFFFFF30] =	vst v37;
	v37 =	vmul.f32 v42, v40  }
0xe9: {  	[tilespmem:s22+$0xFFFFFEA0] =	vst v31;
	v40 =	vld [tilespmem:s2+$0xFFFFFF40];
	v31 =	vperm.xlane v36, v7;
	v35 =	vmul.f32 v43, v35  }
0xea: {  	v25 =	vadd.f32 v25, v27;
	v32 =	vperm.xlane v32, v6;
	v27 =	vld [tilespmem:s2+$0xFFFFFEB0];
	v36 =	vmul.f32 v45, v41;
	[tilespmem:s22+$0xE0] =	vst v37  }
0xeb: {  	v30 =	vperm.xlane v30, v6;
	[tilespmem:s22+$0x60] =	vst v35;
	v35 =	vld [tilespmem:s2+$0xF0];
	v28 =	vmul.f32 v49, v28  }
0xec: {  	v23 =	vadd.f32 v22, v23;
	v37 =	vmul.f32 $2.000000030e-01, v25;
	[tilespmem:s22+$0xFFFFFFC0] =	vst v36;
	v22 =	vld [tilespmem:s2+$0x70];
	v24 =	vmul.f32 v44, v24  }
0xed: {  	vm0 =	vge.f32 v25, $0.0e+00;
	v29 =	vperm.xlane v29, v6;
	v30 =	vmul.f32 v47, v30;
	v36 =	vld [tilespmem:s2+$0xFFFFFFD0];
	[tilespmem:s22+$0x210] =	vst v28  }
0xee: {  	v21 =	vadd.f32 v21, v48;
	v28 =	vmul.f32 $2.000000030e-01, v23;
	v40 =	vmul.f32 v40, v46;
	[tilespmem:s22+$0x180] =	vst v24;
	v41 =	vld [tilespmem:s2+$0x220]  }
0xef: {  	vm1 =	vge.f32 v23, $0.0e+00;
	v24 =	vsel vm0, v25, v37;
	[tilespmem:s22+$0xFFFFFE20] =	vst v30;
	v25 =	vmul.f32 v27, v29;
	v37 =	vld [tilespmem:s2+$0x190]  }
0xf0: {  	v27 =	vadd.f32 v17, v19;
	v19 =	vsel vm1, v23, v28;
	v24 =	vsub.f32 v24, v8;
	v17 =	vld [tilespmem:s2+$0xFFFFFE30];
	[tilespmem:s22+$0xFFFFFF40] =	vst v40  }
.Ltmp2:
0xf1: {  	vm0 =	vge.f32 v21, $0.0e+00;
	v30 =	vsub.f32 v19, v8;
	v19 =	vmul.f32 v35, v32;
	[tilespmem:s22+$0xFFFFFEB0] =	vst v25;
	v23 =	vld [tilespmem:s2+$0xFFFFFF50];
	(pc) =	sbr.rel @p0 .LBB2_3-.Ltmp2, $4  }
0xf2: {  	v28 =	vadd.f32 v15, v16;
	v16 =	vmul.f32 $2.000000030e-01, v27;
	[tilespmem:s14+$0x230] =	vst v11;
	v25 =	vld [tilespmem:s2+$0xFFFFFEC0];
	v32 =	vmul.f32 v36, v39  }
0xf3: {  	v15 =	vadd.f32 v14, v13;
	vm1 =	vge.f32 v27, $0.0e+00;
	v29 =	vld [tilespmem:s18+$0x1B0];
	[tilespmem:s22+$0xF0] =	vst v19;
	v13 =	vmul.f32 v41, v20  }
0xf4: {  	v30 =	vmul.f32 $1.442695020e+00, v30;
	v19 =	vmul.f32 $2.000000030e-01, v21;
	[tilespmem:s22+$0xFFFFFFD0] =	vst v32;
	v20 =	vld [tilespmem:s2+$0x100]  }
0xf5: {  	v35 =	vmul.f32 $2.000000030e-01, v15;
	v32 =	vsel vm1, v27, v16;
	v16 =	vmul.f32 v37, v18;
	v27 =	vld [tilespmem:s2+$0xFFFFFFE0];
	[tilespmem:s22+$0x220] =	vst v13;
	s2 =	smov.u32 s18;
	s18 =	sadd.s32 $0x480, s18  }
0xf6: {  	vm1 =	vge.f32 v15, $0.0e+00  }
0xf7: {  	v13 =	vmul.f32 $2.000000030e-01, v28;
	v14 =	vsel vm1, v15, v35  }
0xf8: {  	vm15 =	vge.f32 v28, $0.0e+00;
	v14 =	vsub.f32 v14, v8  }
0xf9: {  	v55 =	vmul.f32 v22, v38;
	v18 =	vsub.f32 v32, v8;
	v13 =	vsel vm15, v28, v13  }
0xfa: {  	(erf) = vpow2.f32 v30;
	v13 =	vsub.f32 v13, v8;
	v14 =	vmul.f32 $1.442695020e+00, v14  }
0xfb: {  	v19 =	vsel vm0, v21, v19;
	v57 =	vmul.f32 $1.442695020e+00, v24;
	v18 =	vmul.f32 $1.442695020e+00, v18  }
0xfc: {  	v19 =	vsub.f32 v19, v8;
	v13 =	vmul.f32 $1.442695020e+00, v13;
	(erf) = vpow2.f32 v14  }
0xfd: {  	v59 =	vmul.f32 v17, v34;
	[tilespmem:s14+$0x1A0] =	vst v12;
	(erf) = vpow2.f32 v18  }
0xfe: {  	[tilespmem:s22+$0x190] =	vst v16;
	v58 =	vmul.f32 $1.442695020e+00, v19;
	(erf) = vpow2.f32 v13  }
0xff: {  	v9 =	vmul.f32 v23, v9;
	[tilespmem:s22+$0x70] =	vst v55;
	(erf) = vpow2.f32 v57  }
0x100: {  	v10 =	vmul.f32 v25, v10;
	[tilespmem:s22+$0xFFFFFE30] =	vst v59;
	(erf) = vpow2.f32 v58  }
0x101: {  	v56 =	vmul.f32 v29, v33;
	[tilespmem:s22+$0xFFFFFF50] =	vst v9  }
0x102: {  	[tilespmem:s22+$0xFFFFFEC0] =	vst v10;
	v9 =	vmul.f32 v27, v31  }
0x103: {  	[tilespmem:s14+$0x1B0] =	vst v56  }
0x104: {  	[tilespmem:s22+$0xFFFFFFE0] =	vst v9;
	v15 =	vpop (erf)  }
0x105: {  	v60 =	vld [tilespmem:s2+$0x120];
	[tilespmem:s14+$0x80] =	vst v15;
	v14 =	vpop (erf)  }
0x106: {  	v61 =	vld [tilespmem:s2+$0x0];
	v13 =	vpop (erf);
	[tilespmem:s14+$0xFFFFFE40] =	vst v14  }
0x107: {  	v10 =	vpop (erf);
	v62 =	vld [tilespmem:s2+$0xFFFFFDC0];
	[tilespmem:s14+$0xFFFFFF60] =	vst v13  }
0x108: {  	v63 =	vperm.xlane v12, v0;
	v9 =	vpop (erf);
	[tilespmem:s14+$0xFFFFFED0] =	vst v10;
	v28 =	vld [tilespmem:s2+$0xFFFFFEE0]  }
0x109: {  	v20 =	vmul.f32 v20, v26;
	v29 =	vperm.xlane v15, v0;
	v16 =	vpop (erf);
	v30 =	vld [tilespmem:s2+$0xFFFFFE50];
	[tilespmem:s14+$0x110] =	vst v9  }
0x10a: {  	v17 =	vmul.f32 v60, v63;
	v31 =	vperm.xlane v14, v0;
	[tilespmem:s14+$0xFFFFFFF0] =	vst v16;
	v33 =	vld [tilespmem:s2+$0x90]  }
0x10b: {  	[tilespmem:s22+$0x100] =	vst v20;
	v18 =	vmul.f32 v61, v29;
	v34 =	vperm.xlane v13, v0;
	v32 =	vld [tilespmem:s2+$0xFFFFFF70]  }
0x10c: {  	v35 =	vld [tilespmem:s2+$0x1C0];
	[tilespmem:s14+$0x120] =	vst v17;
	v36 =	vperm.xlane v10, v0;
	v19 =	vmul.f32 v62, v31  }
0x10d: {  	v38 =	vld [tilespmem:s2+$0x130];
	[tilespmem:s14+$0x0] =	vst v18;
	v41 =	vperm.xlane v9, v0;
	v37 =	vmul.f32 v28, v34  }
0x10e: {  	v40 =	vld [tilespmem:s2+$0x10];
	v39 =	vperm.xlane v16, v0;
	[tilespmem:s14+$0xFFFFFDC0] =	vst v19;
	v42 =	vmul.f32 v30, v36  }
0x10f: {  	v43 =	vperm.xlane v11, v1;
	v44 =	vld [tilespmem:s2+$0xFFFFFDD0];
	[tilespmem:s14+$0xFFFFFEE0] =	vst v37;
	v20 =	vmul.f32 v33, v41  }
0x110: {  	v47 =	vperm.xlane v12, v1;
	v45 =	vmul.f32 v32, v39;
	[tilespmem:s14+$0xFFFFFE50] =	vst v42;
	v46 =	vld [tilespmem:s2+$0xFFFFFEF0]  }
0x111: {  	v21 =	vmul.f32 v35, v43;
	v48 =	vperm.xlane v15, v1;
	v49 =	vld [tilespmem:s2+$0xFFFFFE60];
	[tilespmem:s14+$0x90] =	vst v20  }
0x112: {  	v50 =	vperm.xlane v14, v1;
	v18 =	vmul.f32 v38, v47;
	[tilespmem:s14+$0xFFFFFF70] =	vst v45;
	v53 =	vld [tilespmem:s2+$0xA0]  }
0x113: {  	[tilespmem:s14+$0x1C0] =	vst v21;
	v54 =	vperm.xlane v13, v1;
	v52 =	vmul.f32 v40, v48;
	v51 =	vld [tilespmem:s2+$0xFFFFFF80]  }
0x114: {  	v55 =	vld [tilespmem:s2+$0x1D0];
	v56 =	vperm.xlane v10, v1;
	[tilespmem:s14+$0x130] =	vst v18;
	v17 =	vmul.f32 v44, v50  }
0x115: {  	v61 =	vperm.xlane v9, v1;
	v58 =	vld [tilespmem:s2+$0x140];
	[tilespmem:s14+$0x10] =	vst v52;
	v57 =	vmul.f32 v46, v54  }
0x116: {  	v59 =	vperm.xlane v16, v1;
	v60 =	vld [tilespmem:s2+$0x20];
	[tilespmem:s14+$0xFFFFFDD0] =	vst v17;
	v62 =	vmul.f32 v49, v56  }
0x117: {  	v63 =	vperm.xlane v11, v2;
	v28 =	vld [tilespmem:s2+$0xFFFFFDE0];
	[tilespmem:s14+$0xFFFFFEF0] =	vst v57;
	v31 =	vmul.f32 v53, v61  }
0x118: {  	v30 =	vperm.xlane v12, v2;
	v29 =	vmul.f32 v51, v59;
	[tilespmem:s14+$0xFFFFFE60] =	vst v62;
	v32 =	vld [tilespmem:s2+$0xFFFFFF00]  }
0x119: {  	v34 =	vperm.xlane v15, v2;
	v33 =	vmul.f32 v55, v63;
	v35 =	vld [tilespmem:s2+$0xFFFFFE70];
	[tilespmem:s14+$0xA0] =	vst v31  }
0x11a: {  	v36 =	vperm.xlane v14, v2;
	v19 =	vmul.f32 v58, v30;
	[tilespmem:s14+$0xFFFFFF80] =	vst v29;
	v39 =	vld [tilespmem:s2+$0xB0]  }
0x11b: {  	v40 =	vperm.xlane v13, v2;
	[tilespmem:s14+$0x1D0] =	vst v33;
	v38 =	vmul.f32 v60, v34;
	v37 =	vld [tilespmem:s2+$0xFFFFFF90]  }
0x11c: {  	v42 =	vperm.xlane v10, v2;
	v41 =	vld [tilespmem:s2+$0x1E0];
	[tilespmem:s14+$0x140] =	vst v19;
	v18 =	vmul.f32 v28, v36  }
0x11d: {  	v45 =	vperm.xlane v9, v2;
	v19 =	vld [tilespmem:s2+$0x150];
	[tilespmem:s14+$0x20] =	vst v38;
	v17 =	vmul.f32 v32, v40  }
0x11e: {  	v43 =	vperm.xlane v16, v2;
	v44 =	vld [tilespmem:s2+$0x30];
	[tilespmem:s14+$0xFFFFFDE0] =	vst v18;
	v46 =	vmul.f32 v35, v42  }
0x11f: {  	v47 =	vperm.xlane v11, v3;
	v48 =	vld [tilespmem:s2+$0xFFFFFDF0];
	[tilespmem:s14+$0xFFFFFF00] =	vst v17;
	v51 =	vmul.f32 v39, v45  }
0x120: {  	v50 =	vperm.xlane v12, v3;
	v49 =	vmul.f32 v37, v43;
	[tilespmem:s14+$0xFFFFFE70] =	vst v46;
	v52 =	vld [tilespmem:s2+$0xFFFFFF10]  }
0x121: {  	v53 =	vperm.xlane v15, v3;
	v24 =	vmul.f32 v41, v47;
	v54 =	vld [tilespmem:s2+$0xFFFFFE80];
	[tilespmem:s14+$0xB0] =	vst v51  }
0x122: {  	v55 =	vperm.xlane v14, v3;
	v19 =	vmul.f32 v19, v50;
	[tilespmem:s14+$0xFFFFFF90] =	vst v49;
	v58 =	vld [tilespmem:s2+$0xC0]  }
0x123: {  	v59 =	vperm.xlane v13, v3;
	[tilespmem:s14+$0x1E0] =	vst v24;
	v57 =	vmul.f32 v44, v53;
	v56 =	vld [tilespmem:s2+$0xFFFFFFA0]  }
0x124: {  	v60 =	vperm.xlane v10, v3;
	v24 =	vld [tilespmem:s2+$0x1F0];
	[tilespmem:s14+$0x150] =	vst v19;
	v17 =	vmul.f32 v48, v55  }
0x125: {  	v63 =	vperm.xlane v9, v3;
	v19 =	vld [tilespmem:s2+$0x160];
	[tilespmem:s14+$0x30] =	vst v57;
	v18 =	vmul.f32 v52, v59  }
0x126: {  	v61 =	vperm.xlane v16, v3;
	v62 =	vld [tilespmem:s2+$0x40];
	[tilespmem:s14+$0xFFFFFDF0] =	vst v17;
	v29 =	vmul.f32 v54, v60  }
0x127: {  	v30 =	vperm.xlane v11, v4;
	v31 =	vld [tilespmem:s2+$0xFFFFFE00];
	[tilespmem:s14+$0xFFFFFF10] =	vst v18;
	v34 =	vmul.f32 v58, v63  }
0x128: {  	v33 =	vperm.xlane v12, v4;
	v32 =	vmul.f32 v56, v61;
	[tilespmem:s14+$0xFFFFFE80] =	vst v29;
	v35 =	vld [tilespmem:s2+$0xFFFFFF20]  }
0x129: {  	v36 =	vperm.xlane v15, v4;
	v24 =	vmul.f32 v24, v30;
	v37 =	vld [tilespmem:s2+$0xFFFFFE90];
	[tilespmem:s14+$0xC0] =	vst v34  }
0x12a: {  	v38 =	vperm.xlane v14, v4;
	v19 =	vmul.f32 v19, v33;
	[tilespmem:s14+$0xFFFFFFA0] =	vst v32;
	v41 =	vld [tilespmem:s2+$0xD0]  }
0x12b: {  	v42 =	vperm.xlane v13, v4;
	[tilespmem:s14+$0x1F0] =	vst v24;
	v40 =	vmul.f32 v62, v36;
	v39 =	vld [tilespmem:s2+$0xFFFFFFB0]  }
0x12c: {  	v43 =	vperm.xlane v10, v4;
	[tilespmem:s14+$0x160] =	vst v19;
	v44 =	vld [tilespmem:s2+$0x200];
	v18 =	vmul.f32 v31, v38  }
0x12d: {  	v46 =	vld [tilespmem:s2+$0x170];
	v48 =	vperm.xlane v9, v4;
	[tilespmem:s14+$0x40] =	vst v40;
	v17 =	vmul.f32 v35, v42  }
0x12e: {  	v45 =	vperm.xlane v16, v4;
	v47 =	vld [tilespmem:s2+$0x50];
	[tilespmem:s14+$0xFFFFFE00] =	vst v18;
	v49 =	vmul.f32 v37, v43  }
0x12f: {  	v50 =	vperm.xlane v11, v5;
	v51 =	vld [tilespmem:s2+$0xFFFFFE10];
	[tilespmem:s14+$0xFFFFFF20] =	vst v17;
	v54 =	vmul.f32 v41, v48  }
0x130: {  	v53 =	vperm.xlane v12, v5;
	v52 =	vmul.f32 v39, v45;
	[tilespmem:s14+$0xFFFFFE90] =	vst v49;
	v55 =	vld [tilespmem:s2+$0xFFFFFF30]  }
0x131: {  	v19 =	vmul.f32 v44, v50;
	v56 =	vperm.xlane v15, v5;
	v57 =	vld [tilespmem:s2+$0xFFFFFEA0];
	[tilespmem:s14+$0xD0] =	vst v54  }
0x132: {  	v58 =	vperm.xlane v14, v5;
	v20 =	vmul.f32 v46, v53;
	[tilespmem:s14+$0xFFFFFFB0] =	vst v52;
	v60 =	vld [tilespmem:s2+$0xE0]  }
0x133: {  	v61 =	vperm.xlane v13, v5;
	[tilespmem:s14+$0x200] =	vst v19;
	v22 =	vmul.f32 v47, v56;
	v59 =	vld [tilespmem:s2+$0xFFFFFFC0]  }
0x134: {  	v62 =	vperm.xlane v10, v5;
	[tilespmem:s14+$0x170] =	vst v20;
	v63 =	vld [tilespmem:s2+$0x210];
	v17 =	vmul.f32 v51, v58  }
0x135: {  	v33 =	vperm.xlane v9, v5;
	v31 =	vld [tilespmem:s2+$0x180];
	[tilespmem:s14+$0x50] =	vst v22;
	v18 =	vmul.f32 v55, v61  }
0x136: {  	v30 =	vperm.xlane v16, v5;
	v32 =	vld [tilespmem:s2+$0x60];
	[tilespmem:s14+$0xFFFFFE10] =	vst v17;
	v34 =	vmul.f32 v57, v62  }
0x137: {  	v35 =	vperm.xlane v11, v6;
	v36 =	vld [tilespmem:s2+$0xFFFFFE20];
	[tilespmem:s14+$0xFFFFFF30] =	vst v18;
	v39 =	vmul.f32 v60, v33  }
0x138: {  	v38 =	vperm.xlane v12, v6;
	v37 =	vmul.f32 v59, v30;
	[tilespmem:s14+$0xFFFFFEA0] =	vst v34;
	v40 =	vld [tilespmem:s2+$0xFFFFFF40]  }
0x139: {  	v41 =	vperm.xlane v15, v6;
	v19 =	vmul.f32 v63, v35;
	v42 =	vld [tilespmem:s2+$0xFFFFFEB0];
	[tilespmem:s14+$0xE0] =	vst v39  }
0x13a: {  	v43 =	vperm.xlane v14, v6;
	v44 =	vmul.f32 v31, v38;
	[tilespmem:s14+$0xFFFFFFC0] =	vst v37;
	v47 =	vld [tilespmem:s2+$0xF0]  }
0x13b: {  	v46 =	vperm.xlane v13, v6;
	[tilespmem:s14+$0x210] =	vst v19;
	v23 =	vmul.f32 v32, v41;
	v45 =	vld [tilespmem:s2+$0xFFFFFFD0]  }
0x13c: {  	v48 =	vperm.xlane v10, v6;
	v49 =	vld [tilespmem:s2+$0x220];
	[tilespmem:s14+$0x180] =	vst v44;
	v18 =	vmul.f32 v36, v43  }
0x13d: {  	v52 =	vperm.xlane v9, v6;
	v51 =	vld [tilespmem:s2+$0x190];
	[tilespmem:s14+$0x60] =	vst v23;
	v17 =	vmul.f32 v40, v46  }
0x13e: {  	v50 =	vperm.xlane v16, v6;
	v53 =	vld [tilespmem:s2+$0x70];
	[tilespmem:s14+$0xFFFFFE20] =	vst v18;
	v54 =	vmul.f32 v42, v48  }
0x13f: {  	v11 =	vperm.xlane v11, v7;
	v55 =	vld [tilespmem:s2+$0xFFFFFE30];
	[tilespmem:s14+$0xFFFFFF40] =	vst v17;
	v59 =	vmul.f32 v47, v52  }
0x140: {  	v57 =	vperm.xlane v12, v7;
	v56 =	vmul.f32 v45, v50;
	[tilespmem:s14+$0xFFFFFEB0] =	vst v54;
	v58 =	vld [tilespmem:s2+$0xFFFFFF50]  }
0x141: {  	v15 =	vperm.xlane v15, v7;
	v11 =	vmul.f32 v49, v11;
	v60 =	vld [tilespmem:s2+$0xFFFFFEC0];
	[tilespmem:s14+$0xF0] =	vst v59  }
0x142: {  	v14 =	vperm.xlane v14, v7;
	v12 =	vmul.f32 v51, v57;
	[tilespmem:s14+$0xFFFFFFD0] =	vst v56;
	v61 =	vld [tilespmem:s2+$0x100]  }
0x143: {  	v13 =	vperm.xlane v13, v7;
	[tilespmem:s14+$0x220] =	vst v11;
	v11 =	vmul.f32 v53, v15;
	v17 =	vld [tilespmem:s2+$0xFFFFFFE0]  }
0x144: {  	v10 =	vperm.xlane v10, v7;
	[tilespmem:s14+$0x190] =	vst v12;
	v62 =	vmul.f32 v55, v14  }
0x145: {  	v9 =	vperm.xlane v9, v7;
	[tilespmem:s14+$0x70] =	vst v11;
	v11 =	vmul.f32 v58, v13  }
0x146: {  	p0 =	seq.s32 s0, $0x50;
	v63 =	vperm.xlane v16, v7;
	[tilespmem:s14+$0xFFFFFE30] =	vst v62;
	v10 =	vmul.f32 v60, v10  }
.Ltmp3:
0x147: {  	[tilespmem:s14+$0xFFFFFF50] =	vst v11;
	v9 =	vmul.f32 v61, v9;
	(pc) =	sbr.rel @p0 .LBB2_6-.Ltmp3, $4  }
0x148: {  	s2 =	sshll.u32 s0, $0x7;
	v11 =	vmul.f32 v17, v63;
	[tilespmem:s14+$0xFFFFFEC0] =	vst v10  }
0x149: {  	s8 =	sand.u32 $0x80, s2;
	[tilespmem:s14+$0x100] =	vst v9  }
0x14a: {  	s8 =	sor.u32 $0x100, s8;
	[tilespmem:s14+$0xFFFFFFE0] =	vst v11  }
0x14b: {  	[spmem:s1] =	stream.indirect.scatter.add.f32 [tilespmem:s29], [sflag:$0x2], $0x90, s8, s24, $0xb8;
	[tilespmem:$0x1FD90] =	vst v63  }
0x14c: {  	s2 =	sadd.s32 $0x80, s2  }
0x14d: {  	s8 =	sadd.s32 s9, s2  }
0x14e: {  	s8 =	sshrl.u32 s8, $0x3  }
0x14f: {  	s2 =	sand.u32 $0x80, s2;
	s14 =	sadd.s32 s6, s8  }
0x150: {  	[tilespmem:s2], [sflag:$0x3] =	stream.linear.gather [hbm4b:s14+s3], $0x80, $0x38;
	[tilespmem:$0x1FD90] =	vst v63  }
0x151: {  	_ =	swait.ge [sflag:s21], $0x80  }
0x152: {  	[sflag:s21] =	ssyncset.done $0x0  }
0x153: {  	s22 =	sor.u32 $0x100, s2;
	s8 =	sadd.s32 s7, s8;
	[sflag:s21] =	ssyncadd.s32 $0xFFFFFF80  }
0x154: {  	[tilespmem:s22], [sflag:$0x3] =	stream.linear.gather [hbm4b:s8+s3], $0x80, $0x38;
	[tilespmem:$0x1FD90] =	vst v63  }
0x155: {  	_ =	swait.ge [sflag:s21], $0x80  }
.Ltmp4:
0x156: {  	[sflag:s21] =	ssyncset.done $0x0;
	(pc) =	sbr.rel .LBB2_2-.Ltmp4, $4  }
0x157: {  	[sflag:s21] =	ssyncadd.s32 $0xFFFFFF80  }
0x158: {  	[tilespmem:s25], [sflag:$0x1] =	stream.indirect.gather [hbm4b:s4+s24], $0x90, s2, s24, $0xb8;
	[tilespmem:$0x1FD90] =	vst v63  }
0x159: {  	s0 =	sadd.s32 $0x1, s0  }
0x15a: {  	[tilespmem:s26], [sflag:$0x1] =	stream.indirect.gather [hbm4b:s5+s24], $0x10, s22, s24, $0xb8;
	[tilespmem:$0x1FD90] =	vst v63  }
.LBB2_6:
0x15b: {  	_ =	swait.ge [sflag:s30], $0x4800  }
0x15c: {  	[sflag:s30] =	ssyncset.done $0x0  }
0x15d: {  	[sflag:s30] =	ssyncadd.s32 $0xFFFFB800  }
0x15e: {  	[bflag:$0x0] =	sbarrier.arrive $0xFFFF  }
0x15f: {  	s0 =	rddreg [dreg:$0x5]  }
0x160: {  	[hbm:s0], [sflag:s11] =	dma.local [spmem:s20], $0x2C70  }
0x161: {  	_ =	swait.ge [sflag:s21], $0x2C70  }
0x162: {  	[sflag:s21] =	ssyncset.done $0x0  }
0x163: {  	[sflag:s21] =	ssyncadd.s32 $0xFFFFD390  }
0x164: {  	[spmem:s20], [sflag:s11] =	dma.local [hbm:s10], $0x2C70  }
0x165: {  	_ =	swait.ge [sflag:s21], $0x2C70  }
0x166: {  	s8 =	simm.s32 $0x9A00;
	[sflag:s21] =	ssyncset.done $0x0  }
0x167: {  	s0 =	simm.s32 $0x0;
	s2 =	rddreg [dreg:$0x6];
	[sflag:s21] =	ssyncadd.s32 $0xFFFFD390  }
0x168: {  	[tilespmem:s8], [sflag:$0x3] =	stream.linear.gather [hbm4b:s2+s0], $0x10, $0x38;
	[tilespmem:$0x1FD90] =	vst v63  }
0x169: {  	_ =	swait.ge [sflag:s21], $0x10  }
0x16a: {  	[sflag:s21] =	ssyncset.done $0x0  }
0x16b: {  	[sflag:s21] =	ssyncadd.s32 $0xFFFFFFF0  }
0x16c: {  	[bflag:$0x0] =	sbarrier.arrive $0xFFFF  }
0x16d: {  	v8 =	vld [tilespmem:$0x9A00];
	[tilespmem:s0], [sflag:$0x3] =	stream.linear.gather [hbm4b:s12+s0], $0x80, $0x38  }
0x16e: {  	_ =	swait.ge [sflag:s21], $0x80  }
0x16f: {  	[sflag:s21] =	ssyncset.done $0x0  }
0x170: {  	[sflag:s21] =	ssyncadd.s32 $0xFFFFFF80  }
0x171: {  	[tilespmem:s23], [sflag:$0x3] =	stream.linear.gather [hbm4b:s13+s0], $0x80, $0x38;
	[tilespmem:$0x1FD90] =	vst v63  }
0x172: {  	_ =	swait.ge [sflag:s21], $0x80  }
0x173: {  	[sflag:s21] =	ssyncset.done $0x0  }
0x174: {  	[sflag:s21] =	ssyncadd.s32 $0xFFFFFF80  }
0x175: {  	[tilespmem:s25], [sflag:$0x1] =	stream.indirect.gather [hbm4b:s16+s24], $0x90, s0, s24, $0xb8;
	[tilespmem:$0x1FD90] =	vst v63  }
0x176: {  	_ = 	snop  }
0x177: {  	[tilespmem:s26], [sflag:$0x1] =	stream.indirect.gather [hbm4b:s17+s24], $0x10, s23, s24, $0xb8;
	[tilespmem:$0x1FD90] =	vst v63  }
.LBB2_7:
0x178: {  	_ =	swait.ge [sflag:s28], $0x4800  }
0x179: {  	[sflag:s28] =	ssyncset.done $0x0  }
0x17a: {  	[sflag:s28] =	ssyncadd.s32 $0xFFFFB800  }
0x17b: {  	_ =	swait.ge [sflag:s28], $0x800  }
0x17c: {  	p0 =	seq.s32 s0, $0x0;
	[sflag:s28] =	ssyncset.done $0x0  }
0x17d: {  	s2 =	simm.s32 @!p0 $0x2;
	[sflag:s28] =	ssyncadd.s32 $0xFFFFF800  }
0x17e: {  	_ =	swait.ge @!p0 [sflag:s2], $0x4800  }
0x17f: {  	[sflag:s2] =	ssyncset.done @!p0 $0x0  }
0x180: {  	s19 =	simm.s32 $0x440;
	[sflag:s2] =	ssyncadd.s32 @!p0 $0xFFFFB800  }
0x181: {  	s22 =	simm.s32 $0x4A40;
	v9 =	vld [tilespmem:s19+$0x230]  }
0x182: {  	v10 =	vld [tilespmem:s22+$0x30];
	_ =	sdelay $0x4  }
0x183: {  	v9 =	vadd.f32 v10, v9  }
0x184: {  	v12 =	vld [tilespmem:s19+$0x1A0]  }
0x185: {  	v10 =	vld [tilespmem:s22+$0x20];
	v11 =	vmul.f32 $2.000000030e-01, v9  }
0x186: {  	vm0 =	vge.f32 v9, $0.0e+00  }
0x187: {  	v13 =	vld [tilespmem:s22+$0xFFFFFFC0];
	v9 =	vsel vm0, v9, v11  }
0x188: {  	v14 =	vld [tilespmem:s22+$0x0];
	v9 =	vsub.f32 v9, v8  }
0x189: {  	v15 =	vld [tilespmem:s22+$0x10]  }
0x18a: {  	v17 =	vld [tilespmem:s22+$0xFFFFFFE0];
	v10 =	vadd.f32 v10, v12;
	v9 =	vmul.f32 $1.442695020e+00, v9  }
0x18b: {  	v12 =	vld [tilespmem:s19+$0x110]  }
0x18c: {  	v16 =	vmul.f32 $2.000000030e-01, v10;
	(erf) = vpow2.f32 v9;
	v9 =	vld [tilespmem:s19+$0x80]  }
0x18d: {  	v18 =	vld [tilespmem:s22+$0xFFFFFFF0];
	vm0 =	vge.f32 v10, $0.0e+00  }
0x18e: {  	v19 =	vld [tilespmem:s19+$0xFFFFFF60];
	v10 =	vsel vm0, v10, v16  }
0x18f: {  	v16 =	vld [tilespmem:s19+$0xFFFFFFF0];
	v10 =	vsub.f32 v10, v8  }
0x190: {  	v11 =	vld [tilespmem:s19+$0xFFFFFE40];
	v12 =	vadd.f32 v15, v12  }
0x191: {  	v15 =	vld [tilespmem:s22+$0xFFFFFFD0];
	v10 =	vmul.f32 $1.442695020e+00, v10;
	v9 =	vadd.f32 v14, v9  }
0x192: {  	v20 =	vmul.f32 $2.000000030e-01, v12;
	v14 =	vld [tilespmem:s19+$0xFFFFFED0]  }
0x193: {  	v17 =	vadd.f32 v17, v19;
	(erf) = vpow2.f32 v10;
	v10 =	vmul.f32 $2.000000030e-01, v9  }
0x194: {  	vm0 =	vge.f32 v12, $0.0e+00;
	v16 =	vadd.f32 v18, v16;
	vm1 =	vge.f32 v9, $0.0e+00  }
0x195: {  	v12 =	vsel vm0, v12, v20;
	v9 =	vsel vm1, v9, v10;
	v10 =	vadd.f32 v13, v11  }
0x196: {  	s8 =	simm.s32 $0x4AC0;
	s22 =	simm.s32 $0x5440;
	vm0 =	vge.f32 v17, $0.0e+00;
	v19 =	vsub.f32 v12, v8;
	v38 =	vpop (erf);
	v9 =	vsub.f32 v9, v8  }
0x197: {  	v24 =	vld [tilespmem:s8+$0x10];
	[tilespmem:s22+$0x230] =	vst v38;
	v18 =	vadd.f32 v15, v14;
	v14 =	vmul.f32 $2.000000030e-01, v17;
	v15 =	vmul.f32 $2.000000030e-01, v10  }
0x198: {  	s2 =	simm.s32 $0x8C0;
	v11 =	vperm.xlane v38, v0;
	v20 =	vld [tilespmem:s19+$0x1B0];
	vm1 =	vge.f32 v10, $0.0e+00;
	v9 =	vmul.f32 $1.442695020e+00, v9  }
0x199: {  	v25 =	vld [tilespmem:s2+$0x110];
	v17 =	vsel vm0, v17, v14;
	v21 =	vmul.f32 $2.000000030e-01, v18;
	v10 =	vsel vm1, v10, v15  }
0x19a: {  	v40 =	vld [tilespmem:s2+$0x230];
	vm0 =	vge.f32 v18, $0.0e+00;
	(erf) = vpow2.f32 v9;
	v9 =	vsub.f32 v10, v8  }
0x19b: {  	v41 =	vld [tilespmem:s8+$0x20];
	v10 =	vmul.f32 $2.000000030e-01, v16;
	v18 =	vsel vm0, v18, v21;
	v21 =	vsub.f32 v17, v8  }
0x19c: {  	v42 =	vld [tilespmem:s8+$0x30];
	vm0 =	vge.f32 v16, $0.0e+00;
	v22 =	vsub.f32 v18, v8;
	v9 =	vmul.f32 $1.442695020e+00, v9  }
0x19d: {  	v12 =	vld [tilespmem:s2+$0xFFFFFE40];
	v11 =	vmul.f32 v20, v11;
	v10 =	vsel vm0, v16, v10;
	v16 =	vmul.f32 $1.442695020e+00, v21  }
0x19e: {  	v13 =	vld [tilespmem:s8+$0xFFFFFFC0];
	v23 =	vmul.f32 $1.442695020e+00, v22;
	(erf) = vpow2.f32 v9  }
0x19f: {  	v14 =	vld [tilespmem:s8+$0xFFFFFFD0];
	v10 =	vsub.f32 v10, v8;
	[tilespmem:s22+$0x1B0] =	vst v11;
	v9 =	vmul.f32 $1.442695020e+00, v19;
	(erf) = vpow2.f32 v16  }
0x1a0: {  	v39 =	vpop (erf);
	v11 =	vld [tilespmem:s19+$0x1C0];
	(erf) = vpow2.f32 v23  }
0x1a1: {  	v15 =	vld [tilespmem:s2+$0xFFFFFED0];
	v10 =	vmul.f32 $1.442695020e+00, v10;
	(erf) = vpow2.f32 v9  }
0x1a2: {  	v17 =	vld [tilespmem:s8+$0xFFFFFFE0]  }
0x1a3: {  	v18 =	vld [tilespmem:s2+$0xFFFFFF60];
	v9 =	vperm.xlane v38, v1;
	(erf) = vpow2.f32 v10;
	v26 =	vpop (erf)  }
0x1a4: {  	v27 =	vperm.xlane v38, v6;
	v31 =	vperm.xlane v38, v5;
	v20 =	vld [tilespmem:s8+$0xFFFFFFF0];
	[tilespmem:s22+$0x80] =	vst v26  }
0x1a5: {  	v33 =	vperm.xlane v38, v4;
	[tilespmem:s22+$0x1A0] =	vst v39;
	v9 =	vmul.f32 v11, v9;
	v32 =	vld [tilespmem:s19+$0x0]  }
0x1a6: {  	v45 =	vperm.xlane v38, v3;
	v30 =	vperm.xlane v39, v5;
	v36 =	vld [tilespmem:s19+$0x120]  }
0x1a7: {  	v43 =	vperm.xlane v39, v2;
	v37 =	vperm.xlane v39, v3;
	v21 =	vld [tilespmem:s8+$0x0];
	[tilespmem:s22+$0x1C0] =	vst v9;
	v28 =	vpop (erf)  }
0x1a8: {  	v47 =	vperm.xlane v39, v0;
	v35 =	vperm.xlane v26, v0;
	v44 =	vld [tilespmem:s19+$0x1D0];
	[tilespmem:s22+$0xFFFFFE40] =	vst v28;
	v34 =	vpop (erf)  }
0x1a9: {  	v19 =	vperm.xlane v38, v7;
	v16 =	vperm.xlane v39, v7;
	v46 =	vld [tilespmem:s19+$0xFFFFFDC0];
	[tilespmem:s22+$0xFFFFFF60] =	vst v34;
	v29 =	vpop (erf)  }
0x1aa: {  	v23 =	vperm.xlane v39, v6;
	[tilespmem:s22+$0xFFFFFED0] =	vst v29;
	v48 =	vld [tilespmem:s19+$0xFFFFFEE0];
	v49 =	vmul.f32 v32, v35;
	v32 =	vpop (erf)  }
0x1ab: {  	v47 =	vmul.f32 v36, v47;
	v38 =	vperm.xlane v38, v2;
	v50 =	vld [tilespmem:s19+$0xFFFFFE50];
	[tilespmem:s22+$0x110] =	vst v32  }
0x1ac: {  	v11 =	vperm.xlane v39, v4;
	v51 =	vperm.xlane v28, v0;
	v36 =	vpop (erf);
	[tilespmem:s22+$0x0] =	vst v49;
	v49 =	vld [tilespmem:s19+$0x90]  }
0x1ad: {  	v53 =	vperm.xlane v26, v1;
	v52 =	vperm.xlane v34, v0;
	[tilespmem:s22+$0xFFFFFFF0] =	vst v36;
	v54 =	vld [tilespmem:s19+$0x10]  }
0x1ae: {  	[tilespmem:s22+$0x120] =	vst v47;
	v60 =	vperm.xlane v29, v0;
	v55 =	vld [tilespmem:s19+$0xFFFFFF70];
	v46 =	vmul.f32 v46, v51  }
0x1af: {  	v38 =	vmul.f32 v44, v38;
	v61 =	vmul.f32 v48, v52;
	v48 =	vld [tilespmem:s19+$0x130]  }
0x1b0: {  	v39 =	vperm.xlane v39, v1;
	v62 =	vperm.xlane v32, v0;
	v52 =	vld [tilespmem:s2+$0x1A0];
	[tilespmem:s22+$0xFFFFFDC0] =	vst v46  }
0x1b1: {  	v9 =	vperm.xlane v34, v7;
	[tilespmem:s22+$0x1D0] =	vst v38;
	v63 =	vmul.f32 v50, v60;
	v56 =	vld [tilespmem:s19+$0xFFFFFDD0]  }
0x1b2: {  	v50 =	vperm.xlane v36, v0;
	[tilespmem:s22+$0xFFFFFEE0] =	vst v61;
	v60 =	vmul.f32 v49, v62;
	v49 =	vld [tilespmem:s19+$0x1E0]  }
0x1b3: {  	v57 =	vperm.xlane v34, v1;
	[tilespmem:s22+$0xFFFFFE50] =	vst v63;
	v61 =	vld [tilespmem:s19+$0xFFFFFEF0];
	v62 =	vmul.f32 v54, v53  }
0x1b4: {  	v10 =	vperm.xlane v29, v7;
	v50 =	vmul.f32 v55, v50;
	v63 =	vld [tilespmem:s19+$0xFFFFFE60];
	[tilespmem:s22+$0x90] =	vst v60  }
0x1b5: {  	v40 =	vadd.f32 v42, v40;
	v35 =	vperm.xlane v26, v6;
	v55 =	vperm.xlane v28, v1;
	[tilespmem:s22+$0x10] =	vst v62;
	v44 =	vld [tilespmem:s19+$0xA0]  }
0x1b6: {  	v58 =	vperm.xlane v29, v1;
	v39 =	vmul.f32 v48, v39;
	[tilespmem:s22+$0xFFFFFF70] =	vst v50;
	v50 =	vld [tilespmem:s19+$0x20]  }
0x1b7: {  	v51 =	vmul.f32 $2.000000030e-01, v40;
	v53 =	vld [tilespmem:s19+$0xFFFFFF80];
	v42 =	vmul.f32 v56, v55  }
0x1b8: {  	vm0 =	vge.f32 v40, $0.0e+00;
	v22 =	vld [tilespmem:s2+$0x80];
	v60 =	vperm.xlane v32, v1;
	[tilespmem:s22+$0x130] =	vst v39;
	v59 =	vmul.f32 v61, v57  }
0x1b9: {  	v40 =	vsel vm0, v40, v51;
	v48 =	vperm.xlane v26, v2;
	v47 =	vld [tilespmem:s19+$0x140];
	[tilespmem:s22+$0xFFFFFDD0] =	vst v42;
	v62 =	vmul.f32 v63, v58  }
0x1ba: {  	v61 =	vsub.f32 v40, v8;
	v63 =	vperm.xlane v36, v1;
	v57 =	vld [tilespmem:s19+$0xFFFFFDE0];
	[tilespmem:s22+$0xFFFFFEF0] =	vst v59;
	v58 =	vmul.f32 v44, v60  }
0x1bb: {  	v39 =	vadd.f32 v41, v52;
	v45 =	vmul.f32 v49, v45;
	[tilespmem:s22+$0xFFFFFE60] =	vst v62;
	v59 =	vld [tilespmem:s19+$0xFFFFFF00];
	v60 =	vmul.f32 v50, v48  }
0x1bc: {  	v38 =	vmul.f32 $1.442695020e+00, v61;
	v42 =	vmul.f32 v53, v63;
	v61 =	vld [tilespmem:s19+$0xFFFFFE70];
	[tilespmem:s22+$0xA0] =	vst v58  }
0x1bd: {  	v56 =	vmul.f32 $2.000000030e-01, v39;
	v62 =	vperm.xlane v28, v2;
	[tilespmem:s22+$0x20] =	vst v60;
	v63 =	vld [tilespmem:s19+$0xB0]  }
0x1be: {  	vm0 =	vge.f32 v39, $0.0e+00;
	v53 =	vperm.xlane v34, v2;
	v43 =	vmul.f32 v47, v43;
	[tilespmem:s22+$0xFFFFFF80] =	vst v42;
	v54 =	vld [tilespmem:s19+$0x30]  }
0x1bf: {  	v55 =	vperm.xlane v29, v2;
	[tilespmem:s22+$0x1E0] =	vst v45;
	v39 =	vsel vm0, v39, v56;
	v56 =	vld [tilespmem:s19+$0xFFFFFF90];
	v41 =	vmul.f32 v57, v62  }
0x1c0: {  	v46 =	vld [tilespmem:s19+$0x1F0];
	[tilespmem:s22+$0x140] =	vst v43;
	v57 =	vperm.xlane v32, v2;
	v40 =	vmul.f32 v59, v53  }
0x1c1: {  	v48 =	vperm.xlane v26, v3;
	v39 =	vsub.f32 v39, v8;
	v58 =	vld [tilespmem:s19+$0x150];
	[tilespmem:s22+$0xFFFFFDE0] =	vst v41;
	v59 =	vmul.f32 v61, v55  }
0x1c2: {  	v60 =	vperm.xlane v36, v2;
	v61 =	vld [tilespmem:s19+$0xFFFFFDF0];
	[tilespmem:s22+$0xFFFFFF00] =	vst v40;
	v62 =	vmul.f32 v63, v57  }
0x1c3: {  	v39 =	vmul.f32 $1.442695020e+00, v39;
	[tilespmem:s22+$0xFFFFFE70] =	vst v59;
	v63 =	vld [tilespmem:s19+$0xFFFFFF10];
	v51 =	vmul.f32 v54, v48  }
0x1c4: {  	(erf) = vpow2.f32 v38;
	v53 =	vmul.f32 v56, v60;
	v52 =	vld [tilespmem:s19+$0xFFFFFE80];
	[tilespmem:s22+$0xB0] =	vst v62  }
0x1c5: {  	(erf) = vpow2.f32 v39;
	v54 =	vperm.xlane v28, v3;
	[tilespmem:s22+$0x30] =	vst v51;
	v55 =	vld [tilespmem:s19+$0xC0]  }
0x1c6: {  	v56 =	vperm.xlane v34, v3;
	v37 =	vmul.f32 v58, v37;
	[tilespmem:s22+$0xFFFFFF90] =	vst v53;
	v58 =	vld [tilespmem:s19+$0x40]  }
0x1c7: {  	v59 =	vperm.xlane v29, v3;
	v60 =	vld [tilespmem:s19+$0xFFFFFFA0];
	v40 =	vmul.f32 v61, v54  }
0x1c8: {  	v48 =	vld [tilespmem:s2+$0xFFFFFFF0];
	v62 =	vperm.xlane v32, v3;
	[tilespmem:s22+$0x150] =	vst v37;
	v61 =	vmul.f32 v63, v56  }
0x1c9: {  	v57 =	vperm.xlane v26, v4;
	v63 =	vld [tilespmem:s19+$0x160];
	[tilespmem:s22+$0xFFFFFDF0] =	vst v40;
	v39 =	vmul.f32 v52, v59  }
0x1ca: {  	v52 =	vperm.xlane v36, v3;
	v53 =	vld [tilespmem:s19+$0xFFFFFE00];
	[tilespmem:s22+$0xFFFFFF10] =	vst v61;
	v54 =	vmul.f32 v55, v62  }
0x1cb: {  	v49 =	vperm.xlane v29, v5;
	[tilespmem:s22+$0xFFFFFE80] =	vst v39;
	v55 =	vld [tilespmem:s19+$0xFFFFFF20];
	v56 =	vmul.f32 v58, v57  }
0x1cc: {  	v44 =	vperm.xlane v34, v6;
	v40 =	vmul.f32 v60, v52;
	v57 =	vld [tilespmem:s19+$0xFFFFFE90];
	[tilespmem:s22+$0xC0] =	vst v54  }
0x1cd: {  	v33 =	vmul.f32 v46, v33;
	v58 =	vperm.xlane v28, v4;
	[tilespmem:s22+$0x40] =	vst v56;
	v59 =	vld [tilespmem:s19+$0xD0]  }
0x1ce: {  	v60 =	vperm.xlane v34, v4;
	v11 =	vmul.f32 v63, v11;
	[tilespmem:s22+$0xFFFFFFA0] =	vst v40;
	v62 =	vld [tilespmem:s19+$0x50]  }
0x1cf: {  	[tilespmem:s22+$0x1F0] =	vst v33;
	v63 =	vperm.xlane v29, v4;
	v52 =	vld [tilespmem:s19+$0xFFFFFFB0];
	v37 =	vmul.f32 v53, v58  }
0x1d0: {  	v54 =	vld [tilespmem:s19+$0x200];
	v53 =	vperm.xlane v32, v4;
	[tilespmem:s22+$0x160] =	vst v11;
	v38 =	vmul.f32 v55, v60  }
0x1d1: {  	v61 =	vperm.xlane v26, v5;
	[tilespmem:s22+$0xFFFFFE00] =	vst v37;
	v55 =	vmul.f32 v57, v63;
	v57 =	vld [tilespmem:s19+$0x170]  }
0x1d2: {  	v56 =	vperm.xlane v36, v4;
	v58 =	vld [tilespmem:s19+$0xFFFFFE10];
	[tilespmem:s22+$0xFFFFFF20] =	vst v38;
	v41 =	vmul.f32 v59, v53  }
0x1d3: {  	v51 =	vperm.xlane v32, v5;
	[tilespmem:s22+$0xFFFFFE90] =	vst v55;
	v59 =	vld [tilespmem:s19+$0xFFFFFF30];
	v40 =	vmul.f32 v62, v61  }
0x1d4: {  	v39 =	vperm.xlane v36, v6;
	v42 =	vmul.f32 v52, v56;
	v60 =	vld [tilespmem:s19+$0xFFFFFEA0];
	[tilespmem:s22+$0xD0] =	vst v41  }
0x1d5: {  	v31 =	vmul.f32 v54, v31;
	v61 =	vperm.xlane v28, v5;
	[tilespmem:s22+$0x50] =	vst v40;
	v62 =	vld [tilespmem:s19+$0xE0]  }
0x1d6: {  	v34 =	vperm.xlane v34, v5;
	v11 =	vpop (erf);
	[tilespmem:s22+$0xFFFFFFB0] =	vst v42;
	v63 =	vld [tilespmem:s19+$0x60];
	v30 =	vmul.f32 v57, v30  }
0x1d7: {  	v33 =	vperm.xlane v11, v0;
	[tilespmem:s22+$0x200] =	vst v31;
	v50 =	vld [tilespmem:s19+$0xFFFFFFC0];
	v41 =	vmul.f32 v58, v61  }
0x1d8: {  	v38 =	vperm.xlane v26, v7;
	v31 =	vmul.f32 v59, v34;
	[tilespmem:s22+$0x170] =	vst v30;
	v30 =	vld [tilespmem:s19+$0x210]  }
0x1d9: {  	v26 =	vperm.xlane v32, v7;
	[tilespmem:s22+$0xFFFFFE10] =	vst v41;
	v52 =	vmul.f32 v60, v49;
	v54 =	vld [tilespmem:s19+$0x180]  }
0x1da: {  	v53 =	vperm.xlane v36, v5;
	v55 =	vld [tilespmem:s19+$0xFFFFFE20];
	[tilespmem:s22+$0xFFFFFF30] =	vst v31;
	v37 =	vmul.f32 v62, v51  }
0x1db: {  	v32 =	vperm.xlane v32, v6;
	[tilespmem:s22+$0xFFFFFEA0] =	vst v52;
	v56 =	vld [tilespmem:s19+$0xFFFFFF40];
	v35 =	vmul.f32 v63, v35  }
0x1dc: {  	v24 =	vadd.f32 v24, v25;
	v34 =	vperm.xlane v28, v7;
	v57 =	vmul.f32 v50, v53;
	v25 =	vld [tilespmem:s19+$0xFFFFFEB0];
	[tilespmem:s22+$0xE0] =	vst v37  }
0x1dd: {  	v28 =	vperm.xlane v28, v6;
	[tilespmem:s22+$0x60] =	vst v35;
	v58 =	vld [tilespmem:s19+$0xF0];
	v27 =	vmul.f32 v30, v27  }
0x1de: {  	v59 =	vmul.f32 $2.000000030e-01, v24;
	v30 =	vadd.f32 v21, v22;
	[tilespmem:s22+$0xFFFFFFC0] =	vst v57;
	v22 =	vld [tilespmem:s19+$0x70];
	v21 =	vmul.f32 v54, v23  }
0x1df: {  	v18 =	vadd.f32 v17, v18;
	v23 =	vmul.f32 v55, v28;
	v28 =	vperm.xlane v29, v6;
	v29 =	vld [tilespmem:s19+$0xFFFFFFD0];
	[tilespmem:s22+$0x210] =	vst v27  }
0x1e0: {  	vm0 =	vge.f32 v24, $0.0e+00;
	v27 =	vmul.f32 $2.000000030e-01, v30;
	v60 =	vmul.f32 v56, v44;
	[tilespmem:s22+$0x180] =	vst v21;
	v61 =	vld [tilespmem:s19+$0x220]  }
0x1e1: {  	vm1 =	vge.f32 v30, $0.0e+00;
	v21 =	vadd.f32 v20, v48;
	[tilespmem:s22+$0xFFFFFE20] =	vst v23;
	v20 =	vmul.f32 v25, v28;
	v62 =	vld [tilespmem:s19+$0x190]  }
0x1e2: {  	v31 =	vperm.xlane v36, v7;
	v23 =	vsel vm0, v24, v59;
	v25 =	vsel vm1, v30, v27;
	v17 =	vld [tilespmem:s19+$0xFFFFFE30];
	[tilespmem:s22+$0xFFFFFF40] =	vst v60  }
0x1e3: {  	s14 =	simm.s32 $0x58C0;
	v28 =	vadd.f32 v14, v15;
	v24 =	vsub.f32 v23, v8;
	[tilespmem:s22+$0xFFFFFEB0] =	vst v20;
	v23 =	vld [tilespmem:s19+$0xFFFFFF50];
	v20 =	vmul.f32 v58, v32  }
0x1e4: {  	[tilespmem:s14+$0x230] =	vst v11;
	v15 =	vadd.f32 v13, v12;
	v27 =	vsub.f32 v25, v8;
	v25 =	vld [tilespmem:s19+$0xFFFFFEC0];
	v14 =	vmul.f32 v29, v39  }
0x1e5: {  	v63 =	vmul.f32 $2.000000030e-01, v18;
	vm1 =	vge.f32 v18, $0.0e+00;
	v29 =	vld [tilespmem:s2+$0x1B0];
	[tilespmem:s22+$0xF0] =	vst v20;
	v13 =	vmul.f32 v61, v19  }
0x1e6: {  	vm0 =	vge.f32 v21, $0.0e+00;
	v35 =	vmul.f32 $2.000000030e-01, v15;
	v30 =	vmul.f32 $1.442695020e+00, v27;
	[tilespmem:s22+$0xFFFFFFD0] =	vst v14;
	v20 =	vld [tilespmem:s19+$0x100]  }
0x1e7: {  	s15 =	simm.s32 $0x8;
	s18 =	simm.s32 $0xD40;
	v12 =	vpop (erf);
	v32 =	vsel vm1, v18, v63;
	v19 =	vmul.f32 $2.000000030e-01, v21;
	v16 =	vmul.f32 v62, v16;
	v27 =	vld [tilespmem:s19+$0xFFFFFFE0];
	[tilespmem:s22+$0x220] =	vst v13  }
.LBB2_8:
0x1e8: {  	v13 =	vld [tilespmem:s18+$0xFFFFFE40];
	s15 =	sadd.s32 $0x8, s15;
	vm1 =	vge.f32 v15, $0.0e+00;
	v18 =	vmul.f32 $2.000000030e-01, v28;
	s8 =	sadd.s32 $0x80, s8;
	v22 =	vmul.f32 v22, v38  }
0x1e9: {  	v14 =	vld [tilespmem:s8+$0xFFFFFFC0];
	p0 =	slt.u32 s15, $0x78;
	v35 =	vsel vm1, v15, v35;
	vm1 =	vge.f32 v28, $0.0e+00;
	(erf) = vpow2.f32 v30;
	[tilespmem:s22+$0x190] =	vst v16  }
0x1ea: {  	v15 =	vld [tilespmem:s8+$0xFFFFFFD0];
	v30 =	vsub.f32 v35, v8;
	v18 =	vsel vm1, v28, v18;
	v28 =	vmul.f32 v29, v33;
	[tilespmem:s22+$0x70] =	vst v22  }
0x1eb: {  	v22 =	vsub.f32 v32, v8;
	v29 =	vmul.f32 v17, v34;
	v16 =	vld [tilespmem:s18+$0xFFFFFED0];
	v18 =	vsub.f32 v18, v8  }
0x1ec: {  	v9 =	vmul.f32 v23, v9;
	v32 =	vsel vm0, v21, v19;
	v17 =	vld [tilespmem:s8+$0xFFFFFFE0];
	v30 =	vmul.f32 $1.442695020e+00, v30;
	[tilespmem:s14+$0x1B0] =	vst v28  }
0x1ed: {  	v10 =	vmul.f32 v25, v10;
	v19 =	vld [tilespmem:s18+$0xFFFFFF60];
	v18 =	vmul.f32 $1.442695020e+00, v18;
	[tilespmem:s22+$0xFFFFFE30] =	vst v29  }
0x1ee: {  	v25 =	vmul.f32 $1.442695020e+00, v22;
	v21 =	vld [tilespmem:s8+$0xFFFFFFF0];
	[tilespmem:s22+$0xFFFFFF50] =	vst v9;
	v9 =	vmul.f32 v27, v31  }
0x1ef: {  	v27 =	vsub.f32 v32, v8;
	v22 =	vld [tilespmem:s8+$0x0];
	(erf) = vpow2.f32 v30;
	[tilespmem:s22+$0xFFFFFEC0] =	vst v10;
	v10 =	vmul.f32 v20, v26  }
0x1f0: {  	v20 =	vmul.f32 $1.442695020e+00, v24;
	v23 =	vld [tilespmem:s18+$0x80];
	(erf) = vpow2.f32 v25;
	[tilespmem:s22+$0xFFFFFFE0] =	vst v9  }
0x1f1: {  	v9 =	vmul.f32 $1.442695020e+00, v27;
	v29 =	vld [tilespmem:s2+$0x1C0];
	(erf) = vpow2.f32 v18;
	[tilespmem:s22+$0x100] =	vst v10;
	s22 =	smov.u32 s14  }
0x1f2: {  	v18 =	vperm.xlane v12, v7;
	v25 =	vld [tilespmem:s8+$0x10];
	v26 =	vpop (erf);
	(erf) = vpow2.f32 v20  }
0x1f3: {  	v20 =	vperm.xlane v11, v7;
	v27 =	vld [tilespmem:s18+$0x110];
	(erf) = vpow2.f32 v9  }
0x1f4: {  	v24 =	vperm.xlane v12, v6;
	v9 =	vperm.xlane v11, v1;
	v40 =	vld [tilespmem:s18+$0x230]  }
0x1f5: {  	v28 =	vperm.xlane v11, v6;
	v31 =	vperm.xlane v12, v5;
	v41 =	vld [tilespmem:s8+$0x20];
	[tilespmem:s14+$0x80] =	vst v26  }
0x1f6: {  	v34 =	vperm.xlane v11, v5;
	v32 =	vld [tilespmem:s2+$0x0];
	[tilespmem:s14+$0x1A0] =	vst v12;
	v9 =	vmul.f32 v29, v9  }
0x1f7: {  	v38 =	vperm.xlane v11, v4;
	v33 =	vperm.xlane v12, v4;
	v36 =	vld [tilespmem:s2+$0x120]  }
0x1f8: {  	v43 =	vperm.xlane v12, v2;
	v39 =	vperm.xlane v12, v3;
	v42 =	vld [tilespmem:s8+$0x30];
	[tilespmem:s14+$0x1C0] =	vst v9;
	v30 =	vpop (erf)  }
0x1f9: {  	v45 =	vperm.xlane v11, v3;
	v35 =	vperm.xlane v26, v0;
	[tilespmem:s14+$0xFFFFFE40] =	vst v30;
	v44 =	vld [tilespmem:s2+$0x1D0];
	v37 =	vpop (erf)  }
0x1fa: {  	v47 =	vperm.xlane v12, v0;
	v46 =	vld [tilespmem:s2+$0xFFFFFDC0];
	[tilespmem:s14+$0xFFFFFF60] =	vst v37;
	v9 =	vperm.xlane v37, v7;
	v29 =	vpop (erf)  }
0x1fb: {  	[tilespmem:s14+$0xFFFFFED0] =	vst v29;
	v10 =	vperm.xlane v29, v7;
	v48 =	vld [tilespmem:s2+$0xFFFFFEE0];
	v49 =	vmul.f32 v32, v35;
	v32 =	vpop (erf)  }
0x1fc: {  	v35 =	vperm.xlane v26, v6;
	v50 =	vld [tilespmem:s2+$0xFFFFFE50];
	[tilespmem:s14+$0x110] =	vst v32;
	v47 =	vmul.f32 v36, v47;
	v36 =	vpop (erf)  }
0x1fd: {  	v11 =	vperm.xlane v11, v2;
	v51 =	vperm.xlane v30, v0;
	[tilespmem:s14+$0x0] =	vst v49;
	v49 =	vld [tilespmem:s2+$0x90]  }
0x1fe: {  	v52 =	vperm.xlane v26, v1;
	v40 =	vadd.f32 v42, v40;
	v42 =	vperm.xlane v37, v0;
	[tilespmem:s14+$0xFFFFFFF0] =	vst v36;
	v53 =	vld [tilespmem:s2+$0x10]  }
0x1ff: {  	v46 =	vmul.f32 v46, v51;
	v51 =	vperm.xlane v29, v0;
	v54 =	vld [tilespmem:s2+$0xFFFFFF70];
	[tilespmem:s14+$0x120] =	vst v47  }
0x200: {  	v47 =	vperm.xlane v32, v0;
	v42 =	vmul.f32 v48, v42;
	v48 =	vld [tilespmem:s2+$0x130]  }
0x201: {  	v55 =	vld [tilespmem:s18+$0x1A0];
	[tilespmem:s14+$0xFFFFFDC0] =	vst v46;
	v46 =	vmul.f32 v50, v51;
	v50 =	vperm.xlane v36, v0  }
0x202: {  	v51 =	vmul.f32 $2.000000030e-01, v40;
	v56 =	vld [tilespmem:s2+$0xFFFFFDD0];
	[tilespmem:s14+$0xFFFFFEE0] =	vst v42;
	v42 =	vmul.f32 v49, v47  }
0x203: {  	v12 =	vperm.xlane v12, v1;
	vm0 =	vge.f32 v40, $0.0e+00;
	[tilespmem:s14+$0xFFFFFE50] =	vst v46;
	v46 =	vld [tilespmem:s2+$0xFFFFFEF0];
	v47 =	vmul.f32 v53, v52  }
0x204: {  	v11 =	vmul.f32 v44, v11;
	v40 =	vsel vm0, v40, v51;
	v49 =	vld [tilespmem:s2+$0xFFFFFE60];
	v50 =	vmul.f32 v54, v50;
	[tilespmem:s14+$0x90] =	vst v42  }
0x205: {  	v40 =	vsub.f32 v40, v8;
	v42 =	vperm.xlane v30, v1;
	[tilespmem:s14+$0x10] =	vst v47;
	v44 =	vld [tilespmem:s2+$0xA0];
	v12 =	vmul.f32 v48, v12  }
0x206: {  	v47 =	vperm.xlane v37, v1;
	v48 =	vperm.xlane v26, v2;
	v41 =	vadd.f32 v41, v55;
	[tilespmem:s14+$0xFFFFFF70] =	vst v50;
	v50 =	vld [tilespmem:s2+$0x20]  }
0x207: {  	v51 =	vperm.xlane v29, v1;
	v42 =	vmul.f32 v56, v42;
	v52 =	vld [tilespmem:s2+$0xFFFFFF80];
	[tilespmem:s14+$0x130] =	vst v12  }
0x208: {  	v12 =	vmul.f32 v46, v47;
	v46 =	vperm.xlane v32, v1;
	v47 =	vld [tilespmem:s2+$0x140];
	[tilespmem:s14+$0x1D0] =	vst v11  }
0x209: {  	[tilespmem:s14+$0xFFFFFDD0] =	vst v42;
	v11 =	vmul.f32 v49, v51;
	v42 =	vperm.xlane v36, v1;
	v49 =	vld [tilespmem:s2+$0x1E0]  }
0x20a: {  	v51 =	vmul.f32 $2.000000030e-01, v41;
	v53 =	vld [tilespmem:s2+$0xFFFFFDE0];
	[tilespmem:s14+$0xFFFFFEF0] =	vst v12;
	v12 =	vmul.f32 v44, v46  }
0x20b: {  	v40 =	vmul.f32 $1.442695020e+00, v40;
	vm0 =	vge.f32 v41, $0.0e+00;
	[tilespmem:s14+$0xFFFFFE60] =	vst v11;
	v11 =	vld [tilespmem:s2+$0xFFFFFF00];
	v44 =	vmul.f32 v50, v48  }
0x20c: {  	v41 =	vsel vm0, v41, v51;
	v48 =	vperm.xlane v26, v3;
	v46 =	vld [tilespmem:s2+$0xFFFFFE70];
	v42 =	vmul.f32 v52, v42;
	[tilespmem:s14+$0xA0] =	vst v12  }
0x20d: {  	v12 =	vsub.f32 v41, v8;
	v41 =	vperm.xlane v30, v2;
	[tilespmem:s14+$0x20] =	vst v44;
	v44 =	vld [tilespmem:s2+$0xB0];
	v43 =	vmul.f32 v47, v43  }
0x20e: {  	v47 =	vperm.xlane v37, v2;
	[tilespmem:s14+$0xFFFFFF80] =	vst v42;
	v42 =	vld [tilespmem:s2+$0x30];
	v45 =	vmul.f32 v49, v45  }
0x20f: {  	v49 =	vperm.xlane v29, v2;
	v41 =	vmul.f32 v53, v41;
	v50 =	vld [tilespmem:s2+$0xFFFFFF90];
	[tilespmem:s14+$0x140] =	vst v43  }
0x210: {  	v43 =	vperm.xlane v32, v2;
	v11 =	vmul.f32 v11, v47;
	v47 =	vld [tilespmem:s2+$0x150];
	[tilespmem:s14+$0x1E0] =	vst v45  }
0x211: {  	v45 =	vperm.xlane v36, v2;
	[tilespmem:s14+$0xFFFFFDE0] =	vst v41;
	v41 =	vmul.f32 v46, v49;
	v46 =	vld [tilespmem:s2+$0x1F0]  }
0x212: {  	v12 =	vmul.f32 $1.442695020e+00, v12;
	v49 =	vld [tilespmem:s2+$0xFFFFFDF0];
	[tilespmem:s14+$0xFFFFFF00] =	vst v11;
	v11 =	vmul.f32 v44, v43  }
0x213: {  	(erf) = vpow2.f32 v40;
	[tilespmem:s14+$0xFFFFFE70] =	vst v41;
	v40 =	vld [tilespmem:s2+$0xFFFFFF10];
	v41 =	vmul.f32 v42, v48  }
0x214: {  	(erf) = vpow2.f32 v12;
	v12 =	vld [tilespmem:s2+$0xFFFFFE80];
	v42 =	vmul.f32 v50, v45;
	[tilespmem:s14+$0xB0] =	vst v11  }
0x215: {  	v11 =	vperm.xlane v30, v3;
	[tilespmem:s14+$0x30] =	vst v41;
	v41 =	vld [tilespmem:s2+$0xC0];
	v39 =	vmul.f32 v47, v39  }
0x216: {  	v43 =	vperm.xlane v37, v3;
	[tilespmem:s14+$0xFFFFFF90] =	vst v42;
	v42 =	vperm.xlane v26, v4;
	v44 =	vld [tilespmem:s2+$0x40]  }
0x217: {  	v45 =	vperm.xlane v29, v3;
	v11 =	vmul.f32 v49, v11;
	v47 =	vld [tilespmem:s2+$0xFFFFFFA0];
	[tilespmem:s14+$0x150] =	vst v39  }
0x218: {  	v39 =	vmul.f32 v40, v43;
	v40 =	vperm.xlane v32, v3;
	v43 =	vld [tilespmem:s2+$0x160]  }
0x219: {  	v48 =	vld [tilespmem:s18+$0xFFFFFFF0];
	[tilespmem:s14+$0xFFFFFDF0] =	vst v11;
	v49 =	vmul.f32 v12, v45;
	v12 =	vperm.xlane v36, v3  }
0x21a: {  	v38 =	vmul.f32 v46, v38;
	v45 =	vld [tilespmem:s2+$0xFFFFFE00];
	[tilespmem:s14+$0xFFFFFF10] =	vst v39;
	v40 =	vmul.f32 v41, v40  }
0x21b: {  	v39 =	vperm.xlane v36, v6;
	[tilespmem:s14+$0xFFFFFE80] =	vst v49;
	v41 =	vld [tilespmem:s2+$0xFFFFFF20];
	v42 =	vmul.f32 v44, v42  }
0x21c: {  	v46 =	vperm.xlane v37, v6;
	v11 =	vpop (erf);
	v44 =	vld [tilespmem:s2+$0xFFFFFE90];
	v47 =	vmul.f32 v47, v12;
	[tilespmem:s14+$0xC0] =	vst v40  }
0x21d: {  	v40 =	vperm.xlane v30, v4;
	v12 =	vpop (erf);
	[tilespmem:s14+$0x40] =	vst v42;
	v42 =	vld [tilespmem:s2+$0xD0];
	v33 =	vmul.f32 v43, v33  }
0x21e: {  	v43 =	vperm.xlane v37, v4;
	s14 =	sadd.s32 $0x480, s14;
	[tilespmem:s22+$0xFFFFFFA0] =	vst v47;
	v47 =	vperm.xlane v26, v5;
	v49 =	vld [tilespmem:s2+$0x50]  }
0x21f: {  	v40 =	vmul.f32 v45, v40;
	v45 =	vperm.xlane v29, v4;
	v50 =	vld [tilespmem:s2+$0xFFFFFFB0];
	[tilespmem:s22+$0x1F0] =	vst v38  }
0x220: {  	v38 =	vmul.f32 v41, v43;
	v41 =	vperm.xlane v32, v4;
	[tilespmem:s22+$0x160] =	vst v33;
	v43 =	vld [tilespmem:s2+$0x200]  }
0x221: {  	[tilespmem:s22+$0xFFFFFE00] =	vst v40;
	v40 =	vmul.f32 v44, v45;
	v44 =	vperm.xlane v36, v4;
	v45 =	vld [tilespmem:s2+$0x170]  }
0x222: {  	v33 =	vperm.xlane v11, v0;
	v51 =	vld [tilespmem:s2+$0xFFFFFE10];
	[tilespmem:s22+$0xFFFFFF20] =	vst v38;
	v41 =	vmul.f32 v42, v41  }
0x223: {  	v38 =	vperm.xlane v26, v7;
	[tilespmem:s22+$0xFFFFFE90] =	vst v40;
	v40 =	vld [tilespmem:s2+$0xFFFFFF30];
	v42 =	vmul.f32 v49, v47  }
0x224: {  	v26 =	vperm.xlane v32, v7;
	v47 =	vld [tilespmem:s2+$0xFFFFFEA0];
	v44 =	vmul.f32 v50, v44;
	[tilespmem:s22+$0xD0] =	vst v41  }
0x225: {  	v41 =	vperm.xlane v30, v5;
	[tilespmem:s22+$0x50] =	vst v42;
	v42 =	vld [tilespmem:s2+$0xE0];
	v34 =	vmul.f32 v43, v34  }
0x226: {  	v37 =	vperm.xlane v37, v5;
	[tilespmem:s22+$0xFFFFFFB0] =	vst v44;
	v43 =	vld [tilespmem:s2+$0x60];
	v31 =	vmul.f32 v45, v31  }
0x227: {  	v44 =	vperm.xlane v29, v5;
	v41 =	vmul.f32 v51, v41;
	v45 =	vld [tilespmem:s2+$0xFFFFFFC0];
	[tilespmem:s22+$0x200] =	vst v34  }
0x228: {  	v37 =	vmul.f32 v40, v37;
	v40 =	vperm.xlane v32, v5;
	[tilespmem:s22+$0x170] =	vst v31;
	v49 =	vld [tilespmem:s2+$0x210]  }
0x229: {  	[tilespmem:s22+$0xFFFFFE10] =	vst v41;
	v31 =	vmul.f32 v47, v44;
	v41 =	vperm.xlane v36, v5;
	v44 =	vld [tilespmem:s2+$0x180]  }
0x22a: {  	v34 =	vperm.xlane v30, v7;
	v47 =	vld [tilespmem:s2+$0xFFFFFE20];
	[tilespmem:s22+$0xFFFFFF30] =	vst v37;
	v37 =	vmul.f32 v42, v40  }
0x22b: {  	[tilespmem:s22+$0xFFFFFEA0] =	vst v31;
	v40 =	vld [tilespmem:s2+$0xFFFFFF40];
	v31 =	vperm.xlane v36, v7;
	v35 =	vmul.f32 v43, v35  }
0x22c: {  	v25 =	vadd.f32 v25, v27;
	v32 =	vperm.xlane v32, v6;
	v27 =	vld [tilespmem:s2+$0xFFFFFEB0];
	v36 =	vmul.f32 v45, v41;
	[tilespmem:s22+$0xE0] =	vst v37  }
0x22d: {  	v30 =	vperm.xlane v30, v6;
	[tilespmem:s22+$0x60] =	vst v35;
	v35 =	vld [tilespmem:s2+$0xF0];
	v28 =	vmul.f32 v49, v28  }
0x22e: {  	v23 =	vadd.f32 v22, v23;
	v37 =	vmul.f32 $2.000000030e-01, v25;
	[tilespmem:s22+$0xFFFFFFC0] =	vst v36;
	v22 =	vld [tilespmem:s2+$0x70];
	v24 =	vmul.f32 v44, v24  }
0x22f: {  	vm0 =	vge.f32 v25, $0.0e+00;
	v29 =	vperm.xlane v29, v6;
	v30 =	vmul.f32 v47, v30;
	v36 =	vld [tilespmem:s2+$0xFFFFFFD0];
	[tilespmem:s22+$0x210] =	vst v28  }
0x230: {  	v21 =	vadd.f32 v21, v48;
	v28 =	vmul.f32 $2.000000030e-01, v23;
	v40 =	vmul.f32 v40, v46;
	[tilespmem:s22+$0x180] =	vst v24;
	v41 =	vld [tilespmem:s2+$0x220]  }
0x231: {  	vm1 =	vge.f32 v23, $0.0e+00;
	v24 =	vsel vm0, v25, v37;
	[tilespmem:s22+$0xFFFFFE20] =	vst v30;
	v25 =	vmul.f32 v27, v29;
	v37 =	vld [tilespmem:s2+$0x190]  }
0x232: {  	v27 =	vadd.f32 v17, v19;
	v19 =	vsel vm1, v23, v28;
	v24 =	vsub.f32 v24, v8;
	v17 =	vld [tilespmem:s2+$0xFFFFFE30];
	[tilespmem:s22+$0xFFFFFF40] =	vst v40  }
.Ltmp5:
0x233: {  	vm0 =	vge.f32 v21, $0.0e+00;
	v30 =	vsub.f32 v19, v8;
	v19 =	vmul.f32 v35, v32;
	[tilespmem:s22+$0xFFFFFEB0] =	vst v25;
	v23 =	vld [tilespmem:s2+$0xFFFFFF50];
	(pc) =	sbr.rel @p0 .LBB2_8-.Ltmp5, $4  }
0x234: {  	v28 =	vadd.f32 v15, v16;
	v16 =	vmul.f32 $2.000000030e-01, v27;
	[tilespmem:s14+$0x230] =	vst v11;
	v25 =	vld [tilespmem:s2+$0xFFFFFEC0];
	v32 =	vmul.f32 v36, v39  }
0x235: {  	v15 =	vadd.f32 v14, v13;
	vm1 =	vge.f32 v27, $0.0e+00;
	v29 =	vld [tilespmem:s18+$0x1B0];
	[tilespmem:s22+$0xF0] =	vst v19;
	v13 =	vmul.f32 v41, v20  }
0x236: {  	v30 =	vmul.f32 $1.442695020e+00, v30;
	v19 =	vmul.f32 $2.000000030e-01, v21;
	[tilespmem:s22+$0xFFFFFFD0] =	vst v32;
	v20 =	vld [tilespmem:s2+$0x100]  }
0x237: {  	v35 =	vmul.f32 $2.000000030e-01, v15;
	v32 =	vsel vm1, v27, v16;
	v16 =	vmul.f32 v37, v18;
	v27 =	vld [tilespmem:s2+$0xFFFFFFE0];
	[tilespmem:s22+$0x220] =	vst v13;
	s2 =	smov.u32 s18;
	s18 =	sadd.s32 $0x480, s18  }
0x238: {  	vm1 =	vge.f32 v15, $0.0e+00  }
0x239: {  	v13 =	vmul.f32 $2.000000030e-01, v28;
	v14 =	vsel vm1, v15, v35  }
0x23a: {  	vm15 =	vge.f32 v28, $0.0e+00;
	v14 =	vsub.f32 v14, v8  }
0x23b: {  	v55 =	vmul.f32 v22, v38;
	v18 =	vsub.f32 v32, v8;
	v13 =	vsel vm15, v28, v13  }
0x23c: {  	(erf) = vpow2.f32 v30;
	v13 =	vsub.f32 v13, v8;
	v14 =	vmul.f32 $1.442695020e+00, v14  }
0x23d: {  	v19 =	vsel vm0, v21, v19;
	v57 =	vmul.f32 $1.442695020e+00, v24;
	v18 =	vmul.f32 $1.442695020e+00, v18  }
0x23e: {  	v19 =	vsub.f32 v19, v8;
	v13 =	vmul.f32 $1.442695020e+00, v13;
	(erf) = vpow2.f32 v14  }
0x23f: {  	v59 =	vmul.f32 v17, v34;
	[tilespmem:s14+$0x1A0] =	vst v12;
	(erf) = vpow2.f32 v18  }
0x240: {  	[tilespmem:s22+$0x190] =	vst v16;
	v58 =	vmul.f32 $1.442695020e+00, v19;
	(erf) = vpow2.f32 v13  }
0x241: {  	v9 =	vmul.f32 v23, v9;
	[tilespmem:s22+$0x70] =	vst v55;
	(erf) = vpow2.f32 v57  }
0x242: {  	v10 =	vmul.f32 v25, v10;
	[tilespmem:s22+$0xFFFFFE30] =	vst v59;
	(erf) = vpow2.f32 v58  }
0x243: {  	v56 =	vmul.f32 v29, v33;
	[tilespmem:s22+$0xFFFFFF50] =	vst v9  }
0x244: {  	[tilespmem:s22+$0xFFFFFEC0] =	vst v10;
	v9 =	vmul.f32 v27, v31  }
0x245: {  	[tilespmem:s14+$0x1B0] =	vst v56  }
0x246: {  	[tilespmem:s22+$0xFFFFFFE0] =	vst v9;
	v15 =	vpop (erf)  }
0x247: {  	v60 =	vld [tilespmem:s2+$0x120];
	[tilespmem:s14+$0x80] =	vst v15;
	v14 =	vpop (erf)  }
0x248: {  	v61 =	vld [tilespmem:s2+$0x0];
	v13 =	vpop (erf);
	[tilespmem:s14+$0xFFFFFE40] =	vst v14  }
0x249: {  	v10 =	vpop (erf);
	v62 =	vld [tilespmem:s2+$0xFFFFFDC0];
	[tilespmem:s14+$0xFFFFFF60] =	vst v13  }
0x24a: {  	v63 =	vperm.xlane v12, v0;
	v9 =	vpop (erf);
	[tilespmem:s14+$0xFFFFFED0] =	vst v10;
	v28 =	vld [tilespmem:s2+$0xFFFFFEE0]  }
0x24b: {  	v20 =	vmul.f32 v20, v26;
	v29 =	vperm.xlane v15, v0;
	v16 =	vpop (erf);
	v30 =	vld [tilespmem:s2+$0xFFFFFE50];
	[tilespmem:s14+$0x110] =	vst v9  }
0x24c: {  	v17 =	vmul.f32 v60, v63;
	v31 =	vperm.xlane v14, v0;
	[tilespmem:s14+$0xFFFFFFF0] =	vst v16;
	v33 =	vld [tilespmem:s2+$0x90]  }
0x24d: {  	[tilespmem:s22+$0x100] =	vst v20;
	v18 =	vmul.f32 v61, v29;
	v34 =	vperm.xlane v13, v0;
	v32 =	vld [tilespmem:s2+$0xFFFFFF70]  }
0x24e: {  	v35 =	vld [tilespmem:s2+$0x1C0];
	[tilespmem:s14+$0x120] =	vst v17;
	v36 =	vperm.xlane v10, v0;
	v19 =	vmul.f32 v62, v31  }
0x24f: {  	v38 =	vld [tilespmem:s2+$0x130];
	[tilespmem:s14+$0x0] =	vst v18;
	v41 =	vperm.xlane v9, v0;
	v37 =	vmul.f32 v28, v34  }
0x250: {  	v40 =	vld [tilespmem:s2+$0x10];
	v39 =	vperm.xlane v16, v0;
	[tilespmem:s14+$0xFFFFFDC0] =	vst v19;
	v42 =	vmul.f32 v30, v36  }
0x251: {  	v43 =	vperm.xlane v11, v1;
	v44 =	vld [tilespmem:s2+$0xFFFFFDD0];
	[tilespmem:s14+$0xFFFFFEE0] =	vst v37;
	v20 =	vmul.f32 v33, v41  }
0x252: {  	v47 =	vperm.xlane v12, v1;
	v45 =	vmul.f32 v32, v39;
	[tilespmem:s14+$0xFFFFFE50] =	vst v42;
	v46 =	vld [tilespmem:s2+$0xFFFFFEF0]  }
0x253: {  	v21 =	vmul.f32 v35, v43;
	v48 =	vperm.xlane v15, v1;
	v49 =	vld [tilespmem:s2+$0xFFFFFE60];
	[tilespmem:s14+$0x90] =	vst v20  }
0x254: {  	v50 =	vperm.xlane v14, v1;
	v18 =	vmul.f32 v38, v47;
	[tilespmem:s14+$0xFFFFFF70] =	vst v45;
	v53 =	vld [tilespmem:s2+$0xA0]  }
0x255: {  	[tilespmem:s14+$0x1C0] =	vst v21;
	v54 =	vperm.xlane v13, v1;
	v52 =	vmul.f32 v40, v48;
	v51 =	vld [tilespmem:s2+$0xFFFFFF80]  }
0x256: {  	v55 =	vld [tilespmem:s2+$0x1D0];
	v56 =	vperm.xlane v10, v1;
	[tilespmem:s14+$0x130] =	vst v18;
	v17 =	vmul.f32 v44, v50  }
0x257: {  	v61 =	vperm.xlane v9, v1;
	v58 =	vld [tilespmem:s2+$0x140];
	[tilespmem:s14+$0x10] =	vst v52;
	v57 =	vmul.f32 v46, v54  }
0x258: {  	v59 =	vperm.xlane v16, v1;
	v60 =	vld [tilespmem:s2+$0x20];
	[tilespmem:s14+$0xFFFFFDD0] =	vst v17;
	v62 =	vmul.f32 v49, v56  }
0x259: {  	v63 =	vperm.xlane v11, v2;
	v28 =	vld [tilespmem:s2+$0xFFFFFDE0];
	[tilespmem:s14+$0xFFFFFEF0] =	vst v57;
	v31 =	vmul.f32 v53, v61  }
0x25a: {  	v30 =	vperm.xlane v12, v2;
	v29 =	vmul.f32 v51, v59;
	[tilespmem:s14+$0xFFFFFE60] =	vst v62;
	v32 =	vld [tilespmem:s2+$0xFFFFFF00]  }
0x25b: {  	v34 =	vperm.xlane v15, v2;
	v33 =	vmul.f32 v55, v63;
	v35 =	vld [tilespmem:s2+$0xFFFFFE70];
	[tilespmem:s14+$0xA0] =	vst v31  }
0x25c: {  	v36 =	vperm.xlane v14, v2;
	v19 =	vmul.f32 v58, v30;
	[tilespmem:s14+$0xFFFFFF80] =	vst v29;
	v39 =	vld [tilespmem:s2+$0xB0]  }
0x25d: {  	v40 =	vperm.xlane v13, v2;
	[tilespmem:s14+$0x1D0] =	vst v33;
	v38 =	vmul.f32 v60, v34;
	v37 =	vld [tilespmem:s2+$0xFFFFFF90]  }
0x25e: {  	v42 =	vperm.xlane v10, v2;
	v41 =	vld [tilespmem:s2+$0x1E0];
	[tilespmem:s14+$0x140] =	vst v19;
	v18 =	vmul.f32 v28, v36  }
0x25f: {  	v45 =	vperm.xlane v9, v2;
	v19 =	vld [tilespmem:s2+$0x150];
	[tilespmem:s14+$0x20] =	vst v38;
	v17 =	vmul.f32 v32, v40  }
0x260: {  	v43 =	vperm.xlane v16, v2;
	v44 =	vld [tilespmem:s2+$0x30];
	[tilespmem:s14+$0xFFFFFDE0] =	vst v18;
	v46 =	vmul.f32 v35, v42  }
0x261: {  	v47 =	vperm.xlane v11, v3;
	v48 =	vld [tilespmem:s2+$0xFFFFFDF0];
	[tilespmem:s14+$0xFFFFFF00] =	vst v17;
	v51 =	vmul.f32 v39, v45  }
0x262: {  	v50 =	vperm.xlane v12, v3;
	v49 =	vmul.f32 v37, v43;
	[tilespmem:s14+$0xFFFFFE70] =	vst v46;
	v52 =	vld [tilespmem:s2+$0xFFFFFF10]  }
0x263: {  	v53 =	vperm.xlane v15, v3;
	v24 =	vmul.f32 v41, v47;
	v54 =	vld [tilespmem:s2+$0xFFFFFE80];
	[tilespmem:s14+$0xB0] =	vst v51  }
0x264: {  	v55 =	vperm.xlane v14, v3;
	v19 =	vmul.f32 v19, v50;
	[tilespmem:s14+$0xFFFFFF90] =	vst v49;
	v58 =	vld [tilespmem:s2+$0xC0]  }
0x265: {  	v59 =	vperm.xlane v13, v3;
	[tilespmem:s14+$0x1E0] =	vst v24;
	v57 =	vmul.f32 v44, v53;
	v56 =	vld [tilespmem:s2+$0xFFFFFFA0]  }
0x266: {  	v60 =	vperm.xlane v10, v3;
	v24 =	vld [tilespmem:s2+$0x1F0];
	[tilespmem:s14+$0x150] =	vst v19;
	v17 =	vmul.f32 v48, v55  }
0x267: {  	v63 =	vperm.xlane v9, v3;
	v19 =	vld [tilespmem:s2+$0x160];
	[tilespmem:s14+$0x30] =	vst v57;
	v18 =	vmul.f32 v52, v59  }
0x268: {  	v61 =	vperm.xlane v16, v3;
	v62 =	vld [tilespmem:s2+$0x40];
	[tilespmem:s14+$0xFFFFFDF0] =	vst v17;
	v29 =	vmul.f32 v54, v60  }
0x269: {  	v30 =	vperm.xlane v11, v4;
	v31 =	vld [tilespmem:s2+$0xFFFFFE00];
	[tilespmem:s14+$0xFFFFFF10] =	vst v18;
	v34 =	vmul.f32 v58, v63  }
0x26a: {  	v33 =	vperm.xlane v12, v4;
	v32 =	vmul.f32 v56, v61;
	[tilespmem:s14+$0xFFFFFE80] =	vst v29;
	v35 =	vld [tilespmem:s2+$0xFFFFFF20]  }
0x26b: {  	v36 =	vperm.xlane v15, v4;
	v24 =	vmul.f32 v24, v30;
	v37 =	vld [tilespmem:s2+$0xFFFFFE90];
	[tilespmem:s14+$0xC0] =	vst v34  }
0x26c: {  	v38 =	vperm.xlane v14, v4;
	v19 =	vmul.f32 v19, v33;
	[tilespmem:s14+$0xFFFFFFA0] =	vst v32;
	v41 =	vld [tilespmem:s2+$0xD0]  }
0x26d: {  	v42 =	vperm.xlane v13, v4;
	[tilespmem:s14+$0x1F0] =	vst v24;
	v40 =	vmul.f32 v62, v36;
	v39 =	vld [tilespmem:s2+$0xFFFFFFB0]  }
0x26e: {  	v43 =	vperm.xlane v10, v4;
	[tilespmem:s14+$0x160] =	vst v19;
	v44 =	vld [tilespmem:s2+$0x200];
	v18 =	vmul.f32 v31, v38  }
0x26f: {  	v46 =	vld [tilespmem:s2+$0x170];
	v48 =	vperm.xlane v9, v4;
	[tilespmem:s14+$0x40] =	vst v40;
	v17 =	vmul.f32 v35, v42  }
0x270: {  	v45 =	vperm.xlane v16, v4;
	v47 =	vld [tilespmem:s2+$0x50];
	[tilespmem:s14+$0xFFFFFE00] =	vst v18;
	v49 =	vmul.f32 v37, v43  }
0x271: {  	v50 =	vperm.xlane v11, v5;
	v51 =	vld [tilespmem:s2+$0xFFFFFE10];
	[tilespmem:s14+$0xFFFFFF20] =	vst v17;
	v54 =	vmul.f32 v41, v48  }
0x272: {  	v53 =	vperm.xlane v12, v5;
	v52 =	vmul.f32 v39, v45;
	[tilespmem:s14+$0xFFFFFE90] =	vst v49;
	v55 =	vld [tilespmem:s2+$0xFFFFFF30]  }
0x273: {  	v19 =	vmul.f32 v44, v50;
	v56 =	vperm.xlane v15, v5;
	v57 =	vld [tilespmem:s2+$0xFFFFFEA0];
	[tilespmem:s14+$0xD0] =	vst v54  }
0x274: {  	v58 =	vperm.xlane v14, v5;
	v20 =	vmul.f32 v46, v53;
	[tilespmem:s14+$0xFFFFFFB0] =	vst v52;
	v60 =	vld [tilespmem:s2+$0xE0]  }
0x275: {  	v61 =	vperm.xlane v13, v5;
	[tilespmem:s14+$0x200] =	vst v19;
	v22 =	vmul.f32 v47, v56;
	v59 =	vld [tilespmem:s2+$0xFFFFFFC0]  }
0x276: {  	v62 =	vperm.xlane v10, v5;
	[tilespmem:s14+$0x170] =	vst v20;
	v63 =	vld [tilespmem:s2+$0x210];
	v17 =	vmul.f32 v51, v58  }
0x277: {  	v33 =	vperm.xlane v9, v5;
	v31 =	vld [tilespmem:s2+$0x180];
	[tilespmem:s14+$0x50] =	vst v22;
	v18 =	vmul.f32 v55, v61  }
0x278: {  	v30 =	vperm.xlane v16, v5;
	v32 =	vld [tilespmem:s2+$0x60];
	[tilespmem:s14+$0xFFFFFE10] =	vst v17;
	v34 =	vmul.f32 v57, v62  }
0x279: {  	v35 =	vperm.xlane v11, v6;
	v36 =	vld [tilespmem:s2+$0xFFFFFE20];
	[tilespmem:s14+$0xFFFFFF30] =	vst v18;
	v39 =	vmul.f32 v60, v33  }
0x27a: {  	v38 =	vperm.xlane v12, v6;
	v37 =	vmul.f32 v59, v30;
	[tilespmem:s14+$0xFFFFFEA0] =	vst v34;
	v40 =	vld [tilespmem:s2+$0xFFFFFF40]  }
0x27b: {  	v41 =	vperm.xlane v15, v6;
	v19 =	vmul.f32 v63, v35;
	v42 =	vld [tilespmem:s2+$0xFFFFFEB0];
	[tilespmem:s14+$0xE0] =	vst v39  }
0x27c: {  	v43 =	vperm.xlane v14, v6;
	v44 =	vmul.f32 v31, v38;
	[tilespmem:s14+$0xFFFFFFC0] =	vst v37;
	v47 =	vld [tilespmem:s2+$0xF0]  }
0x27d: {  	v46 =	vperm.xlane v13, v6;
	[tilespmem:s14+$0x210] =	vst v19;
	v23 =	vmul.f32 v32, v41;
	v45 =	vld [tilespmem:s2+$0xFFFFFFD0]  }
0x27e: {  	v48 =	vperm.xlane v10, v6;
	v49 =	vld [tilespmem:s2+$0x220];
	[tilespmem:s14+$0x180] =	vst v44;
	v18 =	vmul.f32 v36, v43  }
0x27f: {  	v52 =	vperm.xlane v9, v6;
	v51 =	vld [tilespmem:s2+$0x190];
	[tilespmem:s14+$0x60] =	vst v23;
	v17 =	vmul.f32 v40, v46  }
0x280: {  	v50 =	vperm.xlane v16, v6;
	v53 =	vld [tilespmem:s2+$0x70];
	[tilespmem:s14+$0xFFFFFE20] =	vst v18;
	v54 =	vmul.f32 v42, v48  }
0x281: {  	v11 =	vperm.xlane v11, v7;
	v55 =	vld [tilespmem:s2+$0xFFFFFE30];
	[tilespmem:s14+$0xFFFFFF40] =	vst v17;
	v59 =	vmul.f32 v47, v52  }
0x282: {  	v57 =	vperm.xlane v12, v7;
	v56 =	vmul.f32 v45, v50;
	[tilespmem:s14+$0xFFFFFEB0] =	vst v54;
	v58 =	vld [tilespmem:s2+$0xFFFFFF50]  }
0x283: {  	v15 =	vperm.xlane v15, v7;
	v11 =	vmul.f32 v49, v11;
	v60 =	vld [tilespmem:s2+$0xFFFFFEC0];
	[tilespmem:s14+$0xF0] =	vst v59  }
0x284: {  	v14 =	vperm.xlane v14, v7;
	v12 =	vmul.f32 v51, v57;
	[tilespmem:s14+$0xFFFFFFD0] =	vst v56;
	v61 =	vld [tilespmem:s2+$0x100]  }
0x285: {  	v13 =	vperm.xlane v13, v7;
	[tilespmem:s14+$0x220] =	vst v11;
	v11 =	vmul.f32 v53, v15;
	v17 =	vld [tilespmem:s2+$0xFFFFFFE0]  }
0x286: {  	v10 =	vperm.xlane v10, v7;
	[tilespmem:s14+$0x190] =	vst v12;
	v62 =	vmul.f32 v55, v14  }
0x287: {  	v9 =	vperm.xlane v9, v7;
	[tilespmem:s14+$0x70] =	vst v11;
	v11 =	vmul.f32 v58, v13  }
0x288: {  	p0 =	seq.s32 s0, $0x50;
	v63 =	vperm.xlane v16, v7;
	[tilespmem:s14+$0xFFFFFE30] =	vst v62;
	v10 =	vmul.f32 v60, v10  }
.Ltmp6:
0x289: {  	[tilespmem:s14+$0xFFFFFF50] =	vst v11;
	v9 =	vmul.f32 v61, v9;
	(pc) =	sbr.rel @p0 .LBB2_11-.Ltmp6, $4  }
0x28a: {  	s2 =	sshll.u32 s0, $0x7;
	v11 =	vmul.f32 v17, v63;
	[tilespmem:s14+$0xFFFFFEC0] =	vst v10  }
0x28b: {  	s8 =	sand.u32 $0x80, s2;
	[tilespmem:s14+$0x100] =	vst v9  }
0x28c: {  	s8 =	sor.u32 $0x100, s8;
	[tilespmem:s14+$0xFFFFFFE0] =	vst v11  }
0x28d: {  	[spmem:s1] =	stream.indirect.scatter.add.f32 [tilespmem:s29], [sflag:$0x2], $0x90, s8, s24, $0xb8;
	[tilespmem:$0x1FD90] =	vst v63  }
0x28e: {  	s2 =	sadd.s32 $0x80, s2  }
0x28f: {  	s8 =	sadd.s32 s9, s2  }
0x290: {  	s8 =	sshrl.u32 s8, $0x3  }
0x291: {  	s2 =	sand.u32 $0x80, s2;
	s14 =	sadd.s32 s6, s8  }
0x292: {  	[tilespmem:s2], [sflag:$0x3] =	stream.linear.gather [hbm4b:s14+s3], $0x80, $0x38;
	[tilespmem:$0x1FD90] =	vst v63  }
0x293: {  	_ =	swait.ge [sflag:s21], $0x80  }
0x294: {  	[sflag:s21] =	ssyncset.done $0x0  }
0x295: {  	s22 =	sor.u32 $0x100, s2;
	s8 =	sadd.s32 s7, s8;
	[sflag:s21] =	ssyncadd.s32 $0xFFFFFF80  }
0x296: {  	[tilespmem:s22], [sflag:$0x3] =	stream.linear.gather [hbm4b:s8+s3], $0x80, $0x38;
	[tilespmem:$0x1FD90] =	vst v63  }
0x297: {  	_ =	swait.ge [sflag:s21], $0x80  }
.Ltmp7:
0x298: {  	[sflag:s21] =	ssyncset.done $0x0;
	(pc) =	sbr.rel .LBB2_7-.Ltmp7, $4  }
0x299: {  	[sflag:s21] =	ssyncadd.s32 $0xFFFFFF80  }
0x29a: {  	[tilespmem:s25], [sflag:$0x1] =	stream.indirect.gather [hbm4b:s16+s24], $0x90, s2, s24, $0xb8;
	[tilespmem:$0x1FD90] =	vst v63  }
0x29b: {  	s0 =	sadd.s32 $0x1, s0  }
0x29c: {  	[tilespmem:s26], [sflag:$0x1] =	stream.indirect.gather [hbm4b:s17+s24], $0x10, s22, s24, $0xb8;
	[tilespmem:$0x1FD90] =	vst v63  }
.LBB2_12:
0x29d: {  	_ =	sfence.sel $0x180000  }
0x29e: {  	[bflag:$0x0] =	sbarrier.arrive $0xFFFF  }
0x29f: {  	_ =	strace $0x90000047  }
0x2a0: {  	s0 =	stileid.u32;
	[bflag:$0x2] =	sbarrier.arrive $0xFFFF  }
0x2a1: {  	p0 =	sne.s32 s0, $0x0;
	s0 =	rddreg [dreg:$0x3]  }
0x2a2: {  	s0 =	sadd.s32 @!p0 $0x100000, s0  }
0x2a3: {  	[sflag:s0] =	ssyncadd.tile.s32 @!p0 $0x1;
	_ =	shalt  }
.Lfunc_end2:
_tile_overlayer_lowered:
.L_overlay_start_2:
0x2a4: {  	(tag) =	ssettag $0x2  }
0x2a5: {  	s0 =	rddreg [dreg:$0x0];
	s2 =	stileid.u32  }
0x2a6: {  	s1 =	rddreg [dreg:$0x1];
	p0 =	sne.s32 s2, $0x0  }
0x2a7: {  	s3 =	rddreg [dreg:$0x2];
	[bflag:$0x3] =	sbarrier.arrive $0xFFFF;
	s2 =	simm.s32 @!p0 $0x1C03  }
0x2a8: {  	[timem:s3], [sflag:s2] =	dma.local @!p0 [hbm:s0], s1  }
0x2a9: {  	s0 =	simm.s32 @!p0 $0x3  }
0x2aa: {  	_ =	swait.ge @!p0 [sflag:s0], s1  }
0x2ab: {  	s1 =	ssub.s32 @!p0 $0x0, s1;
	[sflag:s0] =	ssyncset.done @!p0 $0x0  }
0x2ac: {  	[sflag:s0] =	ssyncadd.s32 @!p0 s1  }
0x2ad: {  	[bflag:$0x3] =	sbarrier.arrive $0xFFFF  }
0x2ae: {  	_ =	shalt  }

</sc_bundles>
